<compile_context>
chip_gen: v7x
topology: tpu7x:2x2x1
jax: 0.10.2.dev20260603
libtpu: 0.0.44.dev20260713+nightly
codegen_flags: <defaults>
</compile_context>

<pallas_src>
import jax
import jax.numpy as jnp
from jax import lax
from jax.experimental import pallas as pl
from jax.experimental.pallas import tpu as pltpu
from jax.experimental.pallas import tpu_sc as plsc

BATCH = 16384
DIM = 32
VOCAB = 1_000_000

_info = plsc.get_sparse_core_info()
NC, NS, NL = _info.num_cores, _info.num_subcores, _info.num_lanes
NW = NC * NS
BPW = BATCH // NW
RND = 16
NJT = RND // 8
NROUND = BPW // RND


def _body(uid_hbm, iid_hbm, ut_hbm, it_hbm, out_hbm,
          uid_v, iid_v, ubuf_a, ibuf_a, ubuf_b, ibuf_b, out_v, drain_v,
          sem_a, sem_b):
    wid = lax.axis_index("s") * NC + lax.axis_index("c")
    base = wid * BPW

    pltpu.sync_copy(uid_hbm.at[pl.ds(base, BPW)], uid_v)
    pltpu.sync_copy(iid_hbm.at[pl.ds(base, BPW)], iid_v)

    iota = lax.iota(jnp.int32, NL)
    kk16 = (iota & 7) * 16
    jt_lo = iota >> 3

    def fire(g, ubuf, ibuf, sem):
        sl = pl.ds(g * RND, NL)
        uvec = uid_v[sl]
        ivec = iid_v[sl]

        def fk(k, carry):
            kvec = jnp.broadcast_to(k, (NL,)).astype(jnp.int32)
            for vec, tbl, buf in ((uvec, ut_hbm, ubuf), (ivec, it_hbm, ibuf)):
                r = jnp.take_along_axis(vec, kvec, axis=0)[0]
                off = (r // 16) * 16
                pltpu.async_copy(
                    tbl.at[:, :, pl.ds(off, 16)],
                    buf.at[:, k // 8, :, pl.ds((k % 8) * 16, 16)],
                    sem)
            return carry

        lax.fori_loop(0, RND, fk, 0)

    def consume(g, ubuf, ibuf, sem):
        pltpu.make_async_copy(
            ut_hbm.at[:, :, pl.ds(0, 2 * RND * 16)], drain_v, sem).wait()
        sl = pl.ds(g * RND, NL)
        lane_u = kk16 + (uid_v[sl] & 15)
        lane_i = kk16 + (iid_v[sl] & 15)

        def dstep(dq, acc):
            iv = jnp.broadcast_to(dq.astype(jnp.int32), (NL,))
            for dr in range(8):
                sv = jnp.full((NL,), dr, jnp.int32)
                u = plsc.load_gather(ubuf, [iv, jt_lo, sv, lane_u])
                v = plsc.load_gather(ibuf, [iv, jt_lo, sv, lane_i])
                acc = acc + u * v
            return acc

        acc = lax.fori_loop(0, DIM // 8, dstep, jnp.zeros((NL,), jnp.float32))
        out_v[sl] = acc

    fire(0, ubuf_a, ibuf_a, sem_a)

    def step(t, carry):
        fire(2 * t + 1, ubuf_b, ibuf_b, sem_b)
        consume(2 * t, ubuf_a, ibuf_a, sem_a)

        @pl.when(t < NROUND // 2 - 1)
        def _():
            fire(2 * t + 2, ubuf_a, ibuf_a, sem_a)

        consume(2 * t + 1, ubuf_b, ibuf_b, sem_b)
        return carry

    lax.fori_loop(0, NROUND // 2, step, 0)

    pltpu.sync_copy(out_v, out_hbm.at[pl.ds(base, BPW)])


def kernel(user_ids, item_ids, user_table, item_table):
    mesh = plsc.VectorSubcoreMesh(core_axis_name="c", subcore_axis_name="s")
    f = pl.kernel(
        _body,
        mesh=mesh,
        out_type=jax.ShapeDtypeStruct((BATCH,), jnp.float32),
        scratch_types=[
            pltpu.VMEM((BPW,), jnp.int32),
            pltpu.VMEM((BPW,), jnp.int32),
            pltpu.VMEM((4, NJT, 8, 128), jnp.float32),
            pltpu.VMEM((4, NJT, 8, 128), jnp.float32),
            pltpu.VMEM((4, NJT, 8, 128), jnp.float32),
            pltpu.VMEM((4, NJT, 8, 128), jnp.float32),
            pltpu.VMEM((BPW,), jnp.float32),
            pltpu.VMEM((4, 8, 2 * RND * 16), jnp.float32),
            pltpu.SemaphoreType.DMA,
            pltpu.SemaphoreType.DMA,
        ],
        compiler_params=pltpu.CompilerParams(
            needs_layout_passes=False, use_tc_tiling_on_sc=True),
    )
    ut3 = user_table.T.reshape(4, 8, VOCAB)
    it3 = item_table.T.reshape(4, 8, VOCAB)
    return f(user_ids.astype(jnp.int32), item_ids.astype(jnp.int32), ut3, it3)

# --- scband reference (transcript-rebuilt; emitter-appended) ---
"""Pipeline reference for scband-bilinear-net-59038620450906 (READ-ONLY COPY).

The authoritative reference and input builder live on the scoring server;
editing this copy changes nothing except your own understanding.
"""

import jax, jax.numpy as jnp
import numpy as np

NUM_USERS = 1000000
NUM_ITEMS = 1000000
EMBED_DIM = 32
BATCH = 16384

def setup_inputs(seed: int = 0) -> dict:
    key = jax.random.key(seed)
    k1, k2, k3, k4 = jax.random.split(key, 4)
    user_ids = jax.random.randint(k1, (BATCH,), 0, NUM_USERS, dtype=jnp.int64 if jax.config.jax_enable_x64 else jnp.int32)
    item_ids = jax.random.randint(k2, (BATCH,), 0, NUM_ITEMS, dtype=jnp.int64 if jax.config.jax_enable_x64 else jnp.int32)
    user_table = jax.random.uniform(k3, (NUM_USERS, EMBED_DIM), dtype=jnp.float32, minval=-0.01, maxval=0.01)
    item_table = jax.random.uniform(k4, (NUM_ITEMS, EMBED_DIM), dtype=jnp.float32, minval=-0.01, maxval=0.01)
    return {"user_ids": user_ids, "item_ids": item_ids, "user_table": user_table, "item_table": item_table}

def reference(user_ids, item_ids, user_table, item_table):
    user_embedding = jnp.take(user_table, user_ids, axis=0)
    item_embedding = jnp.take(item_table, item_ids, axis=0)
    # squeeze() is a no-op for [B, D] with B,D > 1
    user_embedding = jnp.squeeze(user_embedding)
    item_embedding = jnp.squeeze(item_embedding)
    dot = jnp.sum(user_embedding * item_embedding, axis=1)
    return dot

if __name__ == "__main__":
    import jax
    _d = setup_inputs()
    print(jax.jit(kernel)(*tuple(_d.values())))

</pallas_src>

<mosaic_0001>
#map = affine_map<(d0, d1) -> (0)>
#map1 = affine_map<(d0, d1) -> (0, 0, 0)>
module attributes {stable_mosaic.version = 14 : i64} {
  func.func @_body(%arg0: i32, %arg1: i32, %arg2: memref<16384xi32, #tpu.memory_space<hbm>>, %arg3: memref<16384xi32, #tpu.memory_space<hbm>>, %arg4: memref<4x8x1000000xf32, #tpu.memory_space<hbm>>, %arg5: memref<4x8x1000000xf32, #tpu.memory_space<hbm>>, %arg6: memref<16384xf32, #tpu.memory_space<hbm>>, %arg7: memref<512xi32, #tpu.memory_space<vmem>>, %arg8: memref<512xi32, #tpu.memory_space<vmem>>, %arg9: memref<4x2x8x128xf32, #tpu.memory_space<vmem>>, %arg10: memref<4x2x8x128xf32, #tpu.memory_space<vmem>>, %arg11: memref<4x2x8x128xf32, #tpu.memory_space<vmem>>, %arg12: memref<4x2x8x128xf32, #tpu.memory_space<vmem>>, %arg13: memref<512xf32, #tpu.memory_space<vmem>>, %arg14: memref<4x8x512xf32, #tpu.memory_space<vmem>>, %arg15: memref<!tpu.dma_semaphore, #tpu.memory_space<semaphore_mem>>, %arg16: memref<!tpu.dma_semaphore, #tpu.memory_space<semaphore_mem>>) attributes {dimension_semantics = [#tpu.dimension_semantics<core_parallel>, #tpu.dimension_semantics<subcore_parallel>], iteration_bounds = array<i64: 2, 16>, scalar_prefetch = 0 : i64, scratch_operands = 10 : i64, tpu.core_type = #tpu.core_type<sc_vector_subcore>, window_params = [{transform_indices = #map}, {transform_indices = #map}, {transform_indices = #map1}, {transform_indices = #map1}, {transform_indices = #map}]} {
    %mul3A = arith.constant 2 : i32
    %mul3A_0 = arith.muli %arg1, %mul3A : i32
    %add3A = arith.addi %mul3A_0, %arg0 : i32
    %mul3A_1 = arith.constant 512 : i32
    %mul3A_2 = arith.muli %add3A, %mul3A_1 : i32
    "tpu.region"() ({
      %run_scoped3A = tpu.sem_alloc : memref<!tpu.dma_semaphore, #tpu.memory_space<semaphore_mem>>
      %dma_start3A = tpu.memref_slice %arg2[%mul3A_2] : memref<16384xi32, #tpu.memory_space<hbm>> -> memref<512xi32, #tpu.memory_space<hbm>>
      %dma_start3A_24 = tpu.memref_slice %arg2[%mul3A_2] : memref<16384xi32, #tpu.memory_space<hbm>> -> memref<512xi32, #tpu.memory_space<hbm>>
      tpu.enqueue_dma source(%dma_start3A_24 : memref<512xi32, #tpu.memory_space<hbm>>) target(%arg7 : memref<512xi32, #tpu.memory_space<vmem>>) target_semaphore(%run_scoped3A : memref<!tpu.dma_semaphore, #tpu.memory_space<semaphore_mem>>)
      %dma_wait3A = tpu.memref_slice %arg2[%mul3A_2] : memref<16384xi32, #tpu.memory_space<hbm>> -> memref<512xi32, #tpu.memory_space<hbm>>
      %dma_wait3A_25 = tpu.memref_slice %arg2[%mul3A_2] : memref<16384xi32, #tpu.memory_space<hbm>> -> memref<512xi32, #tpu.memory_space<hbm>>
      tpu.wait_dma2 semaphore(%run_scoped3A : memref<!tpu.dma_semaphore, #tpu.memory_space<semaphore_mem>>) src(%dma_wait3A_25 : memref<512xi32, #tpu.memory_space<hbm>>) dst(%arg7 : memref<512xi32, #tpu.memory_space<vmem>>)
      tpu.yield
    }) : () -> ()
    "tpu.region"() ({
      %run_scoped3A = tpu.sem_alloc : memref<!tpu.dma_semaphore, #tpu.memory_space<semaphore_mem>>
      %dma_start3A = tpu.memref_slice %arg3[%mul3A_2] : memref<16384xi32, #tpu.memory_space<hbm>> -> memref<512xi32, #tpu.memory_space<hbm>>
      %dma_start3A_24 = tpu.memref_slice %arg3[%mul3A_2] : memref<16384xi32, #tpu.memory_space<hbm>> -> memref<512xi32, #tpu.memory_space<hbm>>
      tpu.enqueue_dma source(%dma_start3A_24 : memref<512xi32, #tpu.memory_space<hbm>>) target(%arg8 : memref<512xi32, #tpu.memory_space<vmem>>) target_semaphore(%run_scoped3A : memref<!tpu.dma_semaphore, #tpu.memory_space<semaphore_mem>>)
      %dma_wait3A = tpu.memref_slice %arg3[%mul3A_2] : memref<16384xi32, #tpu.memory_space<hbm>> -> memref<512xi32, #tpu.memory_space<hbm>>
      %dma_wait3A_25 = tpu.memref_slice %arg3[%mul3A_2] : memref<16384xi32, #tpu.memory_space<hbm>> -> memref<512xi32, #tpu.memory_space<hbm>>
      tpu.wait_dma2 semaphore(%run_scoped3A : memref<!tpu.dma_semaphore, #tpu.memory_space<semaphore_mem>>) src(%dma_wait3A_25 : memref<512xi32, #tpu.memory_space<hbm>>) dst(%arg8 : memref<512xi32, #tpu.memory_space<vmem>>)
      tpu.yield
    }) : () -> ()
    %iota3A = tpu.iota {dimensions = array<i32: 0>} : vector<16xi32>
    %and3A = arith.constant 7 : i32
    %and3A_3 = vector.broadcast %and3A : i32 to vector<16xi32>
    %and3A_4 = arith.andi %iota3A, %and3A_3 : vector<16xi32>
    %mul3A_5 = arith.constant 16 : i32
    %mul3A_6 = vector.broadcast %mul3A_5 : i32 to vector<16xi32>
    %mul3A_7 = arith.muli %and3A_4, %mul3A_6 : vector<16xi32>
    %shift_right_arithmetic3A = arith.constant 3 : i32
    %shift_right_arithmetic3A_8 = vector.broadcast %shift_right_arithmetic3A : i32 to vector<16xi32>
    %shift_right_arithmetic3A_9 = arith.shrsi %iota3A, %shift_right_arithmetic3A_8 : vector<16xi32>
    %get3A = arith.constant 0 : index
    %get3A_10 = tpu.vector_load %arg7[%get3A] {strides = array<i32>} : memref<512xi32, #tpu.memory_space<vmem>>, vector<16xi32>,
    %get3A_11 = arith.constant 0 : index
    %get3A_12 = tpu.vector_load %arg8[%get3A_11] {strides = array<i32>} : memref<512xi32, #tpu.memory_space<vmem>>, vector<16xi32>,
    %scan3A = arith.constant 0 : i32
    %scan3A_13 = arith.constant 0 : i32
    %scan3A_14 = arith.constant 16 : i32
    %scan3A_15 = arith.addi %scan3A_13, %scan3A_14 : i32
    %scan3A_16 = arith.constant 1 : i32
    scf.for %scan3A_24 = %scan3A_13 to %scan3A_15 step %scan3A_16  : i32 {
      %broadcast_in_dim3A = vector.broadcast %scan3A_24 : i32 to vector<16xi32>
      %lt3A = arith.constant 0 : i32
      %lt3A_25 = vector.broadcast %lt3A : i32 to vector<16xi32>
      %lt3A_26 = arith.cmpi slt, %broadcast_in_dim3A, %lt3A_25 : vector<16xi32>
      %add3A_27 = arith.constant 16 : i32
      %add3A_28 = vector.broadcast %add3A_27 : i32 to vector<16xi32>
      %add3A_29 = arith.addi %broadcast_in_dim3A, %add3A_28 : vector<16xi32>
      %select_n3A = arith.select %lt3A_26, %add3A_29, %broadcast_in_dim3A : vector<16xi1>, vector<16xi32>
      %reshape3A = vector.shape_cast %select_n3A : vector<16xi32> to vector<16x1xi32>
      %gather3A = vector.shape_cast %reshape3A : vector<16x1xi32> to vector<16xi32>
      %gather3A_30 = tpu.dynamic_gather %get3A_10[%gather3A] in [0] : vector<16xi32>, vector<16xi32> -> vector<16xi32>
      %slice3A = vector.extract_strided_slice %gather3A_30 {offsets = [0], sizes = [1], strides = [1]} : vector<16xi32> to vector<1xi32>
      %squeeze3A = vector.extract %slice3A[0] : i32 from vector<1xi32>
      %jit3A = arith.constant 16 : i32
      %div3A = arith.divsi %squeeze3A, %jit3A : i32
      %sign3A = arith.constant 0 : i32
      %sign3A_31 = arith.cmpi sgt, %squeeze3A, %sign3A : i32
      %sign3A_32 = arith.extui %sign3A_31 : i1 to i32
      %sign3A_33 = arith.constant 0 : i32
      %sign3A_34 = arith.cmpi slt, %squeeze3A, %sign3A_33 : i32
      %sign3A_35 = arith.extui %sign3A_34 : i1 to i32
      %sign3A_36 = arith.subi %sign3A_32, %sign3A_35 : i32
      %sign3A_37 = arith.constant 0 : i32
      %sign3A_38 = arith.cmpi sgt, %jit3A, %sign3A_37 : i32
      %sign3A_39 = arith.extui %sign3A_38 : i1 to i32
      %sign3A_40 = arith.constant 0 : i32
      %sign3A_41 = arith.cmpi slt, %jit3A, %sign3A_40 : i32
      %sign3A_42 = arith.extui %sign3A_41 : i1 to i32
      %sign3A_43 = arith.subi %sign3A_39, %sign3A_42 : i32
      %ne3A = arith.cmpi ne, %sign3A_36, %sign3A_43 : i32
      %rem3A = arith.remsi %squeeze3A, %jit3A : i32
      %ne3A_44 = arith.constant 0 : i32
      %ne3A_45 = arith.cmpi ne, %rem3A, %ne3A_44 : i32
      %and3A_46 = arith.andi %ne3A, %ne3A_45 : i1
      %sub3A = arith.constant 1 : i32
      %sub3A_47 = arith.subi %div3A, %sub3A : i32
      %select_n3A_48 = arith.select %and3A_46, %sub3A_47, %div3A : i32
      %mul3A_49 = arith.constant 16 : i32
      %mul3A_50 = arith.muli %select_n3A_48, %mul3A_49 : i32
      %jit3A_51 = arith.constant 8 : i32
      %div3A_52 = arith.divsi %scan3A_24, %jit3A_51 : i32
      %sign3A_53 = arith.constant 0 : i32
      %sign3A_54 = arith.cmpi sgt, %scan3A_24, %sign3A_53 : i32
      %sign3A_55 = arith.extui %sign3A_54 : i1 to i32
      %sign3A_56 = arith.constant 0 : i32
      %sign3A_57 = arith.cmpi slt, %scan3A_24, %sign3A_56 : i32
      %sign3A_58 = arith.extui %sign3A_57 : i1 to i32
      %sign3A_59 = arith.subi %sign3A_55, %sign3A_58 : i32
      %sign3A_60 = arith.constant 0 : i32
      %sign3A_61 = arith.cmpi sgt, %jit3A_51, %sign3A_60 : i32
      %sign3A_62 = arith.extui %sign3A_61 : i1 to i32
      %sign3A_63 = arith.constant 0 : i32
      %sign3A_64 = arith.cmpi slt, %jit3A_51, %sign3A_63 : i32
      %sign3A_65 = arith.extui %sign3A_64 : i1 to i32
      %sign3A_66 = arith.subi %sign3A_62, %sign3A_65 : i32
      %ne3A_67 = arith.cmpi ne, %sign3A_59, %sign3A_66 : i32
      %rem3A_68 = arith.remsi %scan3A_24, %jit3A_51 : i32
      %ne3A_69 = arith.constant 0 : i32
      %ne3A_70 = arith.cmpi ne, %rem3A_68, %ne3A_69 : i32
      %and3A_71 = arith.andi %ne3A_67, %ne3A_70 : i1
      %sub3A_72 = arith.constant 1 : i32
      %sub3A_73 = arith.subi %div3A_52, %sub3A_72 : i32
      %select_n3A_74 = arith.select %and3A_71, %sub3A_73, %div3A_52 : i32
      %jit3A_75 = arith.constant 8 : i32
      %eq3A = arith.constant 0 : i32
      %eq3A_76 = arith.cmpi eq, %jit3A_75, %eq3A : i32
      %jit3A_77 = arith.constant 1 : i32
      %select_n3A_78 = arith.select %eq3A_76, %jit3A_77, %jit3A_75 : i32
      %rem3A_79 = arith.remsi %scan3A_24, %select_n3A_78 : i32
      %ne3A_80 = arith.constant 0 : i32
      %ne3A_81 = arith.cmpi ne, %rem3A_79, %ne3A_80 : i32
      %lt3A_82 = arith.constant 0 : i32
      %lt3A_83 = arith.cmpi slt, %rem3A_79, %lt3A_82 : i32
      %lt3A_84 = arith.constant 0 : i32
      %lt3A_85 = arith.cmpi slt, %select_n3A_78, %lt3A_84 : i32
      %ne3A_86 = arith.xori %lt3A_83, %lt3A_85 : i1
      %and3A_87 = arith.andi %ne3A_86, %ne3A_81 : i1
      %add3A_88 = arith.addi %rem3A_79, %select_n3A_78 : i32
      %select_n3A_89 = arith.select %and3A_87, %add3A_88, %rem3A_79 : i32
      %mul3A_90 = arith.constant 16 : i32
      %mul3A_91 = arith.muli %select_n3A_89, %mul3A_90 : i32
      %dma_start3A = arith.constant 0 : i32
      %dma_start3A_92 = arith.constant 0 : i32
      %dma_start3A_93 = tpu.memref_slice %arg9[%dma_start3A, %select_n3A_74, %dma_start3A_92, %mul3A_91] : memref<4x2x8x128xf32, #tpu.memory_space<vmem>> -> memref<4x1x8x16xf32, #tpu.memory_space<vmem>>
      %dma_start3A_94 = tpu.memref_squeeze %dma_start3A_93 : memref<4x1x8x16xf32, #tpu.memory_space<vmem>> -> memref<4x8x16xf32, #tpu.memory_space<vmem>>
      %dma_start3A_95 = arith.constant 0 : i32
      %dma_start3A_96 = arith.constant 0 : i32
      %dma_start3A_97 = tpu.memref_slice %arg4[%dma_start3A_95, %dma_start3A_96, %mul3A_50] : memref<4x8x1000000xf32, #tpu.memory_space<hbm>> -> memref<4x8x16xf32, #tpu.memory_space<hbm>>
      %dma_start3A_98 = arith.constant 0 : i32
      %dma_start3A_99 = arith.constant 0 : i32
      %dma_start3A_100 = tpu.memref_slice %arg9[%dma_start3A_98, %select_n3A_74, %dma_start3A_99, %mul3A_91] : memref<4x2x8x128xf32, #tpu.memory_space<vmem>> -> memref<4x1x8x16xf32, #tpu.memory_space<vmem>>
      %dma_start3A_101 = tpu.memref_squeeze %dma_start3A_100 : memref<4x1x8x16xf32, #tpu.memory_space<vmem>> -> memref<4x8x16xf32, #tpu.memory_space<vmem>>
      %dma_start3A_102 = arith.constant 0 : i32
      %dma_start3A_103 = arith.constant 0 : i32
      %dma_start3A_104 = tpu.memref_slice %arg4[%dma_start3A_102, %dma_start3A_103, %mul3A_50] : memref<4x8x1000000xf32, #tpu.memory_space<hbm>> -> memref<4x8x16xf32, #tpu.memory_space<hbm>>
      tpu.enqueue_dma source(%dma_start3A_104 : memref<4x8x16xf32, #tpu.memory_space<hbm>>) target(%dma_start3A_101 : memref<4x8x16xf32, #tpu.memory_space<vmem>>) target_semaphore(%arg15 : memref<!tpu.dma_semaphore, #tpu.memory_space<semaphore_mem>>)
      %lt3A_105 = arith.constant 0 : i32
      %lt3A_106 = vector.broadcast %lt3A_105 : i32 to vector<16xi32>
      %lt3A_107 = arith.cmpi slt, %broadcast_in_dim3A, %lt3A_106 : vector<16xi32>
      %add3A_108 = arith.constant 16 : i32
      %add3A_109 = vector.broadcast %add3A_108 : i32 to vector<16xi32>
      %add3A_110 = arith.addi %broadcast_in_dim3A, %add3A_109 : vector<16xi32>
      %select_n3A_111 = arith.select %lt3A_107, %add3A_110, %broadcast_in_dim3A : vector<16xi1>, vector<16xi32>
      %reshape3A_112 = vector.shape_cast %select_n3A_111 : vector<16xi32> to vector<16x1xi32>
      %gather3A_113 = vector.shape_cast %reshape3A_112 : vector<16x1xi32> to vector<16xi32>
      %gather3A_114 = tpu.dynamic_gather %get3A_12[%gather3A_113] in [0] : vector<16xi32>, vector<16xi32> -> vector<16xi32>
      %slice3A_115 = vector.extract_strided_slice %gather3A_114 {offsets = [0], sizes = [1], strides = [1]} : vector<16xi32> to vector<1xi32>
      %squeeze3A_116 = vector.extract %slice3A_115[0] : i32 from vector<1xi32>
      %jit3A_117 = arith.constant 16 : i32
      %div3A_118 = arith.divsi %squeeze3A_116, %jit3A_117 : i32
      %sign3A_119 = arith.constant 0 : i32
      %sign3A_120 = arith.cmpi sgt, %squeeze3A_116, %sign3A_119 : i32
      %sign3A_121 = arith.extui %sign3A_120 : i1 to i32
      %sign3A_122 = arith.constant 0 : i32
      %sign3A_123 = arith.cmpi slt, %squeeze3A_116, %sign3A_122 : i32
      %sign3A_124 = arith.extui %sign3A_123 : i1 to i32
      %sign3A_125 = arith.subi %sign3A_121, %sign3A_124 : i32
      %sign3A_126 = arith.constant 0 : i32
      %sign3A_127 = arith.cmpi sgt, %jit3A_117, %sign3A_126 : i32
      %sign3A_128 = arith.extui %sign3A_127 : i1 to i32
      %sign3A_129 = arith.constant 0 : i32
      %sign3A_130 = arith.cmpi slt, %jit3A_117, %sign3A_129 : i32
      %sign3A_131 = arith.extui %sign3A_130 : i1 to i32
      %sign3A_132 = arith.subi %sign3A_128, %sign3A_131 : i32
      %ne3A_133 = arith.cmpi ne, %sign3A_125, %sign3A_132 : i32
      %rem3A_134 = arith.remsi %squeeze3A_116, %jit3A_117 : i32
      %ne3A_135 = arith.constant 0 : i32
      %ne3A_136 = arith.cmpi ne, %rem3A_134, %ne3A_135 : i32
      %and3A_137 = arith.andi %ne3A_133, %ne3A_136 : i1
      %sub3A_138 = arith.constant 1 : i32
      %sub3A_139 = arith.subi %div3A_118, %sub3A_138 : i32
      %select_n3A_140 = arith.select %and3A_137, %sub3A_139, %div3A_118 : i32
      %mul3A_141 = arith.constant 16 : i32
      %mul3A_142 = arith.muli %select_n3A_140, %mul3A_141 : i32
      %jit3A_143 = arith.constant 8 : i32
      %div3A_144 = arith.divsi %scan3A_24, %jit3A_143 : i32
      %sign3A_145 = arith.constant 0 : i32
      %sign3A_146 = arith.cmpi sgt, %scan3A_24, %sign3A_145 : i32
      %sign3A_147 = arith.extui %sign3A_146 : i1 to i32
      %sign3A_148 = arith.constant 0 : i32
      %sign3A_149 = arith.cmpi slt, %scan3A_24, %sign3A_148 : i32
      %sign3A_150 = arith.extui %sign3A_149 : i1 to i32
      %sign3A_151 = arith.subi %sign3A_147, %sign3A_150 : i32
      %sign3A_152 = arith.constant 0 : i32
      %sign3A_153 = arith.cmpi sgt, %jit3A_143, %sign3A_152 : i32
      %sign3A_154 = arith.extui %sign3A_153 : i1 to i32
      %sign3A_155 = arith.constant 0 : i32
      %sign3A_156 = arith.cmpi slt, %jit3A_143, %sign3A_155 : i32
      %sign3A_157 = arith.extui %sign3A_156 : i1 to i32
      %sign3A_158 = arith.subi %sign3A_154, %sign3A_157 : i32
      %ne3A_159 = arith.cmpi ne, %sign3A_151, %sign3A_158 : i32
      %rem3A_160 = arith.remsi %scan3A_24, %jit3A_143 : i32
      %ne3A_161 = arith.constant 0 : i32
      %ne3A_162 = arith.cmpi ne, %rem3A_160, %ne3A_161 : i32
      %and3A_163 = arith.andi %ne3A_159, %ne3A_162 : i1
      %sub3A_164 = arith.constant 1 : i32
      %sub3A_165 = arith.subi %div3A_144, %sub3A_164 : i32
      %select_n3A_166 = arith.select %and3A_163, %sub3A_165, %div3A_144 : i32
      %jit3A_167 = arith.constant 8 : i32
      %eq3A_168 = arith.constant 0 : i32
      %eq3A_169 = arith.cmpi eq, %jit3A_167, %eq3A_168 : i32
      %jit3A_170 = arith.constant 1 : i32
      %select_n3A_171 = arith.select %eq3A_169, %jit3A_170, %jit3A_167 : i32
      %rem3A_172 = arith.remsi %scan3A_24, %select_n3A_171 : i32
      %ne3A_173 = arith.constant 0 : i32
      %ne3A_174 = arith.cmpi ne, %rem3A_172, %ne3A_173 : i32
      %lt3A_175 = arith.constant 0 : i32
      %lt3A_176 = arith.cmpi slt, %rem3A_172, %lt3A_175 : i32
      %lt3A_177 = arith.constant 0 : i32
      %lt3A_178 = arith.cmpi slt, %select_n3A_171, %lt3A_177 : i32
      %ne3A_179 = arith.xori %lt3A_176, %lt3A_178 : i1
      %and3A_180 = arith.andi %ne3A_179, %ne3A_174 : i1
      %add3A_181 = arith.addi %rem3A_172, %select_n3A_171 : i32
      %select_n3A_182 = arith.select %and3A_180, %add3A_181, %rem3A_172 : i32
      %mul3A_183 = arith.constant 16 : i32
      %mul3A_184 = arith.muli %select_n3A_182, %mul3A_183 : i32
      %dma_start3A_185 = arith.constant 0 : i32
      %dma_start3A_186 = arith.constant 0 : i32
      %dma_start3A_187 = tpu.memref_slice %arg10[%dma_start3A_185, %select_n3A_166, %dma_start3A_186, %mul3A_184] : memref<4x2x8x128xf32, #tpu.memory_space<vmem>> -> memref<4x1x8x16xf32, #tpu.memory_space<vmem>>
      %dma_start3A_188 = tpu.memref_squeeze %dma_start3A_187 : memref<4x1x8x16xf32, #tpu.memory_space<vmem>> -> memref<4x8x16xf32, #tpu.memory_space<vmem>>
      %dma_start3A_189 = arith.constant 0 : i32
      %dma_start3A_190 = arith.constant 0 : i32
      %dma_start3A_191 = tpu.memref_slice %arg5[%dma_start3A_189, %dma_start3A_190, %mul3A_142] : memref<4x8x1000000xf32, #tpu.memory_space<hbm>> -> memref<4x8x16xf32, #tpu.memory_space<hbm>>
      %dma_start3A_192 = arith.constant 0 : i32
      %dma_start3A_193 = arith.constant 0 : i32
      %dma_start3A_194 = tpu.memref_slice %arg10[%dma_start3A_192, %select_n3A_166, %dma_start3A_193, %mul3A_184] : memref<4x2x8x128xf32, #tpu.memory_space<vmem>> -> memref<4x1x8x16xf32, #tpu.memory_space<vmem>>
      %dma_start3A_195 = tpu.memref_squeeze %dma_start3A_194 : memref<4x1x8x16xf32, #tpu.memory_space<vmem>> -> memref<4x8x16xf32, #tpu.memory_space<vmem>>
      %dma_start3A_196 = arith.constant 0 : i32
      %dma_start3A_197 = arith.constant 0 : i32
      %dma_start3A_198 = tpu.memref_slice %arg5[%dma_start3A_196, %dma_start3A_197, %mul3A_142] : memref<4x8x1000000xf32, #tpu.memory_space<hbm>> -> memref<4x8x16xf32, #tpu.memory_space<hbm>>
      tpu.enqueue_dma source(%dma_start3A_198 : memref<4x8x16xf32, #tpu.memory_space<hbm>>) target(%dma_start3A_195 : memref<4x8x16xf32, #tpu.memory_space<vmem>>) target_semaphore(%arg15 : memref<!tpu.dma_semaphore, #tpu.memory_space<semaphore_mem>>)
    }
    %scan3A_17 = arith.constant 16 : i32
    %scan3A_18 = arith.constant 0 : i32
    %scan3A_19 = arith.constant 0 : i32
    %scan3A_20 = arith.constant 16 : i32
    %scan3A_21 = arith.addi %scan3A_19, %scan3A_20 : i32
    %scan3A_22 = arith.constant 1 : i32
    scf.for %scan3A_24 = %scan3A_19 to %scan3A_21 step %scan3A_22  : i32 {
      %mul3A_25 = arith.constant 2 : i32
      %mul3A_26 = arith.muli %mul3A_25, %scan3A_24 : i32
      %add3A_27 = arith.constant 1 : i32
      %add3A_28 = arith.addi %mul3A_26, %add3A_27 : i32
      %mul3A_29 = arith.constant 16 : i32
      %mul3A_30 = arith.muli %add3A_28, %mul3A_29 : i32
      %get3A_31 = arith.index_cast %mul3A_30 : i32 to index
      %get3A_32 = tpu.vector_load %arg7[%get3A_31] {strides = array<i32>} : memref<512xi32, #tpu.memory_space<vmem>>, vector<16xi32>,
      %get3A_33 = arith.index_cast %mul3A_30 : i32 to index
      %get3A_34 = tpu.vector_load %arg8[%get3A_33] {strides = array<i32>} : memref<512xi32, #tpu.memory_space<vmem>>, vector<16xi32>,
      %scan3A_35 = arith.constant 0 : i32
      %scan3A_36 = arith.constant 0 : i32
      %scan3A_37 = arith.constant 16 : i32
      %scan3A_38 = arith.addi %scan3A_36, %scan3A_37 : i32
      %scan3A_39 = arith.constant 1 : i32
      scf.for %scan3A_110 = %scan3A_36 to %scan3A_38 step %scan3A_39  : i32 {
        %broadcast_in_dim3A_111 = vector.broadcast %scan3A_110 : i32 to vector<16xi32>
        %lt3A_112 = arith.constant 0 : i32
        %lt3A_113 = vector.broadcast %lt3A_112 : i32 to vector<16xi32>
        %lt3A_114 = arith.cmpi slt, %broadcast_in_dim3A_111, %lt3A_113 : vector<16xi32>
        %add3A_115 = arith.constant 16 : i32
        %add3A_116 = vector.broadcast %add3A_115 : i32 to vector<16xi32>
        %add3A_117 = arith.addi %broadcast_in_dim3A_111, %add3A_116 : vector<16xi32>
        %select_n3A = arith.select %lt3A_114, %add3A_117, %broadcast_in_dim3A_111 : vector<16xi1>, vector<16xi32>
        %reshape3A = vector.shape_cast %select_n3A : vector<16xi32> to vector<16x1xi32>
        %gather3A = vector.shape_cast %reshape3A : vector<16x1xi32> to vector<16xi32>
        %gather3A_118 = tpu.dynamic_gather %get3A_32[%gather3A] in [0] : vector<16xi32>, vector<16xi32> -> vector<16xi32>
        %slice3A = vector.extract_strided_slice %gather3A_118 {offsets = [0], sizes = [1], strides = [1]} : vector<16xi32> to vector<1xi32>
        %squeeze3A = vector.extract %slice3A[0] : i32 from vector<1xi32>
        %jit3A = arith.constant 16 : i32
        %div3A = arith.divsi %squeeze3A, %jit3A : i32
        %sign3A = arith.constant 0 : i32
        %sign3A_119 = arith.cmpi sgt, %squeeze3A, %sign3A : i32
        %sign3A_120 = arith.extui %sign3A_119 : i1 to i32
        %sign3A_121 = arith.constant 0 : i32
        %sign3A_122 = arith.cmpi slt, %squeeze3A, %sign3A_121 : i32
        %sign3A_123 = arith.extui %sign3A_122 : i1 to i32
        %sign3A_124 = arith.subi %sign3A_120, %sign3A_123 : i32
        %sign3A_125 = arith.constant 0 : i32
        %sign3A_126 = arith.cmpi sgt, %jit3A, %sign3A_125 : i32
        %sign3A_127 = arith.extui %sign3A_126 : i1 to i32
        %sign3A_128 = arith.constant 0 : i32
        %sign3A_129 = arith.cmpi slt, %jit3A, %sign3A_128 : i32
        %sign3A_130 = arith.extui %sign3A_129 : i1 to i32
        %sign3A_131 = arith.subi %sign3A_127, %sign3A_130 : i32
        %ne3A = arith.cmpi ne, %sign3A_124, %sign3A_131 : i32
        %rem3A = arith.remsi %squeeze3A, %jit3A : i32
        %ne3A_132 = arith.constant 0 : i32
        %ne3A_133 = arith.cmpi ne, %rem3A, %ne3A_132 : i32
        %and3A_134 = arith.andi %ne3A, %ne3A_133 : i1
        %sub3A = arith.constant 1 : i32
        %sub3A_135 = arith.subi %div3A, %sub3A : i32
        %select_n3A_136 = arith.select %and3A_134, %sub3A_135, %div3A : i32
        %mul3A_137 = arith.constant 16 : i32
        %mul3A_138 = arith.muli %select_n3A_136, %mul3A_137 : i32
        %jit3A_139 = arith.constant 8 : i32
        %div3A_140 = arith.divsi %scan3A_110, %jit3A_139 : i32
        %sign3A_141 = arith.constant 0 : i32
        %sign3A_142 = arith.cmpi sgt, %scan3A_110, %sign3A_141 : i32
        %sign3A_143 = arith.extui %sign3A_142 : i1 to i32
        %sign3A_144 = arith.constant 0 : i32
        %sign3A_145 = arith.cmpi slt, %scan3A_110, %sign3A_144 : i32
        %sign3A_146 = arith.extui %sign3A_145 : i1 to i32
        %sign3A_147 = arith.subi %sign3A_143, %sign3A_146 : i32
        %sign3A_148 = arith.constant 0 : i32
        %sign3A_149 = arith.cmpi sgt, %jit3A_139, %sign3A_148 : i32
        %sign3A_150 = arith.extui %sign3A_149 : i1 to i32
        %sign3A_151 = arith.constant 0 : i32
        %sign3A_152 = arith.cmpi slt, %jit3A_139, %sign3A_151 : i32
        %sign3A_153 = arith.extui %sign3A_152 : i1 to i32
        %sign3A_154 = arith.subi %sign3A_150, %sign3A_153 : i32
        %ne3A_155 = arith.cmpi ne, %sign3A_147, %sign3A_154 : i32
        %rem3A_156 = arith.remsi %scan3A_110, %jit3A_139 : i32
        %ne3A_157 = arith.constant 0 : i32
        %ne3A_158 = arith.cmpi ne, %rem3A_156, %ne3A_157 : i32
        %and3A_159 = arith.andi %ne3A_155, %ne3A_158 : i1
        %sub3A_160 = arith.constant 1 : i32
        %sub3A_161 = arith.subi %div3A_140, %sub3A_160 : i32
        %select_n3A_162 = arith.select %and3A_159, %sub3A_161, %div3A_140 : i32
        %jit3A_163 = arith.constant 8 : i32
        %eq3A = arith.constant 0 : i32
        %eq3A_164 = arith.cmpi eq, %jit3A_163, %eq3A : i32
        %jit3A_165 = arith.constant 1 : i32
        %select_n3A_166 = arith.select %eq3A_164, %jit3A_165, %jit3A_163 : i32
        %rem3A_167 = arith.remsi %scan3A_110, %select_n3A_166 : i32
        %ne3A_168 = arith.constant 0 : i32
        %ne3A_169 = arith.cmpi ne, %rem3A_167, %ne3A_168 : i32
        %lt3A_170 = arith.constant 0 : i32
        %lt3A_171 = arith.cmpi slt, %rem3A_167, %lt3A_170 : i32
        %lt3A_172 = arith.constant 0 : i32
        %lt3A_173 = arith.cmpi slt, %select_n3A_166, %lt3A_172 : i32
        %ne3A_174 = arith.xori %lt3A_171, %lt3A_173 : i1
        %and3A_175 = arith.andi %ne3A_174, %ne3A_169 : i1
        %add3A_176 = arith.addi %rem3A_167, %select_n3A_166 : i32
        %select_n3A_177 = arith.select %and3A_175, %add3A_176, %rem3A_167 : i32
        %mul3A_178 = arith.constant 16 : i32
        %mul3A_179 = arith.muli %select_n3A_177, %mul3A_178 : i32
        %dma_start3A = arith.constant 0 : i32
        %dma_start3A_180 = arith.constant 0 : i32
        %dma_start3A_181 = tpu.memref_slice %arg11[%dma_start3A, %select_n3A_162, %dma_start3A_180, %mul3A_179] : memref<4x2x8x128xf32, #tpu.memory_space<vmem>> -> memref<4x1x8x16xf32, #tpu.memory_space<vmem>>
        %dma_start3A_182 = tpu.memref_squeeze %dma_start3A_181 : memref<4x1x8x16xf32, #tpu.memory_space<vmem>> -> memref<4x8x16xf32, #tpu.memory_space<vmem>>
        %dma_start3A_183 = arith.constant 0 : i32
        %dma_start3A_184 = arith.constant 0 : i32
        %dma_start3A_185 = tpu.memref_slice %arg4[%dma_start3A_183, %dma_start3A_184, %mul3A_138] : memref<4x8x1000000xf32, #tpu.memory_space<hbm>> -> memref<4x8x16xf32, #tpu.memory_space<hbm>>
        %dma_start3A_186 = arith.constant 0 : i32
        %dma_start3A_187 = arith.constant 0 : i32
        %dma_start3A_188 = tpu.memref_slice %arg11[%dma_start3A_186, %select_n3A_162, %dma_start3A_187, %mul3A_179] : memref<4x2x8x128xf32, #tpu.memory_space<vmem>> -> memref<4x1x8x16xf32, #tpu.memory_space<vmem>>
        %dma_start3A_189 = tpu.memref_squeeze %dma_start3A_188 : memref<4x1x8x16xf32, #tpu.memory_space<vmem>> -> memref<4x8x16xf32, #tpu.memory_space<vmem>>
        %dma_start3A_190 = arith.constant 0 : i32
        %dma_start3A_191 = arith.constant 0 : i32
        %dma_start3A_192 = tpu.memref_slice %arg4[%dma_start3A_190, %dma_start3A_191, %mul3A_138] : memref<4x8x1000000xf32, #tpu.memory_space<hbm>> -> memref<4x8x16xf32, #tpu.memory_space<hbm>>
        tpu.enqueue_dma source(%dma_start3A_192 : memref<4x8x16xf32, #tpu.memory_space<hbm>>) target(%dma_start3A_189 : memref<4x8x16xf32, #tpu.memory_space<vmem>>) target_semaphore(%arg16 : memref<!tpu.dma_semaphore, #tpu.memory_space<semaphore_mem>>)
        %lt3A_193 = arith.constant 0 : i32
        %lt3A_194 = vector.broadcast %lt3A_193 : i32 to vector<16xi32>
        %lt3A_195 = arith.cmpi slt, %broadcast_in_dim3A_111, %lt3A_194 : vector<16xi32>
        %add3A_196 = arith.constant 16 : i32
        %add3A_197 = vector.broadcast %add3A_196 : i32 to vector<16xi32>
        %add3A_198 = arith.addi %broadcast_in_dim3A_111, %add3A_197 : vector<16xi32>
        %select_n3A_199 = arith.select %lt3A_195, %add3A_198, %broadcast_in_dim3A_111 : vector<16xi1>, vector<16xi32>
        %reshape3A_200 = vector.shape_cast %select_n3A_199 : vector<16xi32> to vector<16x1xi32>
        %gather3A_201 = vector.shape_cast %reshape3A_200 : vector<16x1xi32> to vector<16xi32>
        %gather3A_202 = tpu.dynamic_gather %get3A_34[%gather3A_201] in [0] : vector<16xi32>, vector<16xi32> -> vector<16xi32>
        %slice3A_203 = vector.extract_strided_slice %gather3A_202 {offsets = [0], sizes = [1], strides = [1]} : vector<16xi32> to vector<1xi32>
        %squeeze3A_204 = vector.extract %slice3A_203[0] : i32 from vector<1xi32>
        %jit3A_205 = arith.constant 16 : i32
        %div3A_206 = arith.divsi %squeeze3A_204, %jit3A_205 : i32
        %sign3A_207 = arith.constant 0 : i32
        %sign3A_208 = arith.cmpi sgt, %squeeze3A_204, %sign3A_207 : i32
        %sign3A_209 = arith.extui %sign3A_208 : i1 to i32
        %sign3A_210 = arith.constant 0 : i32
        %sign3A_211 = arith.cmpi slt, %squeeze3A_204, %sign3A_210 : i32
        %sign3A_212 = arith.extui %sign3A_211 : i1 to i32
        %sign3A_213 = arith.subi %sign3A_209, %sign3A_212 : i32
        %sign3A_214 = arith.constant 0 : i32
        %sign3A_215 = arith.cmpi sgt, %jit3A_205, %sign3A_214 : i32
        %sign3A_216 = arith.extui %sign3A_215 : i1 to i32
        %sign3A_217 = arith.constant 0 : i32
        %sign3A_218 = arith.cmpi slt, %jit3A_205, %sign3A_217 : i32
        %sign3A_219 = arith.extui %sign3A_218 : i1 to i32
        %sign3A_220 = arith.subi %sign3A_216, %sign3A_219 : i32
        %ne3A_221 = arith.cmpi ne, %sign3A_213, %sign3A_220 : i32
        %rem3A_222 = arith.remsi %squeeze3A_204, %jit3A_205 : i32
        %ne3A_223 = arith.constant 0 : i32
        %ne3A_224 = arith.cmpi ne, %rem3A_222, %ne3A_223 : i32
        %and3A_225 = arith.andi %ne3A_221, %ne3A_224 : i1
        %sub3A_226 = arith.constant 1 : i32
        %sub3A_227 = arith.subi %div3A_206, %sub3A_226 : i32
        %select_n3A_228 = arith.select %and3A_225, %sub3A_227, %div3A_206 : i32
        %mul3A_229 = arith.constant 16 : i32
        %mul3A_230 = arith.muli %select_n3A_228, %mul3A_229 : i32
        %jit3A_231 = arith.constant 8 : i32
        %div3A_232 = arith.divsi %scan3A_110, %jit3A_231 : i32
        %sign3A_233 = arith.constant 0 : i32
        %sign3A_234 = arith.cmpi sgt, %scan3A_110, %sign3A_233 : i32
        %sign3A_235 = arith.extui %sign3A_234 : i1 to i32
        %sign3A_236 = arith.constant 0 : i32
        %sign3A_237 = arith.cmpi slt, %scan3A_110, %sign3A_236 : i32
        %sign3A_238 = arith.extui %sign3A_237 : i1 to i32
        %sign3A_239 = arith.subi %sign3A_235, %sign3A_238 : i32
        %sign3A_240 = arith.constant 0 : i32
        %sign3A_241 = arith.cmpi sgt, %jit3A_231, %sign3A_240 : i32
        %sign3A_242 = arith.extui %sign3A_241 : i1 to i32
        %sign3A_243 = arith.constant 0 : i32
        %sign3A_244 = arith.cmpi slt, %jit3A_231, %sign3A_243 : i32
        %sign3A_245 = arith.extui %sign3A_244 : i1 to i32
        %sign3A_246 = arith.subi %sign3A_242, %sign3A_245 : i32
        %ne3A_247 = arith.cmpi ne, %sign3A_239, %sign3A_246 : i32
        %rem3A_248 = arith.remsi %scan3A_110, %jit3A_231 : i32
        %ne3A_249 = arith.constant 0 : i32
        %ne3A_250 = arith.cmpi ne, %rem3A_248, %ne3A_249 : i32
        %and3A_251 = arith.andi %ne3A_247, %ne3A_250 : i1
        %sub3A_252 = arith.constant 1 : i32
        %sub3A_253 = arith.subi %div3A_232, %sub3A_252 : i32
        %select_n3A_254 = arith.select %and3A_251, %sub3A_253, %div3A_232 : i32
        %jit3A_255 = arith.constant 8 : i32
        %eq3A_256 = arith.constant 0 : i32
        %eq3A_257 = arith.cmpi eq, %jit3A_255, %eq3A_256 : i32
        %jit3A_258 = arith.constant 1 : i32
        %select_n3A_259 = arith.select %eq3A_257, %jit3A_258, %jit3A_255 : i32
        %rem3A_260 = arith.remsi %scan3A_110, %select_n3A_259 : i32
        %ne3A_261 = arith.constant 0 : i32
        %ne3A_262 = arith.cmpi ne, %rem3A_260, %ne3A_261 : i32
        %lt3A_263 = arith.constant 0 : i32
        %lt3A_264 = arith.cmpi slt, %rem3A_260, %lt3A_263 : i32
        %lt3A_265 = arith.constant 0 : i32
        %lt3A_266 = arith.cmpi slt, %select_n3A_259, %lt3A_265 : i32
        %ne3A_267 = arith.xori %lt3A_264, %lt3A_266 : i1
        %and3A_268 = arith.andi %ne3A_267, %ne3A_262 : i1
        %add3A_269 = arith.addi %rem3A_260, %select_n3A_259 : i32
        %select_n3A_270 = arith.select %and3A_268, %add3A_269, %rem3A_260 : i32
        %mul3A_271 = arith.constant 16 : i32
        %mul3A_272 = arith.muli %select_n3A_270, %mul3A_271 : i32
        %dma_start3A_273 = arith.constant 0 : i32
        %dma_start3A_274 = arith.constant 0 : i32
        %dma_start3A_275 = tpu.memref_slice %arg12[%dma_start3A_273, %select_n3A_254, %dma_start3A_274, %mul3A_272] : memref<4x2x8x128xf32, #tpu.memory_space<vmem>> -> memref<4x1x8x16xf32, #tpu.memory_space<vmem>>
        %dma_start3A_276 = tpu.memref_squeeze %dma_start3A_275 : memref<4x1x8x16xf32, #tpu.memory_space<vmem>> -> memref<4x8x16xf32, #tpu.memory_space<vmem>>
        %dma_start3A_277 = arith.constant 0 : i32
        %dma_start3A_278 = arith.constant 0 : i32
        %dma_start3A_279 = tpu.memref_slice %arg5[%dma_start3A_277, %dma_start3A_278, %mul3A_230] : memref<4x8x1000000xf32, #tpu.memory_space<hbm>> -> memref<4x8x16xf32, #tpu.memory_space<hbm>>
        %dma_start3A_280 = arith.constant 0 : i32
        %dma_start3A_281 = arith.constant 0 : i32
        %dma_start3A_282 = tpu.memref_slice %arg12[%dma_start3A_280, %select_n3A_254, %dma_start3A_281, %mul3A_272] : memref<4x2x8x128xf32, #tpu.memory_space<vmem>> -> memref<4x1x8x16xf32, #tpu.memory_space<vmem>>
        %dma_start3A_283 = tpu.memref_squeeze %dma_start3A_282 : memref<4x1x8x16xf32, #tpu.memory_space<vmem>> -> memref<4x8x16xf32, #tpu.memory_space<vmem>>
        %dma_start3A_284 = arith.constant 0 : i32
        %dma_start3A_285 = arith.constant 0 : i32
        %dma_start3A_286 = tpu.memref_slice %arg5[%dma_start3A_284, %dma_start3A_285, %mul3A_230] : memref<4x8x1000000xf32, #tpu.memory_space<hbm>> -> memref<4x8x16xf32, #tpu.memory_space<hbm>>
        tpu.enqueue_dma source(%dma_start3A_286 : memref<4x8x16xf32, #tpu.memory_space<hbm>>) target(%dma_start3A_283 : memref<4x8x16xf32, #tpu.memory_space<vmem>>) target_semaphore(%arg16 : memref<!tpu.dma_semaphore, #tpu.memory_space<semaphore_mem>>)
      }
      %scan3A_40 = arith.constant 16 : i32
      %mul3A_41 = arith.constant 2 : i32
      %mul3A_42 = arith.muli %mul3A_41, %scan3A_24 : i32
      %dma_wait3A = arith.constant 0 : i32
      %dma_wait3A_43 = arith.constant 0 : i32
      %dma_wait3A_44 = arith.constant 0 : i32
      %dma_wait3A_45 = tpu.memref_slice %arg4[%dma_wait3A, %dma_wait3A_43, %dma_wait3A_44] : memref<4x8x1000000xf32, #tpu.memory_space<hbm>> -> memref<4x8x512xf32, #tpu.memory_space<hbm>>
      %dma_wait3A_46 = arith.constant 0 : i32
      %dma_wait3A_47 = arith.constant 0 : i32
      %dma_wait3A_48 = arith.constant 0 : i32
      %dma_wait3A_49 = tpu.memref_slice %arg4[%dma_wait3A_46, %dma_wait3A_47, %dma_wait3A_48] : memref<4x8x1000000xf32, #tpu.memory_space<hbm>> -> memref<4x8x512xf32, #tpu.memory_space<hbm>>
      tpu.wait_dma2 semaphore(%arg15 : memref<!tpu.dma_semaphore, #tpu.memory_space<semaphore_mem>>) src(%dma_wait3A_49 : memref<4x8x512xf32, #tpu.memory_space<hbm>>) dst(%arg14 : memref<4x8x512xf32, #tpu.memory_space<vmem>>)
      %mul3A_50 = arith.constant 16 : i32
      %mul3A_51 = arith.muli %mul3A_42, %mul3A_50 : i32
      %get3A_52 = arith.index_cast %mul3A_51 : i32 to index
      %get3A_53 = tpu.vector_load %arg7[%get3A_52] {strides = array<i32>} : memref<512xi32, #tpu.memory_space<vmem>>, vector<16xi32>,
      %and3A_54 = arith.constant 15 : i32
      %and3A_55 = vector.broadcast %and3A_54 : i32 to vector<16xi32>
      %and3A_56 = arith.andi %get3A_53, %and3A_55 : vector<16xi32>
      %add3A_57 = arith.addi %mul3A_7, %and3A_56 : vector<16xi32>
      %get3A_58 = arith.index_cast %mul3A_51 : i32 to index
      %get3A_59 = tpu.vector_load %arg8[%get3A_58] {strides = array<i32>} : memref<512xi32, #tpu.memory_space<vmem>>, vector<16xi32>,
      %and3A_60 = arith.constant 15 : i32
      %and3A_61 = vector.broadcast %and3A_60 : i32 to vector<16xi32>
      %and3A_62 = arith.andi %get3A_59, %and3A_61 : vector<16xi32>
      %add3A_63 = arith.addi %mul3A_7, %and3A_62 : vector<16xi32>
      %broadcast_in_dim3A = arith.constant 0.000000e+00 : f32
      %broadcast_in_dim3A_64 = vector.broadcast %broadcast_in_dim3A : f32 to vector<16xf32>
      %scan3A_65 = arith.constant 0 : i32
      %scan3A_66 = arith.constant 4 : i32
      %scan3A_67 = arith.addi %scan3A_65, %scan3A_66 : i32
      %scan3A_68 = arith.constant 1 : i32
      %scan3A_69 = scf.for %scan3A_110 = %scan3A_65 to %scan3A_67 step %scan3A_68 iter_args(%scan3A_111 = %broadcast_in_dim3A_64) -> (vector<16xf32>)  : i32 {
        %broadcast_in_dim3A_112 = vector.broadcast %scan3A_110 : i32 to vector<16xi32>
        %broadcast_in_dim3A_113 = arith.constant 0 : i32
        %broadcast_in_dim3A_114 = vector.broadcast %broadcast_in_dim3A_113 : i32 to vector<16xi32>
        %gather3A = tpu.vector_load_idx %arg9[%broadcast_in_dim3A_112, %shift_right_arithmetic3A_9, %broadcast_in_dim3A_114, %add3A_57] : memref<4x2x8x128xf32, #tpu.memory_space<vmem>>[vector<16xi32>, vector<16xi32>, vector<16xi32>, vector<16xi32>], vector<16xf32>,
        %gather3A_115 = tpu.vector_load_idx %arg10[%broadcast_in_dim3A_112, %shift_right_arithmetic3A_9, %broadcast_in_dim3A_114, %add3A_63] : memref<4x2x8x128xf32, #tpu.memory_space<vmem>>[vector<16xi32>, vector<16xi32>, vector<16xi32>, vector<16xi32>], vector<16xf32>,
        %mul3A_116 = arith.mulf %gather3A, %gather3A_115 : vector<16xf32>
        %add3A_117 = arith.addf %scan3A_111, %mul3A_116 : vector<16xf32>
        %broadcast_in_dim3A_118 = arith.constant 1 : i32
        %broadcast_in_dim3A_119 = vector.broadcast %broadcast_in_dim3A_118 : i32 to vector<16xi32>
        %gather3A_120 = tpu.vector_load_idx %arg9[%broadcast_in_dim3A_112, %shift_right_arithmetic3A_9, %broadcast_in_dim3A_119, %add3A_57] : memref<4x2x8x128xf32, #tpu.memory_space<vmem>>[vector<16xi32>, vector<16xi32>, vector<16xi32>, vector<16xi32>], vector<16xf32>,
        %gather3A_121 = tpu.vector_load_idx %arg10[%broadcast_in_dim3A_112, %shift_right_arithmetic3A_9, %broadcast_in_dim3A_119, %add3A_63] : memref<4x2x8x128xf32, #tpu.memory_space<vmem>>[vector<16xi32>, vector<16xi32>, vector<16xi32>, vector<16xi32>], vector<16xf32>,
        %mul3A_122 = arith.mulf %gather3A_120, %gather3A_121 : vector<16xf32>
        %add3A_123 = arith.addf %add3A_117, %mul3A_122 : vector<16xf32>
        %broadcast_in_dim3A_124 = arith.constant 2 : i32
        %broadcast_in_dim3A_125 = vector.broadcast %broadcast_in_dim3A_124 : i32 to vector<16xi32>
        %gather3A_126 = tpu.vector_load_idx %arg9[%broadcast_in_dim3A_112, %shift_right_arithmetic3A_9, %broadcast_in_dim3A_125, %add3A_57] : memref<4x2x8x128xf32, #tpu.memory_space<vmem>>[vector<16xi32>, vector<16xi32>, vector<16xi32>, vector<16xi32>], vector<16xf32>,
        %gather3A_127 = tpu.vector_load_idx %arg10[%broadcast_in_dim3A_112, %shift_right_arithmetic3A_9, %broadcast_in_dim3A_125, %add3A_63] : memref<4x2x8x128xf32, #tpu.memory_space<vmem>>[vector<16xi32>, vector<16xi32>, vector<16xi32>, vector<16xi32>], vector<16xf32>,
        %mul3A_128 = arith.mulf %gather3A_126, %gather3A_127 : vector<16xf32>
        %add3A_129 = arith.addf %add3A_123, %mul3A_128 : vector<16xf32>
        %broadcast_in_dim3A_130 = arith.constant 3 : i32
        %broadcast_in_dim3A_131 = vector.broadcast %broadcast_in_dim3A_130 : i32 to vector<16xi32>
        %gather3A_132 = tpu.vector_load_idx %arg9[%broadcast_in_dim3A_112, %shift_right_arithmetic3A_9, %broadcast_in_dim3A_131, %add3A_57] : memref<4x2x8x128xf32, #tpu.memory_space<vmem>>[vector<16xi32>, vector<16xi32>, vector<16xi32>, vector<16xi32>], vector<16xf32>,
        %gather3A_133 = tpu.vector_load_idx %arg10[%broadcast_in_dim3A_112, %shift_right_arithmetic3A_9, %broadcast_in_dim3A_131, %add3A_63] : memref<4x2x8x128xf32, #tpu.memory_space<vmem>>[vector<16xi32>, vector<16xi32>, vector<16xi32>, vector<16xi32>], vector<16xf32>,
        %mul3A_134 = arith.mulf %gather3A_132, %gather3A_133 : vector<16xf32>
        %add3A_135 = arith.addf %add3A_129, %mul3A_134 : vector<16xf32>
        %broadcast_in_dim3A_136 = arith.constant 4 : i32
        %broadcast_in_dim3A_137 = vector.broadcast %broadcast_in_dim3A_136 : i32 to vector<16xi32>
        %gather3A_138 = tpu.vector_load_idx %arg9[%broadcast_in_dim3A_112, %shift_right_arithmetic3A_9, %broadcast_in_dim3A_137, %add3A_57] : memref<4x2x8x128xf32, #tpu.memory_space<vmem>>[vector<16xi32>, vector<16xi32>, vector<16xi32>, vector<16xi32>], vector<16xf32>,
        %gather3A_139 = tpu.vector_load_idx %arg10[%broadcast_in_dim3A_112, %shift_right_arithmetic3A_9, %broadcast_in_dim3A_137, %add3A_63] : memref<4x2x8x128xf32, #tpu.memory_space<vmem>>[vector<16xi32>, vector<16xi32>, vector<16xi32>, vector<16xi32>], vector<16xf32>,
        %mul3A_140 = arith.mulf %gather3A_138, %gather3A_139 : vector<16xf32>
        %add3A_141 = arith.addf %add3A_135, %mul3A_140 : vector<16xf32>
        %broadcast_in_dim3A_142 = arith.constant 5 : i32
        %broadcast_in_dim3A_143 = vector.broadcast %broadcast_in_dim3A_142 : i32 to vector<16xi32>
        %gather3A_144 = tpu.vector_load_idx %arg9[%broadcast_in_dim3A_112, %shift_right_arithmetic3A_9, %broadcast_in_dim3A_143, %add3A_57] : memref<4x2x8x128xf32, #tpu.memory_space<vmem>>[vector<16xi32>, vector<16xi32>, vector<16xi32>, vector<16xi32>], vector<16xf32>,
        %gather3A_145 = tpu.vector_load_idx %arg10[%broadcast_in_dim3A_112, %shift_right_arithmetic3A_9, %broadcast_in_dim3A_143, %add3A_63] : memref<4x2x8x128xf32, #tpu.memory_space<vmem>>[vector<16xi32>, vector<16xi32>, vector<16xi32>, vector<16xi32>], vector<16xf32>,
        %mul3A_146 = arith.mulf %gather3A_144, %gather3A_145 : vector<16xf32>
        %add3A_147 = arith.addf %add3A_141, %mul3A_146 : vector<16xf32>
        %broadcast_in_dim3A_148 = arith.constant 6 : i32
        %broadcast_in_dim3A_149 = vector.broadcast %broadcast_in_dim3A_148 : i32 to vector<16xi32>
        %gather3A_150 = tpu.vector_load_idx %arg9[%broadcast_in_dim3A_112, %shift_right_arithmetic3A_9, %broadcast_in_dim3A_149, %add3A_57] : memref<4x2x8x128xf32, #tpu.memory_space<vmem>>[vector<16xi32>, vector<16xi32>, vector<16xi32>, vector<16xi32>], vector<16xf32>,
        %gather3A_151 = tpu.vector_load_idx %arg10[%broadcast_in_dim3A_112, %shift_right_arithmetic3A_9, %broadcast_in_dim3A_149, %add3A_63] : memref<4x2x8x128xf32, #tpu.memory_space<vmem>>[vector<16xi32>, vector<16xi32>, vector<16xi32>, vector<16xi32>], vector<16xf32>,
        %mul3A_152 = arith.mulf %gather3A_150, %gather3A_151 : vector<16xf32>
        %add3A_153 = arith.addf %add3A_147, %mul3A_152 : vector<16xf32>
        %broadcast_in_dim3A_154 = arith.constant 7 : i32
        %broadcast_in_dim3A_155 = vector.broadcast %broadcast_in_dim3A_154 : i32 to vector<16xi32>
        %gather3A_156 = tpu.vector_load_idx %arg9[%broadcast_in_dim3A_112, %shift_right_arithmetic3A_9, %broadcast_in_dim3A_155, %add3A_57] : memref<4x2x8x128xf32, #tpu.memory_space<vmem>>[vector<16xi32>, vector<16xi32>, vector<16xi32>, vector<16xi32>], vector<16xf32>,
        %gather3A_157 = tpu.vector_load_idx %arg10[%broadcast_in_dim3A_112, %shift_right_arithmetic3A_9, %broadcast_in_dim3A_155, %add3A_63] : memref<4x2x8x128xf32, #tpu.memory_space<vmem>>[vector<16xi32>, vector<16xi32>, vector<16xi32>, vector<16xi32>], vector<16xf32>,
        %mul3A_158 = arith.mulf %gather3A_156, %gather3A_157 : vector<16xf32>
        %add3A_159 = arith.addf %add3A_153, %mul3A_158 : vector<16xf32>
        scf.yield %add3A_159 : vector<16xf32>
      }
      %scan3A_70 = arith.constant 4 : i32
      %swap3A = arith.index_cast %mul3A_51 : i32 to index
      %swap3A_71 = tpu.vector_load %arg13[%swap3A] {strides = array<i32>} : memref<512xf32, #tpu.memory_space<vmem>>, vector<16xf32>,
      tpu.vector_store %arg13[%swap3A], %scan3A_69 {strides = array<i32>} : memref<512xf32, #tpu.memory_space<vmem>>, vector<16xf32>,
      %lt3A = arith.constant 15 : i32
      %lt3A_72 = arith.cmpi slt, %scan3A_24, %lt3A : i32
      %convert_element_type3A = arith.extui %lt3A_72 : i1 to i32
      %cond3A = arith.constant 0 : i32
      %cond3A_73 = arith.cmpi ne, %convert_element_type3A, %cond3A : i32
      scf.if %cond3A_73 {
        %mul3A_110 = arith.constant 2 : i32
        %mul3A_111 = arith.muli %mul3A_110, %scan3A_24 : i32
        %add3A_112 = arith.constant 2 : i32
        %add3A_113 = arith.addi %mul3A_111, %add3A_112 : i32
        %mul3A_114 = arith.constant 16 : i32
        %mul3A_115 = arith.muli %add3A_113, %mul3A_114 : i32
        %get3A_116 = arith.index_cast %mul3A_115 : i32 to index
        %get3A_117 = tpu.vector_load %arg7[%get3A_116] {strides = array<i32>} : memref<512xi32, #tpu.memory_space<vmem>>, vector<16xi32>,
        %get3A_118 = arith.index_cast %mul3A_115 : i32 to index
        %get3A_119 = tpu.vector_load %arg8[%get3A_118] {strides = array<i32>} : memref<512xi32, #tpu.memory_space<vmem>>, vector<16xi32>,
        %scan3A_120 = arith.constant 0 : i32
        %scan3A_121 = arith.constant 0 : i32
        %scan3A_122 = arith.constant 16 : i32
        %scan3A_123 = arith.addi %scan3A_121, %scan3A_122 : i32
        %scan3A_124 = arith.constant 1 : i32
        scf.for %scan3A_126 = %scan3A_121 to %scan3A_123 step %scan3A_124  : i32 {
          %broadcast_in_dim3A_127 = vector.broadcast %scan3A_126 : i32 to vector<16xi32>
          %lt3A_128 = arith.constant 0 : i32
          %lt3A_129 = vector.broadcast %lt3A_128 : i32 to vector<16xi32>
          %lt3A_130 = arith.cmpi slt, %broadcast_in_dim3A_127, %lt3A_129 : vector<16xi32>
          %add3A_131 = arith.constant 16 : i32
          %add3A_132 = vector.broadcast %add3A_131 : i32 to vector<16xi32>
          %add3A_133 = arith.addi %broadcast_in_dim3A_127, %add3A_132 : vector<16xi32>
          %select_n3A = arith.select %lt3A_130, %add3A_133, %broadcast_in_dim3A_127 : vector<16xi1>, vector<16xi32>
          %reshape3A = vector.shape_cast %select_n3A : vector<16xi32> to vector<16x1xi32>
          %gather3A = vector.shape_cast %reshape3A : vector<16x1xi32> to vector<16xi32>
          %gather3A_134 = tpu.dynamic_gather %get3A_117[%gather3A] in [0] : vector<16xi32>, vector<16xi32> -> vector<16xi32>
          %slice3A = vector.extract_strided_slice %gather3A_134 {offsets = [0], sizes = [1], strides = [1]} : vector<16xi32> to vector<1xi32>
          %squeeze3A = vector.extract %slice3A[0] : i32 from vector<1xi32>
          %jit3A = arith.constant 16 : i32
          %div3A = arith.divsi %squeeze3A, %jit3A : i32
          %sign3A = arith.constant 0 : i32
          %sign3A_135 = arith.cmpi sgt, %squeeze3A, %sign3A : i32
          %sign3A_136 = arith.extui %sign3A_135 : i1 to i32
          %sign3A_137 = arith.constant 0 : i32
          %sign3A_138 = arith.cmpi slt, %squeeze3A, %sign3A_137 : i32
          %sign3A_139 = arith.extui %sign3A_138 : i1 to i32
          %sign3A_140 = arith.subi %sign3A_136, %sign3A_139 : i32
          %sign3A_141 = arith.constant 0 : i32
          %sign3A_142 = arith.cmpi sgt, %jit3A, %sign3A_141 : i32
          %sign3A_143 = arith.extui %sign3A_142 : i1 to i32
          %sign3A_144 = arith.constant 0 : i32
          %sign3A_145 = arith.cmpi slt, %jit3A, %sign3A_144 : i32
          %sign3A_146 = arith.extui %sign3A_145 : i1 to i32
          %sign3A_147 = arith.subi %sign3A_143, %sign3A_146 : i32
          %ne3A = arith.cmpi ne, %sign3A_140, %sign3A_147 : i32
          %rem3A = arith.remsi %squeeze3A, %jit3A : i32
          %ne3A_148 = arith.constant 0 : i32
          %ne3A_149 = arith.cmpi ne, %rem3A, %ne3A_148 : i32
          %and3A_150 = arith.andi %ne3A, %ne3A_149 : i1
          %sub3A = arith.constant 1 : i32
          %sub3A_151 = arith.subi %div3A, %sub3A : i32
          %select_n3A_152 = arith.select %and3A_150, %sub3A_151, %div3A : i32
          %mul3A_153 = arith.constant 16 : i32
          %mul3A_154 = arith.muli %select_n3A_152, %mul3A_153 : i32
          %jit3A_155 = arith.constant 8 : i32
          %div3A_156 = arith.divsi %scan3A_126, %jit3A_155 : i32
          %sign3A_157 = arith.constant 0 : i32
          %sign3A_158 = arith.cmpi sgt, %scan3A_126, %sign3A_157 : i32
          %sign3A_159 = arith.extui %sign3A_158 : i1 to i32
          %sign3A_160 = arith.constant 0 : i32
          %sign3A_161 = arith.cmpi slt, %scan3A_126, %sign3A_160 : i32
          %sign3A_162 = arith.extui %sign3A_161 : i1 to i32
          %sign3A_163 = arith.subi %sign3A_159, %sign3A_162 : i32
          %sign3A_164 = arith.constant 0 : i32
          %sign3A_165 = arith.cmpi sgt, %jit3A_155, %sign3A_164 : i32
          %sign3A_166 = arith.extui %sign3A_165 : i1 to i32
          %sign3A_167 = arith.constant 0 : i32
          %sign3A_168 = arith.cmpi slt, %jit3A_155, %sign3A_167 : i32
          %sign3A_169 = arith.extui %sign3A_168 : i1 to i32
          %sign3A_170 = arith.subi %sign3A_166, %sign3A_169 : i32
          %ne3A_171 = arith.cmpi ne, %sign3A_163, %sign3A_170 : i32
          %rem3A_172 = arith.remsi %scan3A_126, %jit3A_155 : i32
          %ne3A_173 = arith.constant 0 : i32
          %ne3A_174 = arith.cmpi ne, %rem3A_172, %ne3A_173 : i32
          %and3A_175 = arith.andi %ne3A_171, %ne3A_174 : i1
          %sub3A_176 = arith.constant 1 : i32
          %sub3A_177 = arith.subi %div3A_156, %sub3A_176 : i32
          %select_n3A_178 = arith.select %and3A_175, %sub3A_177, %div3A_156 : i32
          %jit3A_179 = arith.constant 8 : i32
          %eq3A = arith.constant 0 : i32
          %eq3A_180 = arith.cmpi eq, %jit3A_179, %eq3A : i32
          %jit3A_181 = arith.constant 1 : i32
          %select_n3A_182 = arith.select %eq3A_180, %jit3A_181, %jit3A_179 : i32
          %rem3A_183 = arith.remsi %scan3A_126, %select_n3A_182 : i32
          %ne3A_184 = arith.constant 0 : i32
          %ne3A_185 = arith.cmpi ne, %rem3A_183, %ne3A_184 : i32
          %lt3A_186 = arith.constant 0 : i32
          %lt3A_187 = arith.cmpi slt, %rem3A_183, %lt3A_186 : i32
          %lt3A_188 = arith.constant 0 : i32
          %lt3A_189 = arith.cmpi slt, %select_n3A_182, %lt3A_188 : i32
          %ne3A_190 = arith.xori %lt3A_187, %lt3A_189 : i1
          %and3A_191 = arith.andi %ne3A_190, %ne3A_185 : i1
          %add3A_192 = arith.addi %rem3A_183, %select_n3A_182 : i32
          %select_n3A_193 = arith.select %and3A_191, %add3A_192, %rem3A_183 : i32
          %mul3A_194 = arith.constant 16 : i32
          %mul3A_195 = arith.muli %select_n3A_193, %mul3A_194 : i32
          %dma_start3A = arith.constant 0 : i32
          %dma_start3A_196 = arith.constant 0 : i32
          %dma_start3A_197 = tpu.memref_slice %arg9[%dma_start3A, %select_n3A_178, %dma_start3A_196, %mul3A_195] : memref<4x2x8x128xf32, #tpu.memory_space<vmem>> -> memref<4x1x8x16xf32, #tpu.memory_space<vmem>>
          %dma_start3A_198 = tpu.memref_squeeze %dma_start3A_197 : memref<4x1x8x16xf32, #tpu.memory_space<vmem>> -> memref<4x8x16xf32, #tpu.memory_space<vmem>>
          %dma_start3A_199 = arith.constant 0 : i32
          %dma_start3A_200 = arith.constant 0 : i32
          %dma_start3A_201 = tpu.memref_slice %arg4[%dma_start3A_199, %dma_start3A_200, %mul3A_154] : memref<4x8x1000000xf32, #tpu.memory_space<hbm>> -> memref<4x8x16xf32, #tpu.memory_space<hbm>>
          %dma_start3A_202 = arith.constant 0 : i32
          %dma_start3A_203 = arith.constant 0 : i32
          %dma_start3A_204 = tpu.memref_slice %arg9[%dma_start3A_202, %select_n3A_178, %dma_start3A_203, %mul3A_195] : memref<4x2x8x128xf32, #tpu.memory_space<vmem>> -> memref<4x1x8x16xf32, #tpu.memory_space<vmem>>
          %dma_start3A_205 = tpu.memref_squeeze %dma_start3A_204 : memref<4x1x8x16xf32, #tpu.memory_space<vmem>> -> memref<4x8x16xf32, #tpu.memory_space<vmem>>
          %dma_start3A_206 = arith.constant 0 : i32
          %dma_start3A_207 = arith.constant 0 : i32
          %dma_start3A_208 = tpu.memref_slice %arg4[%dma_start3A_206, %dma_start3A_207, %mul3A_154] : memref<4x8x1000000xf32, #tpu.memory_space<hbm>> -> memref<4x8x16xf32, #tpu.memory_space<hbm>>
          tpu.enqueue_dma source(%dma_start3A_208 : memref<4x8x16xf32, #tpu.memory_space<hbm>>) target(%dma_start3A_205 : memref<4x8x16xf32, #tpu.memory_space<vmem>>) target_semaphore(%arg15 : memref<!tpu.dma_semaphore, #tpu.memory_space<semaphore_mem>>)
          %lt3A_209 = arith.constant 0 : i32
          %lt3A_210 = vector.broadcast %lt3A_209 : i32 to vector<16xi32>
          %lt3A_211 = arith.cmpi slt, %broadcast_in_dim3A_127, %lt3A_210 : vector<16xi32>
          %add3A_212 = arith.constant 16 : i32
          %add3A_213 = vector.broadcast %add3A_212 : i32 to vector<16xi32>
          %add3A_214 = arith.addi %broadcast_in_dim3A_127, %add3A_213 : vector<16xi32>
          %select_n3A_215 = arith.select %lt3A_211, %add3A_214, %broadcast_in_dim3A_127 : vector<16xi1>, vector<16xi32>
          %reshape3A_216 = vector.shape_cast %select_n3A_215 : vector<16xi32> to vector<16x1xi32>
          %gather3A_217 = vector.shape_cast %reshape3A_216 : vector<16x1xi32> to vector<16xi32>
          %gather3A_218 = tpu.dynamic_gather %get3A_119[%gather3A_217] in [0] : vector<16xi32>, vector<16xi32> -> vector<16xi32>
          %slice3A_219 = vector.extract_strided_slice %gather3A_218 {offsets = [0], sizes = [1], strides = [1]} : vector<16xi32> to vector<1xi32>
          %squeeze3A_220 = vector.extract %slice3A_219[0] : i32 from vector<1xi32>
          %jit3A_221 = arith.constant 16 : i32
          %div3A_222 = arith.divsi %squeeze3A_220, %jit3A_221 : i32
          %sign3A_223 = arith.constant 0 : i32
          %sign3A_224 = arith.cmpi sgt, %squeeze3A_220, %sign3A_223 : i32
          %sign3A_225 = arith.extui %sign3A_224 : i1 to i32
          %sign3A_226 = arith.constant 0 : i32
          %sign3A_227 = arith.cmpi slt, %squeeze3A_220, %sign3A_226 : i32
          %sign3A_228 = arith.extui %sign3A_227 : i1 to i32
          %sign3A_229 = arith.subi %sign3A_225, %sign3A_228 : i32
          %sign3A_230 = arith.constant 0 : i32
          %sign3A_231 = arith.cmpi sgt, %jit3A_221, %sign3A_230 : i32
          %sign3A_232 = arith.extui %sign3A_231 : i1 to i32
          %sign3A_233 = arith.constant 0 : i32
          %sign3A_234 = arith.cmpi slt, %jit3A_221, %sign3A_233 : i32
          %sign3A_235 = arith.extui %sign3A_234 : i1 to i32
          %sign3A_236 = arith.subi %sign3A_232, %sign3A_235 : i32
          %ne3A_237 = arith.cmpi ne, %sign3A_229, %sign3A_236 : i32
          %rem3A_238 = arith.remsi %squeeze3A_220, %jit3A_221 : i32
          %ne3A_239 = arith.constant 0 : i32
          %ne3A_240 = arith.cmpi ne, %rem3A_238, %ne3A_239 : i32
          %and3A_241 = arith.andi %ne3A_237, %ne3A_240 : i1
          %sub3A_242 = arith.constant 1 : i32
          %sub3A_243 = arith.subi %div3A_222, %sub3A_242 : i32
          %select_n3A_244 = arith.select %and3A_241, %sub3A_243, %div3A_222 : i32
          %mul3A_245 = arith.constant 16 : i32
          %mul3A_246 = arith.muli %select_n3A_244, %mul3A_245 : i32
          %jit3A_247 = arith.constant 8 : i32
          %div3A_248 = arith.divsi %scan3A_126, %jit3A_247 : i32
          %sign3A_249 = arith.constant 0 : i32
          %sign3A_250 = arith.cmpi sgt, %scan3A_126, %sign3A_249 : i32
          %sign3A_251 = arith.extui %sign3A_250 : i1 to i32
          %sign3A_252 = arith.constant 0 : i32
          %sign3A_253 = arith.cmpi slt, %scan3A_126, %sign3A_252 : i32
          %sign3A_254 = arith.extui %sign3A_253 : i1 to i32
          %sign3A_255 = arith.subi %sign3A_251, %sign3A_254 : i32
          %sign3A_256 = arith.constant 0 : i32
          %sign3A_257 = arith.cmpi sgt, %jit3A_247, %sign3A_256 : i32
          %sign3A_258 = arith.extui %sign3A_257 : i1 to i32
          %sign3A_259 = arith.constant 0 : i32
          %sign3A_260 = arith.cmpi slt, %jit3A_247, %sign3A_259 : i32
          %sign3A_261 = arith.extui %sign3A_260 : i1 to i32
          %sign3A_262 = arith.subi %sign3A_258, %sign3A_261 : i32
          %ne3A_263 = arith.cmpi ne, %sign3A_255, %sign3A_262 : i32
          %rem3A_264 = arith.remsi %scan3A_126, %jit3A_247 : i32
          %ne3A_265 = arith.constant 0 : i32
          %ne3A_266 = arith.cmpi ne, %rem3A_264, %ne3A_265 : i32
          %and3A_267 = arith.andi %ne3A_263, %ne3A_266 : i1
          %sub3A_268 = arith.constant 1 : i32
          %sub3A_269 = arith.subi %div3A_248, %sub3A_268 : i32
          %select_n3A_270 = arith.select %and3A_267, %sub3A_269, %div3A_248 : i32
          %jit3A_271 = arith.constant 8 : i32
          %eq3A_272 = arith.constant 0 : i32
          %eq3A_273 = arith.cmpi eq, %jit3A_271, %eq3A_272 : i32
          %jit3A_274 = arith.constant 1 : i32
          %select_n3A_275 = arith.select %eq3A_273, %jit3A_274, %jit3A_271 : i32
          %rem3A_276 = arith.remsi %scan3A_126, %select_n3A_275 : i32
          %ne3A_277 = arith.constant 0 : i32
          %ne3A_278 = arith.cmpi ne, %rem3A_276, %ne3A_277 : i32
          %lt3A_279 = arith.constant 0 : i32
          %lt3A_280 = arith.cmpi slt, %rem3A_276, %lt3A_279 : i32
          %lt3A_281 = arith.constant 0 : i32
          %lt3A_282 = arith.cmpi slt, %select_n3A_275, %lt3A_281 : i32
          %ne3A_283 = arith.xori %lt3A_280, %lt3A_282 : i1
          %and3A_284 = arith.andi %ne3A_283, %ne3A_278 : i1
          %add3A_285 = arith.addi %rem3A_276, %select_n3A_275 : i32
          %select_n3A_286 = arith.select %and3A_284, %add3A_285, %rem3A_276 : i32
          %mul3A_287 = arith.constant 16 : i32
          %mul3A_288 = arith.muli %select_n3A_286, %mul3A_287 : i32
          %dma_start3A_289 = arith.constant 0 : i32
          %dma_start3A_290 = arith.constant 0 : i32
          %dma_start3A_291 = tpu.memref_slice %arg10[%dma_start3A_289, %select_n3A_270, %dma_start3A_290, %mul3A_288] : memref<4x2x8x128xf32, #tpu.memory_space<vmem>> -> memref<4x1x8x16xf32, #tpu.memory_space<vmem>>
          %dma_start3A_292 = tpu.memref_squeeze %dma_start3A_291 : memref<4x1x8x16xf32, #tpu.memory_space<vmem>> -> memref<4x8x16xf32, #tpu.memory_space<vmem>>
          %dma_start3A_293 = arith.constant 0 : i32
          %dma_start3A_294 = arith.constant 0 : i32
          %dma_start3A_295 = tpu.memref_slice %arg5[%dma_start3A_293, %dma_start3A_294, %mul3A_246] : memref<4x8x1000000xf32, #tpu.memory_space<hbm>> -> memref<4x8x16xf32, #tpu.memory_space<hbm>>
          %dma_start3A_296 = arith.constant 0 : i32
          %dma_start3A_297 = arith.constant 0 : i32
          %dma_start3A_298 = tpu.memref_slice %arg10[%dma_start3A_296, %select_n3A_270, %dma_start3A_297, %mul3A_288] : memref<4x2x8x128xf32, #tpu.memory_space<vmem>> -> memref<4x1x8x16xf32, #tpu.memory_space<vmem>>
          %dma_start3A_299 = tpu.memref_squeeze %dma_start3A_298 : memref<4x1x8x16xf32, #tpu.memory_space<vmem>> -> memref<4x8x16xf32, #tpu.memory_space<vmem>>
          %dma_start3A_300 = arith.constant 0 : i32
          %dma_start3A_301 = arith.constant 0 : i32
          %dma_start3A_302 = tpu.memref_slice %arg5[%dma_start3A_300, %dma_start3A_301, %mul3A_246] : memref<4x8x1000000xf32, #tpu.memory_space<hbm>> -> memref<4x8x16xf32, #tpu.memory_space<hbm>>
          tpu.enqueue_dma source(%dma_start3A_302 : memref<4x8x16xf32, #tpu.memory_space<hbm>>) target(%dma_start3A_299 : memref<4x8x16xf32, #tpu.memory_space<vmem>>) target_semaphore(%arg15 : memref<!tpu.dma_semaphore, #tpu.memory_space<semaphore_mem>>)
        }
        %scan3A_125 = arith.constant 16 : i32
      } else {
      }
      %mul3A_74 = arith.constant 2 : i32
      %mul3A_75 = arith.muli %mul3A_74, %scan3A_24 : i32
      %add3A_76 = arith.constant 1 : i32
      %add3A_77 = arith.addi %mul3A_75, %add3A_76 : i32
      %dma_wait3A_78 = arith.constant 0 : i32
      %dma_wait3A_79 = arith.constant 0 : i32
      %dma_wait3A_80 = arith.constant 0 : i32
      %dma_wait3A_81 = tpu.memref_slice %arg4[%dma_wait3A_78, %dma_wait3A_79, %dma_wait3A_80] : memref<4x8x1000000xf32, #tpu.memory_space<hbm>> -> memref<4x8x512xf32, #tpu.memory_space<hbm>>
      %dma_wait3A_82 = arith.constant 0 : i32
      %dma_wait3A_83 = arith.constant 0 : i32
      %dma_wait3A_84 = arith.constant 0 : i32
      %dma_wait3A_85 = tpu.memref_slice %arg4[%dma_wait3A_82, %dma_wait3A_83, %dma_wait3A_84] : memref<4x8x1000000xf32, #tpu.memory_space<hbm>> -> memref<4x8x512xf32, #tpu.memory_space<hbm>>
      tpu.wait_dma2 semaphore(%arg16 : memref<!tpu.dma_semaphore, #tpu.memory_space<semaphore_mem>>) src(%dma_wait3A_85 : memref<4x8x512xf32, #tpu.memory_space<hbm>>) dst(%arg14 : memref<4x8x512xf32, #tpu.memory_space<vmem>>)
      %mul3A_86 = arith.constant 16 : i32
      %mul3A_87 = arith.muli %add3A_77, %mul3A_86 : i32
      %get3A_88 = arith.index_cast %mul3A_87 : i32 to index
      %get3A_89 = tpu.vector_load %arg7[%get3A_88] {strides = array<i32>} : memref<512xi32, #tpu.memory_space<vmem>>, vector<16xi32>,
      %and3A_90 = arith.constant 15 : i32
      %and3A_91 = vector.broadcast %and3A_90 : i32 to vector<16xi32>
      %and3A_92 = arith.andi %get3A_89, %and3A_91 : vector<16xi32>
      %add3A_93 = arith.addi %mul3A_7, %and3A_92 : vector<16xi32>
      %get3A_94 = arith.index_cast %mul3A_87 : i32 to index
      %get3A_95 = tpu.vector_load %arg8[%get3A_94] {strides = array<i32>} : memref<512xi32, #tpu.memory_space<vmem>>, vector<16xi32>,
      %and3A_96 = arith.constant 15 : i32
      %and3A_97 = vector.broadcast %and3A_96 : i32 to vector<16xi32>
      %and3A_98 = arith.andi %get3A_95, %and3A_97 : vector<16xi32>
      %add3A_99 = arith.addi %mul3A_7, %and3A_98 : vector<16xi32>
      %broadcast_in_dim3A_100 = arith.constant 0.000000e+00 : f32
      %broadcast_in_dim3A_101 = vector.broadcast %broadcast_in_dim3A_100 : f32 to vector<16xf32>
      %scan3A_102 = arith.constant 0 : i32
      %scan3A_103 = arith.constant 4 : i32
      %scan3A_104 = arith.addi %scan3A_102, %scan3A_103 : i32
      %scan3A_105 = arith.constant 1 : i32
      %scan3A_106 = scf.for %scan3A_110 = %scan3A_102 to %scan3A_104 step %scan3A_105 iter_args(%scan3A_111 = %broadcast_in_dim3A_101) -> (vector<16xf32>)  : i32 {
        %broadcast_in_dim3A_112 = vector.broadcast %scan3A_110 : i32 to vector<16xi32>
        %broadcast_in_dim3A_113 = arith.constant 0 : i32
        %broadcast_in_dim3A_114 = vector.broadcast %broadcast_in_dim3A_113 : i32 to vector<16xi32>
        %gather3A = tpu.vector_load_idx %arg11[%broadcast_in_dim3A_112, %shift_right_arithmetic3A_9, %broadcast_in_dim3A_114, %add3A_93] : memref<4x2x8x128xf32, #tpu.memory_space<vmem>>[vector<16xi32>, vector<16xi32>, vector<16xi32>, vector<16xi32>], vector<16xf32>,
        %gather3A_115 = tpu.vector_load_idx %arg12[%broadcast_in_dim3A_112, %shift_right_arithmetic3A_9, %broadcast_in_dim3A_114, %add3A_99] : memref<4x2x8x128xf32, #tpu.memory_space<vmem>>[vector<16xi32>, vector<16xi32>, vector<16xi32>, vector<16xi32>], vector<16xf32>,
        %mul3A_116 = arith.mulf %gather3A, %gather3A_115 : vector<16xf32>
        %add3A_117 = arith.addf %scan3A_111, %mul3A_116 : vector<16xf32>
        %broadcast_in_dim3A_118 = arith.constant 1 : i32
        %broadcast_in_dim3A_119 = vector.broadcast %broadcast_in_dim3A_118 : i32 to vector<16xi32>
        %gather3A_120 = tpu.vector_load_idx %arg11[%broadcast_in_dim3A_112, %shift_right_arithmetic3A_9, %broadcast_in_dim3A_119, %add3A_93] : memref<4x2x8x128xf32, #tpu.memory_space<vmem>>[vector<16xi32>, vector<16xi32>, vector<16xi32>, vector<16xi32>], vector<16xf32>,
        %gather3A_121 = tpu.vector_load_idx %arg12[%broadcast_in_dim3A_112, %shift_right_arithmetic3A_9, %broadcast_in_dim3A_119, %add3A_99] : memref<4x2x8x128xf32, #tpu.memory_space<vmem>>[vector<16xi32>, vector<16xi32>, vector<16xi32>, vector<16xi32>], vector<16xf32>,
        %mul3A_122 = arith.mulf %gather3A_120, %gather3A_121 : vector<16xf32>
        %add3A_123 = arith.addf %add3A_117, %mul3A_122 : vector<16xf32>
        %broadcast_in_dim3A_124 = arith.constant 2 : i32
        %broadcast_in_dim3A_125 = vector.broadcast %broadcast_in_dim3A_124 : i32 to vector<16xi32>
        %gather3A_126 = tpu.vector_load_idx %arg11[%broadcast_in_dim3A_112, %shift_right_arithmetic3A_9, %broadcast_in_dim3A_125, %add3A_93] : memref<4x2x8x128xf32, #tpu.memory_space<vmem>>[vector<16xi32>, vector<16xi32>, vector<16xi32>, vector<16xi32>], vector<16xf32>,
        %gather3A_127 = tpu.vector_load_idx %arg12[%broadcast_in_dim3A_112, %shift_right_arithmetic3A_9, %broadcast_in_dim3A_125, %add3A_99] : memref<4x2x8x128xf32, #tpu.memory_space<vmem>>[vector<16xi32>, vector<16xi32>, vector<16xi32>, vector<16xi32>], vector<16xf32>,
        %mul3A_128 = arith.mulf %gather3A_126, %gather3A_127 : vector<16xf32>
        %add3A_129 = arith.addf %add3A_123, %mul3A_128 : vector<16xf32>
        %broadcast_in_dim3A_130 = arith.constant 3 : i32
        %broadcast_in_dim3A_131 = vector.broadcast %broadcast_in_dim3A_130 : i32 to vector<16xi32>
        %gather3A_132 = tpu.vector_load_idx %arg11[%broadcast_in_dim3A_112, %shift_right_arithmetic3A_9, %broadcast_in_dim3A_131, %add3A_93] : memref<4x2x8x128xf32, #tpu.memory_space<vmem>>[vector<16xi32>, vector<16xi32>, vector<16xi32>, vector<16xi32>], vector<16xf32>,
        %gather3A_133 = tpu.vector_load_idx %arg12[%broadcast_in_dim3A_112, %shift_right_arithmetic3A_9, %broadcast_in_dim3A_131, %add3A_99] : memref<4x2x8x128xf32, #tpu.memory_space<vmem>>[vector<16xi32>, vector<16xi32>, vector<16xi32>, vector<16xi32>], vector<16xf32>,
        %mul3A_134 = arith.mulf %gather3A_132, %gather3A_133 : vector<16xf32>
        %add3A_135 = arith.addf %add3A_129, %mul3A_134 : vector<16xf32>
        %broadcast_in_dim3A_136 = arith.constant 4 : i32
        %broadcast_in_dim3A_137 = vector.broadcast %broadcast_in_dim3A_136 : i32 to vector<16xi32>
        %gather3A_138 = tpu.vector_load_idx %arg11[%broadcast_in_dim3A_112, %shift_right_arithmetic3A_9, %broadcast_in_dim3A_137, %add3A_93] : memref<4x2x8x128xf32, #tpu.memory_space<vmem>>[vector<16xi32>, vector<16xi32>, vector<16xi32>, vector<16xi32>], vector<16xf32>,
        %gather3A_139 = tpu.vector_load_idx %arg12[%broadcast_in_dim3A_112, %shift_right_arithmetic3A_9, %broadcast_in_dim3A_137, %add3A_99] : memref<4x2x8x128xf32, #tpu.memory_space<vmem>>[vector<16xi32>, vector<16xi32>, vector<16xi32>, vector<16xi32>], vector<16xf32>,
        %mul3A_140 = arith.mulf %gather3A_138, %gather3A_139 : vector<16xf32>
        %add3A_141 = arith.addf %add3A_135, %mul3A_140 : vector<16xf32>
        %broadcast_in_dim3A_142 = arith.constant 5 : i32
        %broadcast_in_dim3A_143 = vector.broadcast %broadcast_in_dim3A_142 : i32 to vector<16xi32>
        %gather3A_144 = tpu.vector_load_idx %arg11[%broadcast_in_dim3A_112, %shift_right_arithmetic3A_9, %broadcast_in_dim3A_143, %add3A_93] : memref<4x2x8x128xf32, #tpu.memory_space<vmem>>[vector<16xi32>, vector<16xi32>, vector<16xi32>, vector<16xi32>], vector<16xf32>,
        %gather3A_145 = tpu.vector_load_idx %arg12[%broadcast_in_dim3A_112, %shift_right_arithmetic3A_9, %broadcast_in_dim3A_143, %add3A_99] : memref<4x2x8x128xf32, #tpu.memory_space<vmem>>[vector<16xi32>, vector<16xi32>, vector<16xi32>, vector<16xi32>], vector<16xf32>,
        %mul3A_146 = arith.mulf %gather3A_144, %gather3A_145 : vector<16xf32>
        %add3A_147 = arith.addf %add3A_141, %mul3A_146 : vector<16xf32>
        %broadcast_in_dim3A_148 = arith.constant 6 : i32
        %broadcast_in_dim3A_149 = vector.broadcast %broadcast_in_dim3A_148 : i32 to vector<16xi32>
        %gather3A_150 = tpu.vector_load_idx %arg11[%broadcast_in_dim3A_112, %shift_right_arithmetic3A_9, %broadcast_in_dim3A_149, %add3A_93] : memref<4x2x8x128xf32, #tpu.memory_space<vmem>>[vector<16xi32>, vector<16xi32>, vector<16xi32>, vector<16xi32>], vector<16xf32>,
        %gather3A_151 = tpu.vector_load_idx %arg12[%broadcast_in_dim3A_112, %shift_right_arithmetic3A_9, %broadcast_in_dim3A_149, %add3A_99] : memref<4x2x8x128xf32, #tpu.memory_space<vmem>>[vector<16xi32>, vector<16xi32>, vector<16xi32>, vector<16xi32>], vector<16xf32>,
        %mul3A_152 = arith.mulf %gather3A_150, %gather3A_151 : vector<16xf32>
        %add3A_153 = arith.addf %add3A_147, %mul3A_152 : vector<16xf32>
        %broadcast_in_dim3A_154 = arith.constant 7 : i32
        %broadcast_in_dim3A_155 = vector.broadcast %broadcast_in_dim3A_154 : i32 to vector<16xi32>
        %gather3A_156 = tpu.vector_load_idx %arg11[%broadcast_in_dim3A_112, %shift_right_arithmetic3A_9, %broadcast_in_dim3A_155, %add3A_93] : memref<4x2x8x128xf32, #tpu.memory_space<vmem>>[vector<16xi32>, vector<16xi32>, vector<16xi32>, vector<16xi32>], vector<16xf32>,
        %gather3A_157 = tpu.vector_load_idx %arg12[%broadcast_in_dim3A_112, %shift_right_arithmetic3A_9, %broadcast_in_dim3A_155, %add3A_99] : memref<4x2x8x128xf32, #tpu.memory_space<vmem>>[vector<16xi32>, vector<16xi32>, vector<16xi32>, vector<16xi32>], vector<16xf32>,
        %mul3A_158 = arith.mulf %gather3A_156, %gather3A_157 : vector<16xf32>
        %add3A_159 = arith.addf %add3A_153, %mul3A_158 : vector<16xf32>
        scf.yield %add3A_159 : vector<16xf32>
      }
      %scan3A_107 = arith.constant 4 : i32
      %swap3A_108 = arith.index_cast %mul3A_87 : i32 to index
      %swap3A_109 = tpu.vector_load %arg13[%swap3A_108] {strides = array<i32>} : memref<512xf32, #tpu.memory_space<vmem>>, vector<16xf32>,
      tpu.vector_store %arg13[%swap3A_108], %scan3A_106 {strides = array<i32>} : memref<512xf32, #tpu.memory_space<vmem>>, vector<16xf32>,
    }
    %scan3A_23 = arith.constant 16 : i32
    "tpu.region"() ({
      %run_scoped3A = tpu.sem_alloc : memref<!tpu.dma_semaphore, #tpu.memory_space<semaphore_mem>>
      %dma_start3A = tpu.memref_slice %arg6[%mul3A_2] : memref<16384xf32, #tpu.memory_space<hbm>> -> memref<512xf32, #tpu.memory_space<hbm>>
      %dma_start3A_24 = tpu.memref_slice %arg6[%mul3A_2] : memref<16384xf32, #tpu.memory_space<hbm>> -> memref<512xf32, #tpu.memory_space<hbm>>
      tpu.enqueue_dma source(%arg13 : memref<512xf32, #tpu.memory_space<vmem>>) target(%dma_start3A_24 : memref<512xf32, #tpu.memory_space<hbm>>) target_semaphore(%run_scoped3A : memref<!tpu.dma_semaphore, #tpu.memory_space<semaphore_mem>>)
      %dma_wait3A = tpu.memref_slice %arg6[%mul3A_2] : memref<16384xf32, #tpu.memory_space<hbm>> -> memref<512xf32, #tpu.memory_space<hbm>>
      %dma_wait3A_25 = tpu.memref_slice %arg6[%mul3A_2] : memref<16384xf32, #tpu.memory_space<hbm>> -> memref<512xf32, #tpu.memory_space<hbm>>
      tpu.wait_dma2 semaphore(%run_scoped3A : memref<!tpu.dma_semaphore, #tpu.memory_space<semaphore_mem>>) src(%arg13 : memref<512xf32, #tpu.memory_space<vmem>>) dst(%dma_wait3A_25 : memref<512xf32, #tpu.memory_space<hbm>>)
      tpu.yield
    }) : () -> ()
    return
  }
}

</mosaic_0001>

<sc_bundles>
// kernel: kernel.3.cloned.1.call-start
scs
__scs_entry_jumppad:
0x0: {  	(pc) =	sbr.rel $0x88, $3  }
0x1: {  	(tag) =	ssettag $0x0;
	lr =	simm.s32 $0x1  }
0x2: {  	[smem:$0x3F9D] =	sst lr;
	_ =	strace $0xD0000000  }
0x3: {  	_ = 	snop  }
0x4: {  	_ = 	snop  }
0x5: {  	_ = 	snop  }
0x6: {  	_ = 	snop  }
0x7: {  	_ = 	snop  }
__scs_overlays_trampoline_lowered:
0x8: {  	[smem:$0x3FAC] =	sst s0  }
0x9: {  	[smem:$0x3FAD] =	sst s1  }
0xa: {  	[smem:$0x3FAE] =	sst s2  }
0xb: {  	[smem:$0x3FAF] =	sst s3  }
0xc: {  	[smem:$0x3FB0] =	sst s4  }
0xd: {  	[smem:$0x3FB1] =	sst s5  }
0xe: {  	[smem:$0x3FB2] =	sst s6  }
0xf: {  	[smem:$0x3FB3] =	sst s7  }
0x10: {  	[smem:$0x3FB4] =	sst s8  }
0x11: {  	[smem:$0x3FB5] =	sst s9;
	s0 =	simm.s32 @!p0 $0x0  }
0x12: {  	s1 =	sld [smem:$0x3F9B];
	s0 =	simm.s32 @p0 $0x1  }
0x13: {  	[smem:$0x3FB6] =	sst s0;
	s0 =	simm.s32 @!p1 $0x0  }
0x14: {  	s2 =	sld [smem:$0x3F9A];
	s0 =	simm.s32 @p1 $0x1  }
0x15: {  	[smem:$0x3FB7] =	sst s0;
	s0 =	simm.s32 @!p2 $0x0  }
0x16: {  	s3 =	sld [smem:$0x3FDB];
	s0 =	simm.s32 @p2 $0x1  }
0x17: {  	s4 =	simm.s32 $0x1BF5;
	[smem:$0x3FB9] =	sst s0  }
0x18: {  	s0 =	sld [smem:$0x3F9C];
	_ =	swait.ge [sflag:s4], $0x0  }
0x19: {  	s7 =	sld [smem:$0x3F9D]  }
0x1a: {  	s8 =	sadd.s32 $0xFFFFE003, lr  }
0x1b: {  	s9 =	sadd.s32 $0xFFFFFEF7, lr;
	s5 =	simm.s32 $0xFFFFFFFF;
	p2 =	slt.u32 s8, $0xFFFFF086  }
0x1c: {  	p1 =	slt.u32 s9, $0xF7A;
	s5 =	simm.s32 @!p2 $0x0  }
0x1d: {  	s5 =	simm.s32 @p1 $0x1;
	p0 =	seq.s32 s7, s2  }
0x1e: {  	s7 =	smul.u32 @!p0 $0xF7A, s2;
	p2 =	seq.s32 @!p0 s5, $0x0  }
0x1f: {  	s9 =	smul.u32 $0xF7A, s1;
	s8 =	simm.s32 @!p0 $0x1BF5;
	p2 =	por !p2, p0  }
0x20: {  	[sflag:s8] =	ssyncset.s32 @!p0 $0xFFFFF086;
	s6 =	sadd.s32 @!p0 s3, s7;
	s7 =	simm.s32 @!p0 $0x108  }
0x21: {  	s3 =	sadd.s32 s3, s9;
	s6 =	sadd.s32 @!p0 $0x88, s6;
	s7 =	simm.s32 @p2 $0x1082  }
0x22: {  	[simem:s7], [sflag:s8] =	dma.local @!p0 [hbm:s6], $0xF7A  }
0x23: {  	s9 =	sor.u32 $0xD0000000, s2;
	s6 =	simm.s32 $0x108;
	_ =	swait.ge @!p0 [sflag:s8], $0x0  }
0x24: {  	s3 =	sadd.s32 $0x88, s3;
	s6 =	simm.s32 @!p1 $0x1082;
	[sflag:s4] =	ssyncset.s32 $0xFFFFF086  }
0x25: {  	[simem:s6], [sflag:s4] =	dma.local [hbm:s3], $0xF7A  }
0x26: {  	[smem:$0x3F9D] =	sst s1;
	(tag) =	ssettag s2;
	_ =	strace s9  }
0x27: {  	s1 =	sld [smem:$0x3FAD]  }
0x28: {  	s2 =	sld [smem:$0x3FAE]  }
0x29: {  	s4 =	sld [smem:$0x3FB0]  }
0x2a: {  	p0 =	seq.s32 s5, $0x0;
	s5 =	sld [smem:$0x3FB1]  }
0x2b: {  	s6 =	sld [smem:$0x3FB2]  }
0x2c: {  	s7 =	sld [smem:$0x3FB3]  }
0x2d: {  	s3 =	simm.s32 $0x108;
	s8 =	sld [smem:$0x3FB4]  }
0x2e: {  	s3 =	simm.s32 @!p0 $0x1082;
	s9 =	sld [smem:$0x3FB5]  }
0x2f: {  	lr =	sadd.s32 s0, s3;
	s0 =	sld [smem:$0x3FAC]  }
0x30: {  	s3 =	sld [smem:$0x3FAF]  }
0x31: {  	[smem:$0x3FB8] =	sst s10  }
0x32: {  	s10 =	sld [smem:$0x3FB6];
	_ =	sdelay $0x3  }
0x33: {  	p0 =	seq.s32 s10, $0x1;
	s10 =	sld [smem:$0x3FB8];
	_ =	sdelay $0x3  }
0x34: {  	[smem:$0x3FB8] =	sst s10  }
0x35: {  	s10 =	sld [smem:$0x3FB7];
	_ =	sdelay $0x3  }
0x36: {  	p1 =	seq.s32 s10, $0x1;
	s10 =	sld [smem:$0x3FB8];
	_ =	sdelay $0x3  }
0x37: {  	[smem:$0x3FB8] =	sst s10  }
0x38: {  	s10 =	sld [smem:$0x3FB9]  }
0x39: {  	_ = 	snop;
	(pc) =	sbr.ind lr, $3  }
0x3a: {  	_ = 	snop  }
0x3b: {  	_ = 	snop  }
0x3c: {  	p2 =	seq.s32 s10, $0x1;
	s10 =	sld [smem:$0x3FB8]  }
0x3d: {  	_ =	shalt  }
0x3e: {  	_ =	shalt  }
0x3f: {  	_ =	shalt  }
0x40: {  	_ =	shalt  }
0x41: {  	_ =	shalt  }
0x42: {  	_ =	shalt  }
0x43: {  	_ =	shalt  }
0x44: {  	_ =	shalt  }
0x45: {  	_ =	shalt  }
0x46: {  	_ =	shalt  }
0x47: {  	_ =	shalt  }
0x48: {  	_ =	shalt  }
0x49: {  	_ =	shalt  }
0x4a: {  	_ =	shalt  }
0x4b: {  	_ =	shalt  }
0x4c: {  	_ =	shalt  }
0x4d: {  	_ =	shalt  }
0x4e: {  	_ =	shalt  }
0x4f: {  	_ =	shalt  }
0x50: {  	_ =	shalt  }
0x51: {  	_ =	shalt  }
0x52: {  	_ =	shalt  }
0x53: {  	_ =	shalt  }
0x54: {  	_ =	shalt  }
0x55: {  	_ =	shalt  }
0x56: {  	_ =	shalt  }
0x57: {  	_ =	shalt  }
0x58: {  	_ =	shalt  }
0x59: {  	_ =	shalt  }
0x5a: {  	_ =	shalt  }
0x5b: {  	_ =	shalt  }
0x5c: {  	_ =	shalt  }
0x5d: {  	_ =	shalt  }
0x5e: {  	_ =	shalt  }
0x5f: {  	_ =	shalt  }
0x60: {  	_ =	shalt  }
0x61: {  	_ =	shalt  }
0x62: {  	_ =	shalt  }
0x63: {  	_ =	shalt  }
0x64: {  	_ =	shalt  }
0x65: {  	_ =	shalt  }
0x66: {  	_ =	shalt  }
0x67: {  	_ =	shalt  }
0x68: {  	_ =	shalt  }
0x69: {  	_ =	shalt  }
0x6a: {  	_ =	shalt  }
0x6b: {  	_ =	shalt  }
0x6c: {  	_ =	shalt  }
0x6d: {  	_ =	shalt  }
0x6e: {  	_ =	shalt  }
0x6f: {  	_ =	shalt  }
0x70: {  	_ =	shalt  }
0x71: {  	_ =	shalt  }
0x72: {  	_ =	shalt  }
0x73: {  	_ =	shalt  }
0x74: {  	_ =	shalt  }
0x75: {  	_ =	shalt  }
0x76: {  	_ =	shalt  }
0x77: {  	_ =	shalt  }
0x78: {  	_ =	shalt  }
0x79: {  	_ =	shalt  }
0x7a: {  	_ =	shalt  }
0x7b: {  	_ =	shalt  }
0x7c: {  	_ =	shalt  }
0x7d: {  	_ =	shalt  }
0x7e: {  	_ =	shalt  }
0x7f: {  	_ =	shalt  }
0x80: {  	_ =	shalt  }
0x81: {  	_ =	shalt  }
0x82: {  	_ =	shalt  }
0x83: {  	_ =	shalt  }
0x84: {  	_ =	shalt  }
0x85: {  	_ =	shalt  }
0x86: {  	_ =	shalt  }
0x87: {  	_ =	shalt  }
.Lfunc_end0:
.L_simem_size_0:
called_computation_lowered:
.L_overlay_start_0:
0x88: {  	s2 =	sld [smem:$0x3FD9]  }
0x89: {  	s3 =	sld [smem:$0x3FFE];
	_ =	sdelay $0x1  }
0x8a: {  	s1 =	srdreg.scid  }
0x8b: {  	s0 =	sand.u32 $0x1, s1  }
0x8c: {  	s18 =	sshll.u32 s0, $0xA;
	s2 =	sadd.s32 s3, s2  }
0x8d: {  	s2 =	sadd.s32 s2, s18  }
0x8e: {  	[smem:$0x3FC4] =	sst s2  }
0x8f: {  	_ = 	snop  }
0x90: {  	s2 =	sld [smem:$0x3FC9]  }
0x91: {  	s19 =	sld [smem:$0x3FC8]  }
0x92: {  	s4 =	sld [smem:$0x3FC7]  }
0x93: {  	s5 =	sld [smem:$0x3FC6]  }
0x94: {  	s6 =	sld [smem:$0x3FD0];
	(tm) =	ssettm $0x1  }
0x95: {  	s7 =	sld [smem:$0x3FFB];
	_ =	sdelay $0x3  }
0x96: {  	_ =	strace s7  }
0x97: {  	s7 =	sld [smem:$0x3FFC];
	_ =	sdelay $0x3  }
0x98: {  	_ =	strace s7  }
0x99: {  	s7 =	sld [smem:$0x3FFD];
	_ =	sdelay $0x3  }
0x9a: {  	_ =	strace s7  }
0x9b: {  	_ =	strace $0x8FFFFFFF  }
0x9c: {  	s20 =	sld [smem:$0x3FDB];
	_ =	sdelay $0x1  }
0x9d: {  	s8 =	simm.s32 $_scs_section_size  }
0x9e: {  	s9 =	simm.s32 $_size__tile_overlayer_lowered;
	s10 =	simm.s32 $_tile_overlayer_lowered  }
0x9f: {  	s23 =	simm.s32 $0x1BFF;
	s22 =	sshll.u32 s10, $0x1;
	s7 =	sadd.s32 s8, s20  }
0xa0: {  	s11 =	simm.s32 $0x0;
	s21 =	sshll.u32 s9, $0x1;
	s9 =	sadd.s32 s22, s7  }
0xa1: {  	[timem:s11], [sflag:s23] =	dma.local [hbm:s9], s21  }
0xa2: {  	_ =	swait.ge [sflag:s23], s21  }
0xa3: {  	s8 =	ssub.s32 $0x0, s21;
	[sflag:s23] =	ssyncset.done $0x0  }
0xa4: {  	[sflag:s23] =	ssyncadd.s32 s8;
	_ =	sdelay $0x1  }
0xa5: {  	s24 =	simm.s32 $0x1B8B  }
0xa6: {  	_ =	swait.ge [sflag:s24], $0x1  }
0xa7: {  	[sflag:s24] =	ssyncset.done $0x0  }
0xa8: {  	s25 =	simm.s32 $0x1B8E;
	[sflag:s24] =	ssyncadd.s32 $0xFFFFFFFF  }
0xa9: {  	s26 =	simm.s32 $execute0_lowered;
	[smem:$0x3FD2] =	sst s25  }
0xaa: {  	s8 =	sshll.u32 s26, $0x1;
	_ =	strace $0x80000046;
	[dreg:$0x1] =	wrdreg $0xFFFFFFFF  }
0xab: {  	s28 =	simm.s32 $_size_execute0_lowered;
	s7 =	sadd.s32 s7, s8;
	[dreg:$0x0] =	wrdreg $0x0  }
0xac: {  	s8 =	sshll.u32 s28, $0x1;
	[dreg:$0x2] =	wrdreg s7  }
0xad: {  	[dreg:$0x3] =	wrdreg s8  }
0xae: {  	[dreg:$0x4] =	wrdreg $0xC0  }
0xaf: {  	_ =	task [dreg:s11], $0x5FFFF  }
0xb0: {  	[dreg:$0x1] =	wrdreg $0xFFFFFFFF  }
0xb1: {  	[dreg:$0x0] =	wrdreg $0x60  }
0xb2: {  	[dreg:$0x2] =	wrdreg s2  }
0xb3: {  	[dreg:$0x3] =	wrdreg s19  }
0xb4: {  	[dreg:$0x4] =	wrdreg s4  }
0xb5: {  	[dreg:$0x5] =	wrdreg s5  }
0xb6: {  	[dreg:$0x6] =	wrdreg s6  }
0xb7: {  	[dreg:$0x7] =	wrdreg $0x9  }
0xb8: {  	_ =	task.clear_ibuf [dreg:s11], $0x8FFFF;
	_ =	strace $0x90000046  }
0xb9: {  	s29 =	simm.s32 $0x9;
	_ =	strace $0x80000048  }
0xba: {  	_ =	swait.ge [sflag:s29], $0x1  }
0xbb: {  	[sflag:s29] =	ssyncadd.s32 $0xFFFFFFFF  }
0xbc: {  	_ =	strace $0x90000048  }
0xbd: {  	_ =	sfence  }
0xbe: {  	s30 =	sld [smem:$0x0];
	_ =	sdelay $0x2  }
0xbf: {  	s31 =	sshll.u32 s1, $0xD;
	s1 =	sshrl.u32 s1, $0x2  }
0xc0: {  	s3 =	sand.u32 $0x4000, s31;
	s1 =	sadd.s32 s1, s30  }
0xc1: {  	s0 =	sor.u32 s3, s0;
	s1 =	sshll.u32 s1, $0x11  }
0xc2: {  	s0 =	sor.u32 s1, s0  }
0xc3: {  	s0 =	sadd.s32 $0x8F2B, s0  }
0xc4: {  	[sflag:s0] =	ssyncadd.remote.s32 $0x1  }
0xc5: {  	_ =	sfence.sel $0xFFFF  }
0xc6: {  	[dreg:$0x0] =	wrdreg $0xFFFFFFFF;
	(pc) =	sbr.abs _section_cstart, $3  }
0xc7: {  	[dreg:$0x1] =	wrdreg $0xFFFFFFFF  }
0xc8: {  	_ =	task.clear_ibuf [dreg:s11], $0x2FFFF;
	_ =	strace $0x9FFFFFFF  }
0xc9: {  	(tm) =	ssettm $0x7FFFFFFF  }
tec
execute0_lowered:
.L_overlay_start_1:
0x0: {  	(tag) =	ssettag $0x1  }
0x1: {  	v0 =	vimm.s32 $0x30201000;
	v1 =	vimm.s32 $0x70605040;
	vm0 =	vcmask $0xF00  }
0x2: {  	vm1 =	vcmask $0x1F10;
	vm6 =	vcmask $0x2320;
	vm5 =	vcmask $0x2724  }
0x3: {  	v2 =	vimm.s32 $0xF0E0D0C0;
	vm4 =	vcmask $0x2B28;
	vm3 =	vcmask $0x2F2C  }
0x4: {  	vm2 =	vcmask $0x3330;
	vm14 =	vcmask $0x300;
	vm10 =	vcmask $0x704  }
0x5: {  	vm9 =	vcmask $0xB08;
	vm7 =	vcmask $0xF0C;
	v3 =	vimm.s32 $0x5F0  }
0x6: {  	v4 =	vimm.s32 $0x670;
	vm8 =	vcmask $0x1310;
	vm11 =	vcmask $0x1714  }
0x7: {  	vm12 =	vcmask $0x1B18;
	vm13 =	vcmask $0x1F1C;
	v5 =	vimm.s32 $0x6F0  }
0x8: {  	v6 =	vimm.s32 $0x770;
	v7 =	vimm.s32 $0x7F0;
	v0 =	vunpack.c.0.s8.s32 v0  }
0x9: {  	v1 =	vunpack.c.0.s8.s32 v1;
	v2 =	vunpack.c.0.s8.s32 v2;
	v3 =	vsel vm14, $0x180, v3  }
0xa: {  	v4 =	vsel vm14, $0x200, v4;
	v5 =	vsel vm14, $0x280, v5;
	v6 =	vsel vm14, $0x300, v6  }
0xb: {  	v7 =	vsel vm14, $0x380, v7;
	v3 =	vsel vm10, $0x190, v3;
	v4 =	vsel vm10, $0x210, v4  }
0xc: {  	v5 =	vsel vm10, $0x290, v5;
	v6 =	vsel vm10, $0x310, v6;
	v7 =	vsel vm10, $0x390, v7  }
0xd: {  	v0 =	vnsel vm0, $0x470, v0;
	v2 =	vand.u32 $0xFF, v2;
	v3 =	vsel vm9, $0x1A0, v3  }
0xe: {  	v4 =	vsel vm9, $0x220, v4;
	v5 =	vsel vm9, $0x2A0, v5;
	v6 =	vsel vm9, $0x320, v6  }
0xf: {  	v7 =	vsel vm9, $0x3A0, v7;
	v0 =	vsel vm1, v1, v0;
	v1 =	vimm.s32 $0xB0A09080  }
0x10: {  	v3 =	vsel vm7, $0x1B0, v3;
	v4 =	vsel vm7, $0x230, v4;
	v5 =	vsel vm7, $0x2B0, v5  }
0x11: {  	v6 =	vsel vm7, $0x330, v6;
	v7 =	vsel vm7, $0x3B0, v7;
	v0 =	vsel vm6, $0x400, v0  }
0x12: {  	v1 =	vunpack.c.0.s8.s32 v1;
	v3 =	vsel vm8, $0x1C0, v3;
	v4 =	vsel vm8, $0x240, v4  }
0x13: {  	v5 =	vsel vm8, $0x2C0, v5;
	v6 =	vsel vm8, $0x340, v6;
	v7 =	vsel vm8, $0x3C0, v7  }
0x14: {  	v0 =	vsel vm5, $0x410, v0;
	v3 =	vsel vm11, $0x1D0, v3;
	v4 =	vsel vm11, $0x250, v4  }
0x15: {  	v5 =	vsel vm11, $0x2D0, v5;
	v6 =	vsel vm11, $0x350, v6;
	v7 =	vsel vm11, $0x3D0, v7  }
0x16: {  	v0 =	vsel vm4, $0x420, v0;
	v1 =	vand.u32 $0xFF, v1;
	v3 =	vsel vm12, $0x1E0, v3  }
0x17: {  	v4 =	vsel vm12, $0x260, v4;
	v5 =	vsel vm12, $0x2E0, v5;
	v6 =	vsel vm12, $0x360, v6  }
0x18: {  	v7 =	vsel vm12, $0x3E0, v7;
	v1 =	vnsel vm0, $0x4F0, v1;
	v0 =	vsel vm3, $0x430, v0  }
0x19: {  	vm0 =	vcmask $0x3B38;
	v3 =	vsel vm13, $0x1F0, v3;
	v4 =	vsel vm13, $0x270, v4  }
0x1a: {  	v5 =	vsel vm13, $0x2F0, v5;
	v6 =	vsel vm13, $0x370, v6;
	v7 =	vsel vm13, $0x3F0, v7  }
0x1b: {  	v1 =	vsel vm1, v2, v1;
	v0 =	vsel vm2, $0x440, v0;
	vm1 =	vcmask $0x3734  }
0x1c: {  	v2 =	vimm.s32 $0x570;
	v3 =	vsel vm6, $0x580, v3;
	v4 =	vsel vm6, $0x600, v4  }
0x1d: {  	v5 =	vsel vm6, $0x680, v5;
	v6 =	vsel vm6, $0x700, v6;
	v7 =	vsel vm6, $0x780, v7  }
0x1e: {  	v1 =	vsel vm6, $0x480, v1;
	v0 =	vsel vm1, $0x450, v0;
	v2 =	vsel vm14, $0x100, v2  }
0x1f: {  	v3 =	vsel vm5, $0x590, v3;
	v4 =	vsel vm5, $0x610, v4;
	v5 =	vsel vm5, $0x690, v5  }
0x20: {  	v6 =	vsel vm5, $0x710, v6;
	v7 =	vsel vm5, $0x790, v7;
	v1 =	vsel vm5, $0x490, v1  }
0x21: {  	v0 =	vsel vm0, $0x460, v0;
	v2 =	vsel vm10, $0x110, v2;
	v3 =	vsel vm4, $0x5A0, v3  }
0x22: {  	v4 =	vsel vm4, $0x620, v4;
	v5 =	vsel vm4, $0x6A0, v5;
	v6 =	vsel vm4, $0x720, v6  }
0x23: {  	s2 =	rddreg [dreg:$0x0];
	v7 =	vsel vm4, $0x7A0, v7;
	v1 =	vsel vm4, $0x4A0, v1;
	v2 =	vsel vm9, $0x120, v2  }
0x24: {  	s4 =	rddreg [dreg:$0x1];
	v3 =	vsel vm3, $0x5B0, v3;
	v4 =	vsel vm3, $0x630, v4;
	v2 =	vsel vm7, $0x130, v2  }
0x25: {  	s31 =	rddreg [dreg:$0x2];
	v5 =	vsel vm3, $0x6B0, v5;
	v6 =	vsel vm3, $0x730, v6;
	v2 =	vsel vm8, $0x140, v2  }
0x26: {  	s20 =	rddreg [dreg:$0x3];
	v7 =	vsel vm3, $0x7B0, v7;
	v1 =	vsel vm3, $0x4B0, v1;
	v2 =	vsel vm11, $0x150, v2  }
0x27: {  	s5 =	rddreg [dreg:$0x4];
	s3 =	simm.s32 $0x0;
	s6 =	srdreg.scid;
	v3 =	vsel vm2, $0x5C0, v3;
	v4 =	vsel vm2, $0x640, v4;
	v2 =	vsel vm12, $0x160, v2  }
0x28: {  	s0 =	stileid.u32;
	s1 =	simm.s32 $0x3;
	s6 =	sand.u32 $0x1, s6;
	v5 =	vsel vm2, $0x6C0, v5;
	v6 =	vsel vm2, $0x740, v6;
	v2 =	vsel vm13, $0x170, v2  }
0x29: {  	s8 =	sshll.u32 s0, $0x7;
	s7 =	ssub.s32 $0x2, s6;
	s6 =	sshll.u32 s6, $0x6;
	v7 =	vsel vm2, $0x7C0, v7;
	v1 =	vsel vm2, $0x4C0, v1;
	v2 =	vsel vm6, $0x500, v2  }
0x2a: {  	s12 =	simm.s32 $0x400;
	[smem:$0x7FF] =	sst s3;
	s6 =	sor.u32 s6, s8;
	v3 =	vsel vm1, $0x5D0, v3;
	v4 =	vsel vm1, $0x650, v4;
	v2 =	vsel vm5, $0x510, v2  }
0x2b: {  	s13 =	simm.s32 $0x2400;
	_ =	strace $0x80000047;
	s26 =	sadd.s32 s2, s6;
	v5 =	vsel vm1, $0x6D0, v5;
	v6 =	vsel vm1, $0x750, v6;
	v2 =	vsel vm4, $0x520, v2  }
0x2c: {  	s9 =	sshrl.u32 s7, $0x1;
	s28 =	sadd.s32 s4, s6;
	[dreg:$0x7] =	wrdreg s26;
	v7 =	vsel vm1, $0x7D0, v7;
	v1 =	vsel vm1, $0x4D0, v1;
	v2 =	vsel vm3, $0x530, v2  }
0x2d: {  	s7 =	ssub.s32 s7, s9;
	s29 =	sadd.s32 s5, s6;
	[dreg:$0x8] =	wrdreg s28;
	v3 =	vsel vm0, $0x5E0, v3;
	v4 =	vsel vm0, $0x660, v4;
	v2 =	vsel vm2, $0x540, v2  }
0x2e: {  	s15 =	simm.s32 $0x4400;
	[dreg:$0x9] =	wrdreg s29;
	s30 =	smax.u32 s7, $0x1;
	v5 =	vsel vm0, $0x6E0, v5;
	v6 =	vsel vm0, $0x760, v6;
	v2 =	vsel vm1, $0x550, v2  }
0x2f: {  	s16 =	simm.s32 $0x6400;
	s2 =	simm.s32 $0x0;
	[dreg:$0xa] =	wrdreg s30;
	v7 =	vsel vm0, $0x7E0, v7;
	v1 =	vsel vm0, $0x4E0, v1;
	v2 =	vsel vm0, $0x560, v2  }
.LBB2_1:
0x30: {  	[dreg:$0xb] =	wrdreg s2  }
0x31: {  	s0 =	rddreg [dreg:$0x7]  }
0x32: {  	[tilespmem:s3], [sflag:$0x3] =	stream.linear.gather [hbm4b:s0+s3], $0x200, $0x38;
	[tilespmem:$0x8600] =	vst v63  }
0x33: {  	_ =	swait.ge [sflag:s1], $0x200  }
0x34: {  	[sflag:s1] =	ssyncset.done $0x0  }
0x35: {  	s22 =	simm.s32 $0x200;
	s21 =	rddreg [dreg:$0x8];
	[sflag:s1] =	ssyncadd.s32 $0xFFFFFE00  }
0x36: {  	[tilespmem:s22], [sflag:$0x3] =	stream.linear.gather [hbm4b:s21+s3], $0x200, $0x38;
	[tilespmem:$0x8600] =	vst v63  }
0x37: {  	_ =	swait.ge [sflag:s1], $0x200  }
0x38: {  	[sflag:s1] =	ssyncset.done $0x0  }
0x39: {  	[sflag:s1] =	ssyncadd.s32 $0xFFFFFE00  }
0x3a: {  	v8 =	vld [tilespmem:$0x200]  }
0x3b: {  	v9 =	vld [tilespmem:$0x0];
	_ =	sdelay $0x2  }
0x3c: {  	v10 =	vmov s3  }
0x3d: {  	v11 =	vperm.xlane v8, v10  }
0x3e: {  	v10 =	vperm.xlane v9, v10  }
0x3f: {  	(v2sf) =	vpush v11, $0x0  }
0x40: {  	(v2sf) =	vpush v10, $0x0;
	_ =	sdelay $0xd  }
0x41: {  	s2 =	spop (v2sf)  }
0x42: {  	s4 =	spop (v2sf)  }
0x43: {  	s5 =	sand.u32 $0xF, s4  }
0x44: {  	s6 =	sshra.s32 s4, $0x1F;
	p0 =	slt.s32 s4, $0x1;
	p1 =	sne.s32 s5, $0x0  }
0x45: {  	s23 =	sshrl.u32 s6, $0x1C;
	p0 =	por !p0, !p1  }
0x46: {  	s5 =	simm.s32 $0x1;
	s4 =	sadd.s32 s23, s4;
	p0 =	por !p0, !p0  }
0x47: {  	s4 =	sshra.s32 s4, $0x4;
	s5 =	simm.s32 @!p0 $0x0  }
0x48: {  	s4 =	ssub.s32 s4, s5  }
0x49: {  	s5 =	sshll.u32 s4, $0x7;
	s4 =	sshll.u32 s4, $0x4  }
0x4a: {  	s5 =	sand.u32 $0xFFFFFC00, s5;
	s4 =	sand.u32 $0x70, s4  }
0x4b: {  	s24 =	sand.u32 $0x400, s3;
	s25 =	sand.u32 $0x70, s3;
	s4 =	sor.u32 s4, s5  }
0x4c: {  	s0 =	smov.u32 s20;
	s20 =	sor.u32 s25, s24;
	s4 =	sshrl.u32 s4, $0x3  }
0x4d: {  	s5 =	sadd.s32 $0x400, s20;
	s4 =	sadd.s32 s31, s4  }
0x4e: {  	[tilespmem:s5], [sflag:$0x1] =	stream.linear.gather [hbm4b:s4+s3], $0x10, $0x38;
	[tilespmem:$0x8600] =	vst v63  }
0x4f: {  	s6 =	sadd.s32 $0x480, s20;
	s26 =	sadd.s32 $0x10, s4  }
0x50: {  	[tilespmem:s6], [sflag:$0x1] =	stream.linear.gather [hbm4b:s26+s3], $0x10, $0x38;
	[tilespmem:$0x8600] =	vst v63  }
0x51: {  	s1 =	sadd.s32 $0x500, s20;
	s31 =	sadd.s32 $0x20, s4  }
0x52: {  	[tilespmem:s1], [sflag:$0x1] =	stream.linear.gather [hbm4b:s31+s3], $0x10, $0x38;
	[tilespmem:$0x8600] =	vst v63  }
0x53: {  	s8 =	sadd.s32 $0x580, s20;
	s7 =	sadd.s32 $0x30, s4  }
0x54: {  	[tilespmem:s8], [sflag:$0x1] =	stream.linear.gather [hbm4b:s7+s3], $0x10, $0x38;
	[tilespmem:$0x8600] =	vst v63  }
0x55: {  	s10 =	sadd.s32 $0x600, s20;
	s14 =	sadd.s32 $0x680, s20;
	s9 =	sadd.s32 $0x40, s4  }
0x56: {  	[tilespmem:s10], [sflag:$0x1] =	stream.linear.gather [hbm4b:s9+s3], $0x10, $0x38;
	[tilespmem:$0x8600] =	vst v63  }
0x57: {  	s18 =	sadd.s32 $0x700, s20;
	s29 =	sadd.s32 $0x2580, s20;
	s11 =	sadd.s32 $0x50, s4  }
0x58: {  	[tilespmem:s14], [sflag:$0x1] =	stream.linear.gather [hbm4b:s11+s3], $0x10, $0x38;
	[tilespmem:$0x8600] =	vst v63  }
0x59: {  	s28 =	sadd.s32 $0x3780, s20;
	s30 =	sadd.s32 $0x3700, s20;
	s17 =	sadd.s32 $0x60, s4  }
0x5a: {  	[tilespmem:s18], [sflag:$0x1] =	stream.linear.gather [hbm4b:s17+s3], $0x10, $0x38;
	[tilespmem:$0x8600] =	vst v63  }
0x5b: {  	s21 =	sadd.s32 $0x780, s20;
	s19 =	sadd.s32 $0x70, s4;
	s22 =	sadd.s32 $0xF4280, s4  }
0x5c: {  	[tilespmem:s21], [sflag:$0x1] =	stream.linear.gather [hbm4b:s19+s3], $0x10, $0x38;
	[tilespmem:$0x8600] =	vst v63  }
0x5d: {  	p5 =	slt.s32 s2, $0x1;
	s23 =	sadd.s32 $0xC00, s20;
	s24 =	sadd.s32 $0x10, s22  }
0x5e: {  	[tilespmem:s23], [sflag:$0x1] =	stream.linear.gather [hbm4b:s22+s3], $0x10, $0x38;
	[tilespmem:$0x8600] =	vst v63  }
0x5f: {  	s25 =	sadd.s32 $0x20, s22;
	s5 =	sadd.s32 $0x70, s22;
	s7 =	sadd.s32 $0xC80, s20  }
0x60: {  	[tilespmem:s7], [sflag:$0x1] =	stream.linear.gather [hbm4b:s24+s3], $0x10, $0x38;
	[tilespmem:$0x8600] =	vst v63  }
0x61: {  	s6 =	sshra.s32 s2, $0x1F;
	s26 =	sadd.s32 $0x30, s22;
	s8 =	sadd.s32 $0xD00, s20  }
0x62: {  	[tilespmem:s8], [sflag:$0x1] =	stream.linear.gather [hbm4b:s25+s3], $0x10, $0x38;
	[tilespmem:$0x8600] =	vst v63  }
0x63: {  	s6 =	sshrl.u32 s6, $0x1C;
	s31 =	sadd.s32 $0xD80, s20;
	s1 =	sand.u32 $0xF, s2  }
0x64: {  	[tilespmem:s31], [sflag:$0x1] =	stream.linear.gather [hbm4b:s26+s3], $0x10, $0x38;
	[tilespmem:$0x8600] =	vst v63  }
0x65: {  	s2 =	sadd.s32 s6, s2;
	s9 =	sadd.s32 $0x40, s22;
	s10 =	sadd.s32 $0xE00, s20  }
0x66: {  	[tilespmem:s10], [sflag:$0x1] =	stream.linear.gather [hbm4b:s9+s3], $0x10, $0x38;
	[tilespmem:$0x8600] =	vst v63  }
0x67: {  	p6 =	sne.s32 s1, $0x0;
	s11 =	sadd.s32 $0x50, s22;
	s14 =	sadd.s32 $0xE80, s20  }
0x68: {  	[tilespmem:s14], [sflag:$0x1] =	stream.linear.gather [hbm4b:s11+s3], $0x10, $0x38;
	[tilespmem:$0x8600] =	vst v63  }
0x69: {  	s1 =	sadd.s32 $0x1580, s20;
	s17 =	sadd.s32 $0x60, s22;
	s18 =	sadd.s32 $0xF00, s20  }
0x6a: {  	[tilespmem:s18], [sflag:$0x1] =	stream.linear.gather [hbm4b:s17+s3], $0x10, $0x38;
	[tilespmem:$0x8600] =	vst v63  }
0x6b: {  	s2 =	sshra.s32 s2, $0x4;
	p0 =	por !p5, !p6;
	s19 =	sadd.s32 $0xF80, s20  }
0x6c: {  	[tilespmem:s19], [sflag:$0x1] =	stream.linear.gather [hbm4b:s5+s3], $0x10, $0x38;
	[tilespmem:$0x8600] =	vst v63  }
0x6d: {  	p0 =	por !p0, !p0;
	s21 =	sadd.s32 $0x1E8500, s4;
	s22 =	sadd.s32 $0x1400, s20  }
0x6e: {  	[tilespmem:s22], [sflag:$0x1] =	stream.linear.gather [hbm4b:s21+s3], $0x10, $0x38;
	[tilespmem:$0x8600] =	vst v63  }
0x6f: {  	s4 =	sadd.s32 $0x2DC780, s4;
	s23 =	sadd.s32 $0x10, s21;
	s24 =	sadd.s32 $0x1480, s20  }
0x70: {  	[tilespmem:s24], [sflag:$0x1] =	stream.linear.gather [hbm4b:s23+s3], $0x10, $0x38;
	[tilespmem:$0x8600] =	vst v63  }
0x71: {  	s6 =	sadd.s32 $0x40, s4;
	s25 =	sadd.s32 $0x20, s21;
	s26 =	sadd.s32 $0x1500, s20  }
0x72: {  	[tilespmem:s26], [sflag:$0x1] =	stream.linear.gather [hbm4b:s25+s3], $0x10, $0x38;
	[tilespmem:$0x8600] =	vst v63  }
0x73: {  	s7 =	sadd.s32 $0x1E00, s20;
	s8 =	sadd.s32 $0x40, s21;
	s31 =	sadd.s32 $0x30, s21  }
0x74: {  	[tilespmem:s1], [sflag:$0x1] =	stream.linear.gather [hbm4b:s31+s3], $0x10, $0x38;
	[tilespmem:$0x8600] =	vst v63  }
0x75: {  	s9 =	sadd.s32 $0x1600, s20;
	s10 =	sadd.s32 $0x50, s21;
	s5 =	simm.s32 $0x1  }
0x76: {  	[tilespmem:s9], [sflag:$0x1] =	stream.linear.gather [hbm4b:s8+s3], $0x10, $0x38;
	[tilespmem:$0x8600] =	vst v63  }
0x77: {  	s11 =	sadd.s32 $0x1680, s20;
	s17 =	sadd.s32 $0x60, s21;
	s5 =	simm.s32 @!p0 $0x0  }
0x78: {  	[tilespmem:s11], [sflag:$0x1] =	stream.linear.gather [hbm4b:s10+s3], $0x10, $0x38;
	[tilespmem:$0x8600] =	vst v63  }
0x79: {  	s18 =	sadd.s32 $0x1700, s20;
	s19 =	sadd.s32 $0x70, s21;
	s2 =	ssub.s32 s2, s5  }
0x7a: {  	[tilespmem:s18], [sflag:$0x1] =	stream.linear.gather [hbm4b:s17+s3], $0x10, $0x38;
	[tilespmem:$0x8600] =	vst v63  }
0x7b: {  	s21 =	sadd.s32 $0x1780, s20;
	s14 =	sshll.u32 s2, $0x7;
	s2 =	sshll.u32 s2, $0x4  }
0x7c: {  	[tilespmem:s21], [sflag:$0x1] =	stream.linear.gather [hbm4b:s19+s3], $0x10, $0x38;
	[tilespmem:$0x8600] =	vst v63  }
0x7d: {  	s22 =	sadd.s32 $0x1C00, s20;
	s5 =	sand.u32 $0xFFFFFC00, s14;
	s2 =	sand.u32 $0x70, s2  }
0x7e: {  	[tilespmem:s22], [sflag:$0x1] =	stream.linear.gather [hbm4b:s4+s3], $0x10, $0x38;
	[tilespmem:$0x8600] =	vst v63  }
0x7f: {  	s23 =	sadd.s32 $0x10, s4;
	s24 =	sadd.s32 $0x1C80, s20;
	s14 =	sadd.s32 $0x1F80, s20  }
0x80: {  	[tilespmem:s24], [sflag:$0x1] =	stream.linear.gather [hbm4b:s23+s3], $0x10, $0x38;
	[tilespmem:$0x8600] =	vst v63  }
0x81: {  	s2 =	sor.u32 s2, s5;
	s25 =	sadd.s32 $0x20, s4;
	s26 =	sadd.s32 $0x1D00, s20  }
0x82: {  	[tilespmem:s26], [sflag:$0x1] =	stream.linear.gather [hbm4b:s25+s3], $0x10, $0x38;
	[tilespmem:$0x8600] =	vst v63  }
0x83: {  	s2 =	sshrl.u32 s2, $0x3;
	s31 =	sadd.s32 $0x30, s4;
	s1 =	sadd.s32 $0x1D80, s20  }
0x84: {  	[tilespmem:s1], [sflag:$0x1] =	stream.linear.gather [hbm4b:s31+s3], $0x10, $0x38;
	[tilespmem:$0x8600] =	vst v63  }
0x85: {  	s2 =	sadd.s32 s0, s2;
	s8 =	sadd.s32 $0x50, s4;
	s9 =	sadd.s32 $0x1E80, s20  }
0x86: {  	[tilespmem:s7], [sflag:$0x1] =	stream.linear.gather [hbm4b:s6+s3], $0x10, $0x38;
	[tilespmem:$0x8600] =	vst v63  }
0x87: {  	s10 =	sadd.s32 $0x60, s4;
	s11 =	sadd.s32 $0x1F00, s20;
	s17 =	sadd.s32 $0x2400, s20  }
0x88: {  	[tilespmem:s9], [sflag:$0x1] =	stream.linear.gather [hbm4b:s8+s3], $0x10, $0x38;
	[tilespmem:$0x8600] =	vst v63  }
0x89: {  	s18 =	sadd.s32 $0x10, s2;
	s21 =	simm.s32 $0x10;
	s19 =	sadd.s32 $0x2480, s20  }
0x8a: {  	[tilespmem:s11], [sflag:$0x1] =	stream.linear.gather [hbm4b:s10+s3], $0x10, $0x38;
	[tilespmem:$0x8600] =	vst v63  }
0x8b: {  	s22 =	simm.s32 $0x80;
	s4 =	sadd.s32 $0x70, s4;
	s24 =	sadd.s32 $0x3C80, s20  }
0x8c: {  	[tilespmem:s14], [sflag:$0x1] =	stream.linear.gather [hbm4b:s4+s3], $0x10, $0x38;
	[tilespmem:$0x8600] =	vst v63  }
0x8d: {  	s23 =	sadd.s32 $0x20, s2;
	s26 =	simm.s32 $0x1;
	s25 =	sadd.s32 $0x3C00, s20  }
0x8e: {  	[tilespmem:s17], [sflag:$0x1] =	stream.linear.gather [hbm4b:s2+s3], $0x10, $0x38;
	[tilespmem:$0x8600] =	vst v63  }
0x8f: {  	s31 =	sadd.s32 $0x2500, s20;
	s7 =	sadd.s32 $0x3F80, s20;
	s6 =	sadd.s32 $0x30, s2  }
0x90: {  	[tilespmem:s19], [sflag:$0x1] =	stream.linear.gather [hbm4b:s18+s3], $0x10, $0x38;
	[tilespmem:$0x8600] =	vst v63  }
0x91: {  	s10 =	sadd.s32 $0x3600, s20;
	s4 =	sadd.s32 $0x3680, s20;
	s19 =	simm.s32 $0x0  }
0x92: {  	[tilespmem:s31], [sflag:$0x1] =	stream.linear.gather [hbm4b:s23+s3], $0x10, $0x38;
	[tilespmem:$0x8600] =	vst v63  }
.LBB2_2:
0x93: {  	[dreg:$0x6] =	wrdreg s7;
	v10 =	vmov s26;
	s5 =	sadd.s32 $0x3480, s20;
	s17 =	sadd.s32 $0x3500, s20  }
0x94: {  	[tilespmem:s29], [sflag:$0x1] =	stream.linear.gather [hbm4b:s6+s19], $0x10, $0x38;
	v11 =	vperm.xlane v9, v10;
	v10 =	vperm.xlane v8, v10;
	[tilespmem:$0x8600] =	vst v63  }
0x95: {  	s31 =	sadd.s32 $0x3580, s20;
	s7 =	sadd.s32 $0x40, s2;
	s8 =	sadd.s32 $0x2600, s20  }
0x96: {  	[tilespmem:s8], [sflag:$0x1] =	stream.linear.gather [hbm4b:s7+s19], $0x10, $0x38;
	(v2sf) =	vpush v10, $0x0;
	[tilespmem:$0x8600] =	vst v63  }
0x97: {  	s11 =	smov.u32 s26;
	s14 =	sadd.s32 $0x50, s2;
	s29 =	sadd.s32 $0x2680, s20  }
0x98: {  	[tilespmem:s29], [sflag:$0x1] =	stream.linear.gather [hbm4b:s14+s19], $0x10, $0x38;
	[tilespmem:$0x8600] =	vst v63  }
0x99: {  	s6 =	sadd.s32 $0x3400, s20;
	s18 =	sadd.s32 $0x60, s2;
	s29 =	sadd.s32 $0x2700, s20  }
0x9a: {  	(v2sf) =	vpush v11, $0x0;
	[tilespmem:s29], [sflag:$0x1] =	stream.linear.gather [hbm4b:s18+s19], $0x10, $0x38;
	[tilespmem:$0x8600] =	vst v63  }
0x9b: {  	s9 =	sadd.s32 $0x2F00, s20;
	s23 =	sadd.s32 $0x70, s2;
	s29 =	sadd.s32 $0x2780, s20  }
0x9c: {  	[tilespmem:s29], [sflag:$0x1] =	stream.linear.gather [hbm4b:s23+s19], $0x10, $0x38;
	[tilespmem:$0x8600] =	vst v63  }
0x9d: {  	s0 =	sadd.s32 $0x2C00, s20;
	s11 =	sadd.s32 $0xF4280, s2;
	s8 =	sadd.s32 $0x2F80, s20  }
0x9e: {  	[tilespmem:s0], [sflag:$0x1] =	stream.linear.gather [hbm4b:s11+s19], $0x10, $0x38;
	[tilespmem:$0x8600] =	vst v63  }
0x9f: {  	s1 =	sadd.s32 $0x10, s11;
	s7 =	sadd.s32 $0x30, s11;
	s14 =	sadd.s32 $0x2C80, s20  }
0xa0: {  	[tilespmem:s14], [sflag:$0x1] =	stream.linear.gather [hbm4b:s1+s19], $0x10, $0x38;
	[tilespmem:$0x8600] =	vst v63  }
0xa1: {  	s23 =	sadd.s32 $0x2D00, s20;
	s0 =	sadd.s32 $0x50, s11;
	s14 =	sadd.s32 $0x20, s11  }
0xa2: {  	[tilespmem:s23], [sflag:$0x1] =	stream.linear.gather [hbm4b:s14+s19], $0x10, $0x38;
	[tilespmem:$0x8600] =	vst v63  }
0xa3: {  	s1 =	sadd.s32 $0x70, s11;
	s14 =	sadd.s32 $0x2D80, s20;
	s23 =	sadd.s32 $0x60, s11  }
0xa4: {  	[tilespmem:s14], [sflag:$0x1] =	stream.linear.gather [hbm4b:s7+s19], $0x10, $0x38;
	[tilespmem:$0x8600] =	vst v63  }
0xa5: {  	s11 =	sadd.s32 $0x40, s11;
	s14 =	sadd.s32 $0x2E00, s20;
	s7 =	spop (v2sf)  }
0xa6: {  	[tilespmem:s14], [sflag:$0x1] =	stream.linear.gather [hbm4b:s11+s19], $0x10, $0x38;
	[tilespmem:$0x8600] =	vst v63  }
0xa7: {  	s18 =	sadd.s32 $0x2E80, s20;
	s29 =	sadd.s32 $0x1E8500, s2;
	s11 =	sshra.s32 s7, $0x1F  }
0xa8: {  	[tilespmem:s18], [sflag:$0x1] =	stream.linear.gather [hbm4b:s0+s19], $0x10, $0x38;
	[tilespmem:$0x8600] =	vst v63  }
0xa9: {  	p0 =	slt.s32 s7, $0x1;
	s14 =	sand.u32 $0xF, s7;
	s0 =	spop (v2sf)  }
0xaa: {  	p1 =	sne.s32 s14, $0x0;
	s14 =	sadd.s32 $0x10, s29;
	s18 =	sshra.s32 s0, $0x1F  }
0xab: {  	[tilespmem:s9], [sflag:$0x1] =	stream.linear.gather [hbm4b:s23+s19], $0x10, $0x38;
	[tilespmem:$0x8600] =	vst v63  }
0xac: {  	p0 =	por !p0, !p1;
	p6 =	slt.s32 s0, $0x1;
	s23 =	sand.u32 $0xF, s0  }
0xad: {  	[tilespmem:s8], [sflag:$0x1] =	stream.linear.gather [hbm4b:s1+s19], $0x10, $0x38;
	[tilespmem:$0x8600] =	vst v63  }
0xae: {  	s9 =	sshrl.u32 s18, $0x1C;
	s18 =	sadd.s32 $0x40, s29;
	p2 =	sne.s32 s23, $0x0  }
0xaf: {  	[tilespmem:s6], [sflag:$0x1] =	stream.linear.gather [hbm4b:s29+s19], $0x10, $0x38;
	[tilespmem:$0x8600] =	vst v63  }
0xb0: {  	s0 =	sadd.s32 s9, s0;
	s23 =	sadd.s32 $0x60, s29;
	s9 =	simm.s32 $0x1  }
0xb1: {  	[tilespmem:s5], [sflag:$0x1] =	stream.linear.gather [hbm4b:s14+s19], $0x10, $0x38;
	[tilespmem:$0x8600] =	vst v63  }
0xb2: {  	p1 =	por !p6, !p2;
	p2 =	por !p0, !p0;
	s14 =	sadd.s32 $0x20, s29  }
0xb3: {  	[tilespmem:s17], [sflag:$0x1] =	stream.linear.gather [hbm4b:s14+s19], $0x10, $0x38;
	[tilespmem:$0x8600] =	vst v63  }
0xb4: {  	s1 =	simm.s32 $0x1;
	s0 =	sshra.s32 s0, $0x4;
	s17 =	sadd.s32 $0x30, s29  }
0xb5: {  	[tilespmem:s31], [sflag:$0x1] =	stream.linear.gather [hbm4b:s17+s19], $0x10, $0x38;
	[tilespmem:$0x8600] =	vst v63  }
0xb6: {  	s8 =	sadd.s32 $0x3E80, s20;
	p0 =	por !p1, !p1;
	s1 =	simm.s32 @!p2 $0x0  }
0xb7: {  	[tilespmem:s10], [sflag:$0x1] =	stream.linear.gather [hbm4b:s18+s19], $0x10, $0x38;
	[tilespmem:$0x8600] =	vst v63  }
0xb8: {  	s9 =	simm.s32 @!p0 $0x0;
	s6 =	sadd.s32 $0x3E00, s20;
	s10 =	sadd.s32 $0x50, s29  }
0xb9: {  	[tilespmem:s4], [sflag:$0x1] =	stream.linear.gather [hbm4b:s10+s19], $0x10, $0x38;
	[tilespmem:$0x8600] =	vst v63  }
0xba: {  	s0 =	ssub.s32 s0, s9;
	s9 =	sshrl.u32 s11, $0x1C;
	s5 =	sadd.s32 $0x2DC780, s2  }
0xbb: {  	[tilespmem:s30], [sflag:$0x1] =	stream.linear.gather [hbm4b:s23+s19], $0x10, $0x38;
	[tilespmem:$0x8600] =	vst v63  }
0xbc: {  	s11 =	sshll.u32 s0, $0x7;
	s0 =	sshll.u32 s0, $0x4;
	s14 =	sadd.s32 $0x70, s29  }
0xbd: {  	[tilespmem:s28], [sflag:$0x1] =	stream.linear.gather [hbm4b:s14+s19], $0x10, $0x38;
	[tilespmem:$0x8600] =	vst v63  }
0xbe: {  	s2 =	sadd.s32 s9, s7;
	s9 =	sadd.s32 $0x3F00, s20;
	s0 =	sand.u32 $0x70, s0  }
0xbf: {  	[tilespmem:s25], [sflag:$0x1] =	stream.linear.gather [hbm4b:s5+s19], $0x10, $0x38;
	[tilespmem:$0x8600] =	vst v63  }
0xc0: {  	s2 =	sshra.s32 s2, $0x4;
	s7 =	sadd.s32 $0x50, s5;
	s18 =	sadd.s32 $0x10, s5  }
0xc1: {  	[tilespmem:s24], [sflag:$0x1] =	stream.linear.gather [hbm4b:s18+s19], $0x10, $0x38;
	[tilespmem:$0x8600] =	vst v63  }
0xc2: {  	s1 =	ssub.s32 s2, s1;
	s23 =	sadd.s32 $0x20, s5;
	s24 =	sadd.s32 $0x3D00, s20  }
0xc3: {  	[tilespmem:s24], [sflag:$0x1] =	stream.linear.gather [hbm4b:s23+s19], $0x10, $0x38;
	[tilespmem:$0x8600] =	vst v63  }
0xc4: {  	s31 =	sadd.s32 $0x3D80, s20;
	s4 =	sand.u32 $0xFFFFFC00, s11;
	s25 =	sadd.s32 $0x30, s5  }
0xc5: {  	[tilespmem:s31], [sflag:$0x1] =	stream.linear.gather [hbm4b:s25+s19], $0x10, $0x38;
	[tilespmem:$0x8600] =	vst v63  }
0xc6: {  	s17 =	sshll.u32 s1, $0x7;
	s0 =	sor.u32 s0, s4;
	s4 =	sadd.s32 $0x40, s5  }
0xc7: {  	[tilespmem:s6], [sflag:$0x1] =	stream.linear.gather [hbm4b:s4+s19], $0x10, $0x38;
	[tilespmem:$0x8600] =	vst v63  }
0xc8: {  	s2 =	sand.u32 $0xFFFFFC00, s17;
	s17 =	rddreg [dreg:$0x2];
	s10 =	sand.u32 $0x400, s22  }
0xc9: {  	[tilespmem:s8], [sflag:$0x1] =	stream.linear.gather [hbm4b:s7+s19], $0x10, $0x38;
	[tilespmem:$0x8600] =	vst v63  }
0xca: {  	s11 =	sand.u32 $0x70, s21;
	s0 =	sshrl.u32 s0, $0x3;
	s14 =	sadd.s32 $0x60, s5  }
0xcb: {  	[tilespmem:s9], [sflag:$0x1] =	stream.linear.gather [hbm4b:s14+s19], $0x10, $0x38;
	[tilespmem:$0x8600] =	vst v63  }
0xcc: {  	s20 =	sor.u32 s11, s10;
	s18 =	sadd.s32 $0x70, s5;
	s23 =	rddreg [dreg:$0x6]  }
0xcd: {  	[tilespmem:s23], [sflag:$0x1] =	stream.linear.gather [hbm4b:s18+s19], $0x10, $0x38;
	[tilespmem:$0x8600] =	vst v63  }
0xce: {  	s24 =	sadd.s32 $0x400, s20;
	s4 =	sadd.s32 s17, s0;
	s19 =	simm.s32 $0x0  }
0xcf: {  	[tilespmem:s24], [sflag:$0x1] =	stream.linear.gather [hbm4b:s4+s19], $0x10, $0x38;
	[tilespmem:$0x8600] =	vst v63  }
0xd0: {  	s5 =	sadd.s32 $0x480, s20;
	s25 =	sadd.s32 $0x10, s4  }
0xd1: {  	[tilespmem:s5], [sflag:$0x1] =	stream.linear.gather [hbm4b:s25+s19], $0x10, $0x38;
	[tilespmem:$0x8600] =	vst v63  }
0xd2: {  	s6 =	sadd.s32 $0x20, s4;
	s7 =	sadd.s32 $0x500, s20  }
0xd3: {  	[tilespmem:s7], [sflag:$0x1] =	stream.linear.gather [hbm4b:s6+s19], $0x10, $0x38;
	[tilespmem:$0x8600] =	vst v63  }
0xd4: {  	p0 =	sne.s32 s26, $0xF;
	s8 =	sadd.s32 $0x30, s4;
	s9 =	sadd.s32 $0x580, s20  }
0xd5: {  	[tilespmem:s9], [sflag:$0x1] =	stream.linear.gather [hbm4b:s8+s19], $0x10, $0x38;
	[tilespmem:$0x8600] =	vst v63  }
0xd6: {  	s1 =	sshll.u32 s1, $0x4;
	s11 =	sadd.s32 $0x600, s20;
	s10 =	sadd.s32 $0x40, s4  }
0xd7: {  	[tilespmem:s11], [sflag:$0x1] =	stream.linear.gather [hbm4b:s10+s19], $0x10, $0x38;
	[tilespmem:$0x8600] =	vst v63  }
0xd8: {  	s1 =	sand.u32 $0x70, s1;
	s17 =	sadd.s32 $0x680, s20;
	s14 =	sadd.s32 $0x50, s4  }
0xd9: {  	[tilespmem:s17], [sflag:$0x1] =	stream.linear.gather [hbm4b:s14+s19], $0x10, $0x38;
	[tilespmem:$0x8600] =	vst v63  }
0xda: {  	s1 =	sor.u32 s1, s2;
	s18 =	sadd.s32 $0x60, s4;
	s23 =	sadd.s32 $0x700, s20  }
0xdb: {  	[tilespmem:s23], [sflag:$0x1] =	stream.linear.gather [hbm4b:s18+s19], $0x10, $0x38;
	[tilespmem:$0x8600] =	vst v63  }
0xdc: {  	s2 =	sshrl.u32 s1, $0x3;
	s24 =	sadd.s32 $0x70, s4;
	s25 =	sadd.s32 $0x780, s20  }
0xdd: {  	[tilespmem:s25], [sflag:$0x1] =	stream.linear.gather [hbm4b:s24+s19], $0x10, $0x38;
	[tilespmem:$0x8600] =	vst v63  }
0xde: {  	s1 =	sadd.s32 $0xC00, s20;
	s31 =	sadd.s32 $0x1, s26;
	s26 =	sadd.s32 $0xF4280, s4  }
0xdf: {  	[tilespmem:s1], [sflag:$0x1] =	stream.linear.gather [hbm4b:s26+s19], $0x10, $0x38;
	[tilespmem:$0x8600] =	vst v63  }
0xe0: {  	s6 =	sadd.s32 $0x10, s26;
	s7 =	sadd.s32 $0xC80, s20  }
0xe1: {  	[tilespmem:s7], [sflag:$0x1] =	stream.linear.gather [hbm4b:s6+s19], $0x10, $0x38;
	[tilespmem:$0x8600] =	vst v63  }
0xe2: {  	s8 =	sadd.s32 $0x20, s26;
	s9 =	sadd.s32 $0xD00, s20  }
0xe3: {  	[tilespmem:s9], [sflag:$0x1] =	stream.linear.gather [hbm4b:s8+s19], $0x10, $0x38;
	[tilespmem:$0x8600] =	vst v63  }
0xe4: {  	s10 =	sadd.s32 $0x30, s26;
	s11 =	sadd.s32 $0xD80, s20  }
0xe5: {  	[tilespmem:s11], [sflag:$0x1] =	stream.linear.gather [hbm4b:s10+s19], $0x10, $0x38;
	[tilespmem:$0x8600] =	vst v63  }
0xe6: {  	s14 =	sadd.s32 $0x40, s26;
	s17 =	sadd.s32 $0xE00, s20  }
0xe7: {  	[tilespmem:s17], [sflag:$0x1] =	stream.linear.gather [hbm4b:s14+s19], $0x10, $0x38;
	[tilespmem:$0x8600] =	vst v63  }
0xe8: {  	s18 =	sadd.s32 $0x50, s26;
	s23 =	sadd.s32 $0xE80, s20  }
0xe9: {  	[tilespmem:s23], [sflag:$0x1] =	stream.linear.gather [hbm4b:s18+s19], $0x10, $0x38;
	[tilespmem:$0x8600] =	vst v63  }
0xea: {  	s24 =	sadd.s32 $0x60, s26;
	s25 =	sadd.s32 $0xF00, s20  }
0xeb: {  	[tilespmem:s25], [sflag:$0x1] =	stream.linear.gather [hbm4b:s24+s19], $0x10, $0x38;
	[tilespmem:$0x8600] =	vst v63  }
0xec: {  	s26 =	sadd.s32 $0x70, s26;
	s6 =	sadd.s32 $0xF80, s20  }
0xed: {  	[tilespmem:s6], [sflag:$0x1] =	stream.linear.gather [hbm4b:s26+s19], $0x10, $0x38;
	[tilespmem:$0x8600] =	vst v63  }
0xee: {  	s5 =	sadd.s32 $0x1E8500, s4;
	s7 =	sadd.s32 $0x1400, s20  }
0xef: {  	[tilespmem:s7], [sflag:$0x1] =	stream.linear.gather [hbm4b:s5+s19], $0x10, $0x38;
	[tilespmem:$0x8600] =	vst v63  }
0xf0: {  	s8 =	sadd.s32 $0x10, s5;
	s9 =	sadd.s32 $0x1480, s20  }
0xf1: {  	[tilespmem:s9], [sflag:$0x1] =	stream.linear.gather [hbm4b:s8+s19], $0x10, $0x38;
	[tilespmem:$0x8600] =	vst v63  }
0xf2: {  	s10 =	sadd.s32 $0x20, s5;
	s11 =	sadd.s32 $0x1500, s20  }
0xf3: {  	[tilespmem:s11], [sflag:$0x1] =	stream.linear.gather [hbm4b:s10+s19], $0x10, $0x38;
	[tilespmem:$0x8600] =	vst v63  }
0xf4: {  	s14 =	sadd.s32 $0x30, s5;
	s17 =	sadd.s32 $0x1580, s20  }
0xf5: {  	[tilespmem:s17], [sflag:$0x1] =	stream.linear.gather [hbm4b:s14+s19], $0x10, $0x38;
	[tilespmem:$0x8600] =	vst v63  }
0xf6: {  	s18 =	sadd.s32 $0x40, s5;
	s23 =	sadd.s32 $0x1600, s20  }
0xf7: {  	[tilespmem:s23], [sflag:$0x1] =	stream.linear.gather [hbm4b:s18+s19], $0x10, $0x38;
	[tilespmem:$0x8600] =	vst v63  }
0xf8: {  	s24 =	sadd.s32 $0x50, s5;
	s25 =	sadd.s32 $0x1680, s20  }
0xf9: {  	[tilespmem:s25], [sflag:$0x1] =	stream.linear.gather [hbm4b:s24+s19], $0x10, $0x38;
	[tilespmem:$0x8600] =	vst v63  }
0xfa: {  	s26 =	sadd.s32 $0x60, s5;
	s7 =	sadd.s32 $0x1700, s20  }
0xfb: {  	[tilespmem:s7], [sflag:$0x1] =	stream.linear.gather [hbm4b:s26+s19], $0x10, $0x38;
	[tilespmem:$0x8600] =	vst v63  }
0xfc: {  	s8 =	sadd.s32 $0x70, s5;
	s9 =	sadd.s32 $0x1780, s20  }
0xfd: {  	[tilespmem:s9], [sflag:$0x1] =	stream.linear.gather [hbm4b:s8+s19], $0x10, $0x38;
	[tilespmem:$0x8600] =	vst v63  }
0xfe: {  	s21 =	sadd.s32 $0x10, s21;
	s4 =	sadd.s32 $0x2DC780, s4;
	s10 =	sadd.s32 $0x1C00, s20  }
0xff: {  	[tilespmem:s10], [sflag:$0x1] =	stream.linear.gather [hbm4b:s4+s19], $0x10, $0x38;
	[tilespmem:$0x8600] =	vst v63  }
0x100: {  	s22 =	sadd.s32 $0x80, s22;
	s11 =	sadd.s32 $0x10, s4;
	s14 =	sadd.s32 $0x1C80, s20  }
0x101: {  	[tilespmem:s14], [sflag:$0x1] =	stream.linear.gather [hbm4b:s11+s19], $0x10, $0x38;
	[tilespmem:$0x8600] =	vst v63  }
0x102: {  	s29 =	sadd.s32 $0x2580, s20;
	s17 =	sadd.s32 $0x20, s4;
	s18 =	sadd.s32 $0x1D00, s20  }
0x103: {  	[tilespmem:s18], [sflag:$0x1] =	stream.linear.gather [hbm4b:s17+s19], $0x10, $0x38;
	[tilespmem:$0x8600] =	vst v63  }
0x104: {  	s28 =	sadd.s32 $0x3780, s20;
	s23 =	sadd.s32 $0x30, s4;
	s24 =	sadd.s32 $0x1D80, s20  }
0x105: {  	[tilespmem:s24], [sflag:$0x1] =	stream.linear.gather [hbm4b:s23+s19], $0x10, $0x38;
	[tilespmem:$0x8600] =	vst v63  }
0x106: {  	s30 =	sadd.s32 $0x3700, s20;
	s25 =	sadd.s32 $0x40, s4;
	s26 =	sadd.s32 $0x1E00, s20  }
0x107: {  	[tilespmem:s26], [sflag:$0x1] =	stream.linear.gather [hbm4b:s25+s19], $0x10, $0x38;
	[tilespmem:$0x8600] =	vst v63  }
0x108: {  	s1 =	sadd.s32 $0x50, s4;
	s6 =	sadd.s32 $0x60, s4;
	s5 =	sadd.s32 $0x1E80, s20  }
0x109: {  	[tilespmem:s5], [sflag:$0x1] =	stream.linear.gather [hbm4b:s1+s19], $0x10, $0x38;
	[tilespmem:$0x8600] =	vst v63  }
0x10a: {  	s7 =	sadd.s32 $0x3F80, s20;
	s8 =	sadd.s32 $0x1F00, s20;
	s11 =	rddreg [dreg:$0x3]  }
0x10b: {  	[tilespmem:s8], [sflag:$0x1] =	stream.linear.gather [hbm4b:s6+s19], $0x10, $0x38;
	[tilespmem:$0x8600] =	vst v63  }
0x10c: {  	s9 =	sadd.s32 $0x70, s4;
	s10 =	sadd.s32 $0x1F80, s20;
	s2 =	sadd.s32 s11, s2  }
0x10d: {  	[tilespmem:s10], [sflag:$0x1] =	stream.linear.gather [hbm4b:s9+s19], $0x10, $0x38;
	[tilespmem:$0x8600] =	vst v63  }
0x10e: {  	s4 =	sadd.s32 $0x3680, s20;
	s14 =	sadd.s32 $0x2400, s20;
	s17 =	sadd.s32 $0x10, s2  }
0x10f: {  	[tilespmem:s14], [sflag:$0x1] =	stream.linear.gather [hbm4b:s2+s19], $0x10, $0x38;
	[tilespmem:$0x8600] =	vst v63  }
.Ltmp0:
0x110: {  	s18 =	sadd.s32 $0x2480, s20;
	s24 =	sadd.s32 $0x3C80, s20;
	(pc) =	sbr.rel @p0 .LBB2_2-.Ltmp0, $4  }
0x111: {  	[tilespmem:s18], [sflag:$0x1] =	stream.linear.gather [hbm4b:s17+s19], $0x10, $0x38;
	[tilespmem:$0x8600] =	vst v63  }
0x112: {  	s23 =	sadd.s32 $0x20, s2;
	s25 =	sadd.s32 $0x3C00, s20;
	s26 =	sadd.s32 $0x2500, s20  }
0x113: {  	[tilespmem:s26], [sflag:$0x1] =	stream.linear.gather [hbm4b:s23+s19], $0x10, $0x38;
	[tilespmem:$0x8600] =	vst v63  }
0x114: {  	s6 =	sadd.s32 $0x30, s2;
	s10 =	sadd.s32 $0x3600, s20;
	s26 =	smov.u32 s31  }
0x115: {  	[tilespmem:s29], [sflag:$0x1] =	stream.linear.gather [hbm4b:s6+s19], $0x10, $0x38;
	[tilespmem:$0x8600] =	vst v63  }
0x116: {  	s0 =	sadd.s32 $0x40, s2;
	s1 =	sadd.s32 $0x2600, s20  }
0x117: {  	[tilespmem:s1], [sflag:$0x1] =	stream.linear.gather [hbm4b:s0+s19], $0x10, $0x38;
	[tilespmem:$0x8600] =	vst v63  }
0x118: {  	s6 =	sadd.s32 $0x50, s2;
	s8 =	sadd.s32 $0x2680, s20  }
0x119: {  	[tilespmem:s8], [sflag:$0x1] =	stream.linear.gather [hbm4b:s6+s19], $0x10, $0x38;
	[tilespmem:$0x8600] =	vst v63  }
0x11a: {  	s9 =	sadd.s32 $0x60, s2;
	s11 =	sadd.s32 $0x2700, s20  }
0x11b: {  	[tilespmem:s11], [sflag:$0x1] =	stream.linear.gather [hbm4b:s9+s19], $0x10, $0x38;
	[tilespmem:$0x8600] =	vst v63  }
0x11c: {  	s14 =	sadd.s32 $0x70, s2;
	s17 =	sadd.s32 $0x2780, s20  }
0x11d: {  	[tilespmem:s17], [sflag:$0x1] =	stream.linear.gather [hbm4b:s14+s19], $0x10, $0x38;
	[tilespmem:$0x8600] =	vst v63  }
0x11e: {  	s18 =	sadd.s32 $0x2C00, s20;
	s0 =	sadd.s32 $0xF4280, s2  }
0x11f: {  	[tilespmem:s18], [sflag:$0x1] =	stream.linear.gather [hbm4b:s0+s19], $0x10, $0x38;
	[tilespmem:$0x8600] =	vst v63  }
0x120: {  	s5 =	sadd.s32 $0x2C80, s20;
	s21 =	sadd.s32 $0x10, s0  }
0x121: {  	[tilespmem:s5], [sflag:$0x1] =	stream.linear.gather [hbm4b:s21+s19], $0x10, $0x38;
	[tilespmem:$0x8600] =	vst v63  }
0x122: {  	s23 =	sadd.s32 $0x2D00, s20;
	s22 =	sadd.s32 $0x20, s0  }
0x123: {  	[tilespmem:s23], [sflag:$0x1] =	stream.linear.gather [hbm4b:s22+s19], $0x10, $0x38;
	[tilespmem:$0x8600] =	vst v63  }
0x124: {  	s29 =	sadd.s32 $0x2D80, s20;
	s26 =	sadd.s32 $0x30, s0  }
0x125: {  	[tilespmem:s29], [sflag:$0x1] =	stream.linear.gather [hbm4b:s26+s19], $0x10, $0x38;
	[tilespmem:$0x8600] =	vst v63  }
0x126: {  	s6 =	sadd.s32 $0x2E00, s20;
	s5 =	sadd.s32 $0x40, s0  }
0x127: {  	[tilespmem:s6], [sflag:$0x1] =	stream.linear.gather [hbm4b:s5+s19], $0x10, $0x38;
	[tilespmem:$0x8600] =	vst v63  }
0x128: {  	s8 =	sadd.s32 $0x2E80, s20;
	s9 =	sadd.s32 $0x50, s0  }
0x129: {  	[tilespmem:s8], [sflag:$0x1] =	stream.linear.gather [hbm4b:s9+s19], $0x10, $0x38;
	[tilespmem:$0x8600] =	vst v63  }
0x12a: {  	s11 =	sadd.s32 $0x2F00, s20;
	s14 =	sadd.s32 $0x60, s0  }
0x12b: {  	[tilespmem:s11], [sflag:$0x1] =	stream.linear.gather [hbm4b:s14+s19], $0x10, $0x38;
	[tilespmem:$0x8600] =	vst v63  }
0x12c: {  	s17 =	sadd.s32 $0x2F80, s20;
	s0 =	sadd.s32 $0x70, s0  }
0x12d: {  	[tilespmem:s17], [sflag:$0x1] =	stream.linear.gather [hbm4b:s0+s19], $0x10, $0x38;
	[tilespmem:$0x8600] =	vst v63  }
0x12e: {  	s18 =	sadd.s32 $0x3400, s20;
	s21 =	sadd.s32 $0x1E8500, s2  }
0x12f: {  	[tilespmem:s18], [sflag:$0x1] =	stream.linear.gather [hbm4b:s21+s19], $0x10, $0x38;
	[tilespmem:$0x8600] =	vst v63  }
0x130: {  	s22 =	sadd.s32 $0x3480, s20;
	s23 =	sadd.s32 $0x10, s21  }
0x131: {  	[tilespmem:s22], [sflag:$0x1] =	stream.linear.gather [hbm4b:s23+s19], $0x10, $0x38;
	[tilespmem:$0x8600] =	vst v63  }
0x132: {  	s26 =	sadd.s32 $0x3500, s20;
	s29 =	sadd.s32 $0x20, s21  }
0x133: {  	[tilespmem:s26], [sflag:$0x1] =	stream.linear.gather [hbm4b:s29+s19], $0x10, $0x38;
	[tilespmem:$0x8600] =	vst v63  }
0x134: {  	s5 =	sadd.s32 $0x3580, s20;
	s6 =	sadd.s32 $0x30, s21  }
0x135: {  	[tilespmem:s5], [sflag:$0x1] =	stream.linear.gather [hbm4b:s6+s19], $0x10, $0x38;
	[tilespmem:$0x8600] =	vst v63  }
0x136: {  	s8 =	sadd.s32 $0x40, s21  }
0x137: {  	[tilespmem:s10], [sflag:$0x1] =	stream.linear.gather [hbm4b:s8+s19], $0x10, $0x38;
	[tilespmem:$0x8600] =	vst v63  }
0x138: {  	s9 =	sadd.s32 $0x50, s21  }
0x139: {  	[tilespmem:s4], [sflag:$0x1] =	stream.linear.gather [hbm4b:s9+s19], $0x10, $0x38;
	[tilespmem:$0x8600] =	vst v63  }
0x13a: {  	s10 =	sadd.s32 $0x60, s21  }
0x13b: {  	[tilespmem:s30], [sflag:$0x1] =	stream.linear.gather [hbm4b:s10+s19], $0x10, $0x38;
	[tilespmem:$0x8600] =	vst v63  }
0x13c: {  	s11 =	sadd.s32 $0x70, s21  }
0x13d: {  	[tilespmem:s28], [sflag:$0x1] =	stream.linear.gather [hbm4b:s11+s19], $0x10, $0x38;
	[tilespmem:$0x8600] =	vst v63  }
0x13e: {  	s14 =	sadd.s32 $0x2DC780, s2  }
0x13f: {  	[tilespmem:s25], [sflag:$0x1] =	stream.linear.gather [hbm4b:s14+s19], $0x10, $0x38;
	[tilespmem:$0x8600] =	vst v63  }
0x140: {  	s17 =	sadd.s32 $0x10, s14  }
0x141: {  	[tilespmem:s24], [sflag:$0x1] =	stream.linear.gather [hbm4b:s17+s19], $0x10, $0x38;
	[tilespmem:$0x8600] =	vst v63  }
0x142: {  	s18 =	sadd.s32 $0x20, s14;
	s21 =	sadd.s32 $0x3D00, s20  }
0x143: {  	[tilespmem:s21], [sflag:$0x1] =	stream.linear.gather [hbm4b:s18+s19], $0x10, $0x38;
	[tilespmem:$0x8600] =	vst v63  }
0x144: {  	s22 =	sadd.s32 $0x30, s14;
	s23 =	sadd.s32 $0x3D80, s20  }
0x145: {  	[tilespmem:s23], [sflag:$0x1] =	stream.linear.gather [hbm4b:s22+s19], $0x10, $0x38;
	[tilespmem:$0x8600] =	vst v63  }
0x146: {  	s25 =	sadd.s32 $0x3E00, s20;
	s24 =	sadd.s32 $0x40, s14  }
0x147: {  	[tilespmem:s25], [sflag:$0x1] =	stream.linear.gather [hbm4b:s24+s19], $0x10, $0x38;
	[tilespmem:$0x8600] =	vst v63  }
0x148: {  	s26 =	sadd.s32 $0x50, s14;
	s28 =	sadd.s32 $0x3E80, s20  }
0x149: {  	[tilespmem:s28], [sflag:$0x1] =	stream.linear.gather [hbm4b:s26+s19], $0x10, $0x38;
	[tilespmem:$0x8600] =	vst v63  }
0x14a: {  	s31 =	rddreg [dreg:$0x2];
	s29 =	sadd.s32 $0x3F00, s20;
	s30 =	sadd.s32 $0x60, s14  }
0x14b: {  	[tilespmem:s29], [sflag:$0x1] =	stream.linear.gather [hbm4b:s30+s19], $0x10, $0x38;
	[tilespmem:$0x8600] =	vst v63  }
0x14c: {  	s1 =	simm.s32 $0x0;
	s0 =	sadd.s32 $0x70, s14;
	s20 =	rddreg [dreg:$0x3]  }
0x14d: {  	[tilespmem:s7], [sflag:$0x1] =	stream.linear.gather [hbm4b:s0+s19], $0x10, $0x38;
	[tilespmem:$0x8600] =	vst v63  }
.LBB2_4:
0x14e: {  	s5 =	sshll.u32 s1, $0x5  }
0x14f: {  	v8 =	vld [tilespmem:s5+$0x210]  }
0x150: {  	v9 =	vld [tilespmem:s5+$0x10];
	_ =	sdelay $0x2  }
0x151: {  	v10 =	vmov s19  }
0x152: {  	v11 =	vperm.xlane v8, v10  }
0x153: {  	v10 =	vperm.xlane v9, v10  }
0x154: {  	(v2sf) =	vpush v11, $0x0  }
0x155: {  	(v2sf) =	vpush v10, $0x0;
	_ =	sdelay $0xd  }
0x156: {  	s2 =	spop (v2sf)  }
0x157: {  	s0 =	spop (v2sf)  }
0x158: {  	s22 =	sand.u32 $0xF, s0  }
0x159: {  	s4 =	sshra.s32 s0, $0x1F;
	p0 =	slt.s32 s0, $0x1;
	p1 =	sne.s32 s22, $0x0  }
0x15a: {  	[dreg:$0xc] =	wrdreg s1;
	s23 =	sshrl.u32 s4, $0x1C;
	p0 =	por !p0, !p1  }
0x15b: {  	s1 =	simm.s32 $0x1;
	s0 =	sadd.s32 s23, s0;
	p0 =	por !p0, !p0  }
0x15c: {  	s0 =	sshra.s32 s0, $0x4;
	s1 =	simm.s32 @!p0 $0x0  }
0x15d: {  	s24 =	sand.u32 $0x70, s19;
	s0 =	ssub.s32 s0, s1  }
0x15e: {  	[dreg:$0xe] =	wrdreg s5;
	s1 =	sshll.u32 s0, $0x7;
	s0 =	sshll.u32 s0, $0x4  }
0x15f: {  	s9 =	sor.u32 $0x10, s5;
	s1 =	sand.u32 $0xFFFFFC00, s1;
	s0 =	sand.u32 $0x70, s0  }
0x160: {  	s25 =	sand.u32 $0x400, s19;
	[dreg:$0xd] =	wrdreg s9;
	s0 =	sor.u32 s0, s1  }
0x161: {  	s14 =	sshra.s32 s2, $0x1F;
	s23 =	sor.u32 s24, s25;
	s0 =	sshrl.u32 s0, $0x3  }
0x162: {  	s21 =	sand.u32 $0xF, s2;
	s26 =	sadd.s32 $0x4400, s23;
	s4 =	sadd.s32 s31, s0  }
0x163: {  	[tilespmem:s26], [sflag:$0x2] =	stream.linear.gather [hbm4b:s4+s3], $0x10, $0x38;
	[tilespmem:$0x8600] =	vst v63  }
0x164: {  	p5 =	slt.s32 s2, $0x1;
	s1 =	sadd.s32 $0x4480, s23;
	s30 =	sadd.s32 $0x10, s4  }
0x165: {  	[tilespmem:s1], [sflag:$0x2] =	stream.linear.gather [hbm4b:s30+s3], $0x10, $0x38;
	[tilespmem:$0x8600] =	vst v63  }
0x166: {  	p6 =	sne.s32 s21, $0x0;
	s6 =	sadd.s32 $0x20, s4;
	s1 =	sadd.s32 $0x4500, s23  }
0x167: {  	[tilespmem:s1], [sflag:$0x2] =	stream.linear.gather [hbm4b:s6+s3], $0x10, $0x38;
	[tilespmem:$0x8600] =	vst v63  }
0x168: {  	s7 =	sadd.s32 $0x4580, s23;
	s10 =	sadd.s32 $0x4600, s23;
	s8 =	sadd.s32 $0x30, s4  }
0x169: {  	[tilespmem:s7], [sflag:$0x2] =	stream.linear.gather [hbm4b:s8+s3], $0x10, $0x38;
	[tilespmem:$0x8600] =	vst v63  }
0x16a: {  	s17 =	sadd.s32 $0x4680, s23;
	s22 =	sadd.s32 $0x4700, s23;
	s11 =	sadd.s32 $0x40, s4  }
0x16b: {  	[tilespmem:s10], [sflag:$0x2] =	stream.linear.gather [hbm4b:s11+s3], $0x10, $0x38;
	[tilespmem:$0x8600] =	vst v63  }
0x16c: {  	s24 =	sadd.s32 $0x4780, s23;
	p0 =	por !p5, !p6;
	s18 =	sadd.s32 $0x50, s4  }
0x16d: {  	[tilespmem:s17], [sflag:$0x2] =	stream.linear.gather [hbm4b:s18+s3], $0x10, $0x38;
	[tilespmem:$0x8600] =	vst v63  }
0x16e: {  	s29 =	sadd.s32 $0x6D80, s23;
	p0 =	por !p0, !p0;
	s6 =	sadd.s32 $0x60, s4  }
0x16f: {  	[tilespmem:s22], [sflag:$0x2] =	stream.linear.gather [hbm4b:s6+s3], $0x10, $0x38;
	[tilespmem:$0x8600] =	vst v63  }
0x170: {  	s0 =	sshrl.u32 s14, $0x1C;
	s14 =	sadd.s32 $0x4E00, s23;
	s25 =	sadd.s32 $0x70, s4  }
0x171: {  	[tilespmem:s24], [sflag:$0x2] =	stream.linear.gather [hbm4b:s25+s3], $0x10, $0x38;
	[tilespmem:$0x8600] =	vst v63  }
0x172: {  	s26 =	sadd.s32 $0x4C00, s23;
	s0 =	sadd.s32 s0, s2;
	s30 =	sadd.s32 $0xF4280, s4  }
0x173: {  	[tilespmem:s26], [sflag:$0x2] =	stream.linear.gather [hbm4b:s30+s3], $0x10, $0x38;
	[tilespmem:$0x8600] =	vst v63  }
0x174: {  	s2 =	simm.s32 $0x1;
	s7 =	sadd.s32 $0x10, s30;
	s6 =	sadd.s32 $0x4C80, s23  }
0x175: {  	[tilespmem:s6], [sflag:$0x2] =	stream.linear.gather [hbm4b:s7+s3], $0x10, $0x38;
	[tilespmem:$0x8600] =	vst v63  }
0x176: {  	s0 =	sshra.s32 s0, $0x4;
	s9 =	sadd.s32 $0x20, s30;
	s8 =	sadd.s32 $0x4D00, s23  }
0x177: {  	[tilespmem:s8], [sflag:$0x2] =	stream.linear.gather [hbm4b:s9+s3], $0x10, $0x38;
	[tilespmem:$0x8600] =	vst v63  }
0x178: {  	s1 =	simm.s32 $0x1;
	s10 =	sadd.s32 $0x4D80, s23;
	s11 =	sadd.s32 $0x30, s30  }
0x179: {  	[tilespmem:s10], [sflag:$0x2] =	stream.linear.gather [hbm4b:s11+s3], $0x10, $0x38;
	[tilespmem:$0x8600] =	vst v63  }
0x17a: {  	s21 =	sadd.s32 $0x50, s30;
	s1 =	simm.s32 @!p0 $0x0;
	s17 =	sadd.s32 $0x40, s30  }
0x17b: {  	[tilespmem:s14], [sflag:$0x2] =	stream.linear.gather [hbm4b:s17+s3], $0x10, $0x38;
	[tilespmem:$0x8600] =	vst v63  }
0x17c: {  	s5 =	sadd.s32 $0x70, s30;
	s0 =	ssub.s32 s0, s1;
	s18 =	sadd.s32 $0x4E80, s23  }
0x17d: {  	[tilespmem:s18], [sflag:$0x2] =	stream.linear.gather [hbm4b:s21+s3], $0x10, $0x38;
	[tilespmem:$0x8600] =	vst v63  }
0x17e: {  	s22 =	sadd.s32 $0x4F00, s23;
	s24 =	sadd.s32 $0x60, s30;
	s25 =	sadd.s32 $0x4F80, s23  }
0x17f: {  	[tilespmem:s22], [sflag:$0x2] =	stream.linear.gather [hbm4b:s24+s3], $0x10, $0x38;
	[tilespmem:$0x8600] =	vst v63  }
0x180: {  	s26 =	sadd.s32 $0x5400, s23;
	s30 =	sshll.u32 s0, $0x7;
	s0 =	sshll.u32 s0, $0x4  }
0x181: {  	[tilespmem:s25], [sflag:$0x2] =	stream.linear.gather [hbm4b:s5+s3], $0x10, $0x38;
	[tilespmem:$0x8600] =	vst v63  }
0x182: {  	s1 =	sand.u32 $0xFFFFFC00, s30;
	s0 =	sand.u32 $0x70, s0;
	s5 =	sadd.s32 $0x1E8500, s4  }
0x183: {  	[tilespmem:s26], [sflag:$0x2] =	stream.linear.gather [hbm4b:s5+s3], $0x10, $0x38;
	[tilespmem:$0x8600] =	vst v63  }
0x184: {  	s30 =	sadd.s32 $0x5C00, s23;
	s7 =	sadd.s32 $0x5480, s23;
	s8 =	sadd.s32 $0x10, s5  }
0x185: {  	[tilespmem:s7], [sflag:$0x2] =	stream.linear.gather [hbm4b:s8+s3], $0x10, $0x38;
	[tilespmem:$0x8600] =	vst v63  }
0x186: {  	s28 =	sor.u32 s0, s1;
	s9 =	sadd.s32 $0x5500, s23;
	s10 =	sadd.s32 $0x20, s5  }
0x187: {  	[tilespmem:s9], [sflag:$0x2] =	stream.linear.gather [hbm4b:s10+s3], $0x10, $0x38;
	[tilespmem:$0x8600] =	vst v63  }
0x188: {  	s6 =	sadd.s32 $0x2DC780, s4;
	s11 =	sadd.s32 $0x5580, s23;
	s14 =	sadd.s32 $0x30, s5  }
0x189: {  	[tilespmem:s11], [sflag:$0x2] =	stream.linear.gather [hbm4b:s14+s3], $0x10, $0x38;
	[tilespmem:$0x8600] =	vst v63  }
0x18a: {  	s17 =	sadd.s32 $0x5600, s23;
	s21 =	sadd.s32 $0x5680, s23;
	s18 =	sadd.s32 $0x40, s5  }
0x18b: {  	[tilespmem:s17], [sflag:$0x2] =	stream.linear.gather [hbm4b:s18+s3], $0x10, $0x38;
	[tilespmem:$0x8600] =	vst v63  }
0x18c: {  	s24 =	sadd.s32 $0x5700, s23;
	s22 =	sadd.s32 $0x50, s5;
	s25 =	sadd.s32 $0x60, s5  }
0x18d: {  	[tilespmem:s21], [sflag:$0x2] =	stream.linear.gather [hbm4b:s22+s3], $0x10, $0x38;
	[tilespmem:$0x8600] =	vst v63  }
0x18e: {  	s26 =	sadd.s32 $0x5780, s23;
	s5 =	sadd.s32 $0x70, s5;
	s8 =	sadd.s32 $0x5C80, s23  }
0x18f: {  	[tilespmem:s24], [sflag:$0x2] =	stream.linear.gather [hbm4b:s25+s3], $0x10, $0x38;
	[tilespmem:$0x8600] =	vst v63  }
0x190: {  	s7 =	sadd.s32 $0x5D80, s23;
	s10 =	sadd.s32 $0x10, s6;
	s24 =	simm.s32 $0x80  }
0x191: {  	[tilespmem:s26], [sflag:$0x2] =	stream.linear.gather [hbm4b:s5+s3], $0x10, $0x38;
	[tilespmem:$0x8600] =	vst v63  }
0x192: {  	s25 =	simm.s32 $0x10;
	s5 =	sadd.s32 $0x5D00, s23;
	s26 =	sadd.s32 $0x7580, s23  }
0x193: {  	[tilespmem:s30], [sflag:$0x2] =	stream.linear.gather [hbm4b:s6+s3], $0x10, $0x38;
	[tilespmem:$0x8600] =	vst v63  }
.LBB2_5:
0x194: {  	[tilespmem:s8], [sflag:$0x2] =	stream.linear.gather [hbm4b:s10+s3], $0x10, $0x38;
	[tilespmem:$0x8600] =	vst v63  }
0x195: {  	v10 =	vmov s2;
	s0 =	smov.u32 s2;
	s1 =	sadd.s32 $0x5E00, s23;
	s4 =	sadd.s32 $0x7500, s23  }
0x196: {  	s8 =	sadd.s32 $0x5E80, s23;
	s9 =	sshrl.u32 s28, $0x3;
	v11 =	vperm.xlane v9, v10;
	v10 =	vperm.xlane v8, v10;
	s0 =	sadd.s32 $0x20, s6  }
0x197: {  	[tilespmem:s5], [sflag:$0x2] =	stream.linear.gather [hbm4b:s0+s3], $0x10, $0x38;
	[tilespmem:$0x8600] =	vst v63  }
0x198: {  	s11 =	sadd.s32 $0x5F80, s23;
	s14 =	sadd.s32 $0x6580, s23;
	s0 =	sadd.s32 $0x30, s6  }
0x199: {  	(v2sf) =	vpush v10, $0x0;
	[tilespmem:s7], [sflag:$0x2] =	stream.linear.gather [hbm4b:s0+s3], $0x10, $0x38;
	[tilespmem:$0x8600] =	vst v63  }
0x19a: {  	s5 =	sadd.s32 $0x6C80, s23;
	s0 =	sadd.s32 $0x40, s6;
	s7 =	sadd.s32 $0x5F00, s23  }
0x19b: {  	[tilespmem:s1], [sflag:$0x2] =	stream.linear.gather [hbm4b:s0+s3], $0x10, $0x38;
	[tilespmem:$0x8600] =	vst v63  }
0x19c: {  	s28 =	sadd.s32 $0x7400, s23;
	s0 =	sadd.s32 $0x50, s6;
	s1 =	sadd.s32 $0x70, s6  }
0x19d: {  	[tilespmem:s8], [sflag:$0x2] =	stream.linear.gather [hbm4b:s0+s3], $0x10, $0x38;
	[tilespmem:$0x8600] =	vst v63  }
0x19e: {  	s10 =	sadd.s32 s20, s9;
	s0 =	sadd.s32 $0x60, s6;
	s8 =	sadd.s32 $0x6400, s23  }
0x19f: {  	(v2sf) =	vpush v11, $0x0;
	[tilespmem:s7], [sflag:$0x2] =	stream.linear.gather [hbm4b:s0+s3], $0x10, $0x38;
	[tilespmem:$0x8600] =	vst v63  }
0x1a0: {  	s9 =	sadd.s32 $0x60, s10;
	s0 =	sadd.s32 $0x10, s10;
	s7 =	sadd.s32 $0x6480, s23  }
0x1a1: {  	[tilespmem:s11], [sflag:$0x2] =	stream.linear.gather [hbm4b:s1+s3], $0x10, $0x38;
	[tilespmem:$0x8600] =	vst v63  }
0x1a2: {  	s6 =	sadd.s32 $0x6D00, s23;
	s1 =	sadd.s32 $0x20, s10;
	s11 =	sadd.s32 $0x6500, s23  }
0x1a3: {  	[tilespmem:s8], [sflag:$0x2] =	stream.linear.gather [hbm4b:s10+s3], $0x10, $0x38;
	[tilespmem:$0x8600] =	vst v63  }
0x1a4: {  	s18 =	sadd.s32 $0x6680, s23;
	s17 =	sadd.s32 $0x70, s10;
	s8 =	sadd.s32 $0x30, s10  }
0x1a5: {  	[tilespmem:s7], [sflag:$0x2] =	stream.linear.gather [hbm4b:s0+s3], $0x10, $0x38;
	[tilespmem:$0x8600] =	vst v63  }
0x1a6: {  	s30 =	sadd.s32 $0x6700, s23;
	s0 =	sadd.s32 $0x40, s10;
	s7 =	sadd.s32 $0x6600, s23  }
0x1a7: {  	[tilespmem:s11], [sflag:$0x2] =	stream.linear.gather [hbm4b:s1+s3], $0x10, $0x38;
	[tilespmem:$0x8600] =	vst v63  }
0x1a8: {  	s22 =	smov.u32 s20;
	s11 =	sadd.s32 $0x50, s10;
	s1 =	spop (v2sf)  }
0x1a9: {  	[tilespmem:s14], [sflag:$0x2] =	stream.linear.gather [hbm4b:s8+s3], $0x10, $0x38;
	[tilespmem:$0x8600] =	vst v63  }
0x1aa: {  	s20 =	smov.u32 s31;
	s8 =	sshra.s32 s1, $0x1F;
	s14 =	sand.u32 $0xF, s1  }
0x1ab: {  	[tilespmem:s7], [sflag:$0x2] =	stream.linear.gather [hbm4b:s0+s3], $0x10, $0x38;
	[tilespmem:$0x8600] =	vst v63  }
0x1ac: {  	p0 =	slt.s32 s1, $0x1;
	s0 =	sadd.s32 $0x6780, s23;
	s7 =	sadd.s32 $0x6E00, s23  }
0x1ad: {  	[tilespmem:s18], [sflag:$0x2] =	stream.linear.gather [hbm4b:s11+s3], $0x10, $0x38;
	[tilespmem:$0x8600] =	vst v63  }
0x1ae: {  	s31 =	sadd.s32 $0x6C00, s23;
	s18 =	sadd.s32 $0xF4280, s10;
	s11 =	spop (v2sf)  }
0x1af: {  	[tilespmem:s30], [sflag:$0x2] =	stream.linear.gather [hbm4b:s9+s3], $0x10, $0x38;
	[tilespmem:$0x8600] =	vst v63  }
0x1b0: {  	s21 =	sadd.s32 $0x10, s18;
	s9 =	sshra.s32 s11, $0x1F;
	s30 =	sand.u32 $0xF, s11  }
0x1b1: {  	[tilespmem:s0], [sflag:$0x2] =	stream.linear.gather [hbm4b:s17+s3], $0x10, $0x38;
	[tilespmem:$0x8600] =	vst v63  }
0x1b2: {  	p1 =	slt.s32 s11, $0x1;
	p2 =	sne.s32 s30, $0x0;
	s0 =	sshrl.u32 s9, $0x1C  }
0x1b3: {  	[tilespmem:s31], [sflag:$0x2] =	stream.linear.gather [hbm4b:s18+s3], $0x10, $0x38;
	[tilespmem:$0x8600] =	vst v63  }
0x1b4: {  	s31 =	smov.u32 s20;
	s20 =	smov.u32 s22  }
0x1b5: {  	p1 =	por !p1, !p2;
	s9 =	sadd.s32 $0x20, s18;
	s0 =	sadd.s32 s0, s11  }
0x1b6: {  	p2 =	sne.s32 s14, $0x0;
	p1 =	por !p1, !p1;
	s0 =	sshra.s32 s0, $0x4  }
0x1b7: {  	[tilespmem:s5], [sflag:$0x2] =	stream.linear.gather [hbm4b:s21+s3], $0x10, $0x38;
	[tilespmem:$0x8600] =	vst v63  }
0x1b8: {  	s5 =	simm.s32 $0x1  }
0x1b9: {  	s8 =	sshrl.u32 s8, $0x1C;
	p0 =	por !p0, !p2;
	s5 =	simm.s32 @!p1 $0x0  }
0x1ba: {  	[tilespmem:s6], [sflag:$0x2] =	stream.linear.gather [hbm4b:s9+s3], $0x10, $0x38;
	[tilespmem:$0x8600] =	vst v63  }
0x1bb: {  	s1 =	sadd.s32 s8, s1;
	p0 =	por !p0, !p0;
	s0 =	ssub.s32 s0, s5  }
0x1bc: {  	s8 =	sadd.s32 $0x40, s18;
	s6 =	sadd.s32 $0x30, s18;
	s5 =	sshll.u32 s0, $0x7  }
0x1bd: {  	[tilespmem:s29], [sflag:$0x2] =	stream.linear.gather [hbm4b:s6+s3], $0x10, $0x38;
	[tilespmem:$0x8600] =	vst v63  }
0x1be: {  	s9 =	sadd.s32 $0x6E80, s23;
	s0 =	sshll.u32 s0, $0x4;
	s6 =	sadd.s32 $0x50, s18  }
0x1bf: {  	[tilespmem:s7], [sflag:$0x2] =	stream.linear.gather [hbm4b:s8+s3], $0x10, $0x38;
	[tilespmem:$0x8600] =	vst v63  }
0x1c0: {  	s5 =	sand.u32 $0xFFFFFC00, s5;
	s0 =	sand.u32 $0x70, s0;
	s7 =	sadd.s32 $0x60, s18  }
0x1c1: {  	[tilespmem:s9], [sflag:$0x2] =	stream.linear.gather [hbm4b:s6+s3], $0x10, $0x38;
	[tilespmem:$0x8600] =	vst v63  }
0x1c2: {  	s0 =	sor.u32 s0, s5;
	s5 =	sadd.s32 $0x6F00, s23;
	s6 =	sadd.s32 $0x70, s18  }
0x1c3: {  	[tilespmem:s5], [sflag:$0x2] =	stream.linear.gather [hbm4b:s7+s3], $0x10, $0x38;
	[tilespmem:$0x8600] =	vst v63  }
0x1c4: {  	s17 =	sshrl.u32 s0, $0x3;
	s0 =	sadd.s32 $0x6F80, s23;
	s5 =	sadd.s32 $0x1E8500, s10  }
0x1c5: {  	[tilespmem:s0], [sflag:$0x2] =	stream.linear.gather [hbm4b:s6+s3], $0x10, $0x38;
	[tilespmem:$0x8600] =	vst v63  }
0x1c6: {  	s0 =	sshra.s32 s1, $0x4;
	s1 =	simm.s32 $0x1  }
0x1c7: {  	s6 =	sadd.s32 $0x10, s5;
	s1 =	simm.s32 @!p0 $0x0  }
0x1c8: {  	[tilespmem:s28], [sflag:$0x2] =	stream.linear.gather [hbm4b:s5+s3], $0x10, $0x38;
	[tilespmem:$0x8600] =	vst v63  }
0x1c9: {  	s7 =	sadd.s32 $0x20, s5;
	s0 =	ssub.s32 s0, s1;
	s1 =	sadd.s32 $0x7480, s23  }
0x1ca: {  	[tilespmem:s1], [sflag:$0x2] =	stream.linear.gather [hbm4b:s6+s3], $0x10, $0x38;
	[tilespmem:$0x8600] =	vst v63  }
0x1cb: {  	s1 =	sshll.u32 s0, $0x7;
	s0 =	sshll.u32 s0, $0x4;
	s6 =	sadd.s32 $0x30, s5  }
0x1cc: {  	[tilespmem:s4], [sflag:$0x2] =	stream.linear.gather [hbm4b:s7+s3], $0x10, $0x38;
	[tilespmem:$0x8600] =	vst v63  }
0x1cd: {  	s1 =	sand.u32 $0xFFFFFC00, s1;
	s0 =	sand.u32 $0x70, s0;
	s4 =	sadd.s32 $0x40, s5  }
0x1ce: {  	[tilespmem:s26], [sflag:$0x2] =	stream.linear.gather [hbm4b:s6+s3], $0x10, $0x38;
	[tilespmem:$0x8600] =	vst v63  }
0x1cf: {  	s28 =	sor.u32 s0, s1;
	s0 =	sadd.s32 $0x7600, s23;
	s1 =	sadd.s32 $0x50, s5  }
0x1d0: {  	[tilespmem:s0], [sflag:$0x2] =	stream.linear.gather [hbm4b:s4+s3], $0x10, $0x38;
	[tilespmem:$0x8600] =	vst v63  }
0x1d1: {  	s6 =	sadd.s32 $0x60, s5;
	s4 =	sadd.s32 $0x1, s2;
	s0 =	sadd.s32 $0x7680, s23  }
0x1d2: {  	[tilespmem:s0], [sflag:$0x2] =	stream.linear.gather [hbm4b:s1+s3], $0x10, $0x38;
	[tilespmem:$0x8600] =	vst v63  }
0x1d3: {  	p0 =	sne.s32 s2, $0xF;
	s0 =	sadd.s32 $0x7700, s23;
	s1 =	sadd.s32 $0x70, s5  }
0x1d4: {  	[tilespmem:s0], [sflag:$0x2] =	stream.linear.gather [hbm4b:s6+s3], $0x10, $0x38;
	[tilespmem:$0x8600] =	vst v63  }
0x1d5: {  	s2 =	sadd.s32 $0x2DC780, s10;
	s0 =	sadd.s32 $0x7780, s23  }
0x1d6: {  	[tilespmem:s0], [sflag:$0x2] =	stream.linear.gather [hbm4b:s1+s3], $0x10, $0x38;
	[tilespmem:$0x8600] =	vst v63  }
0x1d7: {  	s0 =	sadd.s32 $0x7C00, s23;
	s1 =	sadd.s32 $0x10, s2  }
0x1d8: {  	[tilespmem:s0], [sflag:$0x2] =	stream.linear.gather [hbm4b:s2+s3], $0x10, $0x38;
	[tilespmem:$0x8600] =	vst v63  }
0x1d9: {  	s5 =	sadd.s32 $0x20, s2;
	s0 =	sadd.s32 $0x7C80, s23  }
0x1da: {  	[tilespmem:s0], [sflag:$0x2] =	stream.linear.gather [hbm4b:s1+s3], $0x10, $0x38;
	[tilespmem:$0x8600] =	vst v63  }
0x1db: {  	s0 =	sadd.s32 $0x7D00, s23;
	s1 =	sadd.s32 $0x30, s2  }
0x1dc: {  	[tilespmem:s0], [sflag:$0x2] =	stream.linear.gather [hbm4b:s5+s3], $0x10, $0x38;
	[tilespmem:$0x8600] =	vst v63  }
0x1dd: {  	s0 =	sadd.s32 $0x7D80, s23;
	s5 =	sadd.s32 $0x40, s2  }
0x1de: {  	[tilespmem:s0], [sflag:$0x2] =	stream.linear.gather [hbm4b:s1+s3], $0x10, $0x38;
	[tilespmem:$0x8600] =	vst v63  }
0x1df: {  	s0 =	sadd.s32 $0x7E00, s23;
	s1 =	sadd.s32 $0x50, s2  }
0x1e0: {  	[tilespmem:s0], [sflag:$0x2] =	stream.linear.gather [hbm4b:s5+s3], $0x10, $0x38;
	[tilespmem:$0x8600] =	vst v63  }
0x1e1: {  	s6 =	sadd.s32 $0x60, s2;
	s0 =	sand.u32 $0x70, s25;
	s5 =	sadd.s32 $0x7E80, s23  }
0x1e2: {  	[tilespmem:s5], [sflag:$0x2] =	stream.linear.gather [hbm4b:s1+s3], $0x10, $0x38;
	[tilespmem:$0x8600] =	vst v63  }
0x1e3: {  	s2 =	sadd.s32 $0x70, s2;
	s1 =	sand.u32 $0x400, s24;
	s5 =	sadd.s32 $0x7F00, s23  }
0x1e4: {  	[tilespmem:s5], [sflag:$0x2] =	stream.linear.gather [hbm4b:s6+s3], $0x10, $0x38;
	[tilespmem:$0x8600] =	vst v63  }
0x1e5: {  	s5 =	sadd.s32 $0x7F80, s23;
	s23 =	sor.u32 s0, s1  }
0x1e6: {  	[tilespmem:s5], [sflag:$0x2] =	stream.linear.gather [hbm4b:s2+s3], $0x10, $0x38;
	[tilespmem:$0x8600] =	vst v63  }
0x1e7: {  	s0 =	sadd.s32 $0x4400, s23;
	s1 =	sadd.s32 $0x4500, s23;
	s2 =	sadd.s32 s31, s17  }
0x1e8: {  	[tilespmem:s0], [sflag:$0x2] =	stream.linear.gather [hbm4b:s2+s3], $0x10, $0x38;
	[tilespmem:$0x8600] =	vst v63  }
0x1e9: {  	s6 =	sadd.s32 $0x4580, s23;
	s5 =	sadd.s32 $0x4480, s23;
	s0 =	sadd.s32 $0x10, s2  }
0x1ea: {  	[tilespmem:s5], [sflag:$0x2] =	stream.linear.gather [hbm4b:s0+s3], $0x10, $0x38;
	[tilespmem:$0x8600] =	vst v63  }
0x1eb: {  	s0 =	sadd.s32 $0x20, s2;
	s5 =	sadd.s32 $0x4600, s23  }
0x1ec: {  	[tilespmem:s1], [sflag:$0x2] =	stream.linear.gather [hbm4b:s0+s3], $0x10, $0x38;
	[tilespmem:$0x8600] =	vst v63  }
0x1ed: {  	s0 =	sadd.s32 $0x30, s2;
	s1 =	sadd.s32 $0x4680, s23  }
0x1ee: {  	[tilespmem:s6], [sflag:$0x2] =	stream.linear.gather [hbm4b:s0+s3], $0x10, $0x38;
	[tilespmem:$0x8600] =	vst v63  }
0x1ef: {  	s0 =	sadd.s32 $0x40, s2;
	s6 =	sadd.s32 $0x4700, s23  }
0x1f0: {  	[tilespmem:s5], [sflag:$0x2] =	stream.linear.gather [hbm4b:s0+s3], $0x10, $0x38;
	[tilespmem:$0x8600] =	vst v63  }
0x1f1: {  	s0 =	sadd.s32 $0x50, s2;
	s5 =	sadd.s32 $0x4780, s23  }
0x1f2: {  	[tilespmem:s1], [sflag:$0x2] =	stream.linear.gather [hbm4b:s0+s3], $0x10, $0x38;
	[tilespmem:$0x8600] =	vst v63  }
0x1f3: {  	s0 =	sadd.s32 $0x60, s2;
	s1 =	sadd.s32 $0x4C00, s23  }
0x1f4: {  	[tilespmem:s6], [sflag:$0x2] =	stream.linear.gather [hbm4b:s0+s3], $0x10, $0x38;
	[tilespmem:$0x8600] =	vst v63  }
0x1f5: {  	s0 =	sadd.s32 $0x70, s2;
	s6 =	sadd.s32 $0x4C80, s23  }
0x1f6: {  	[tilespmem:s5], [sflag:$0x2] =	stream.linear.gather [hbm4b:s0+s3], $0x10, $0x38;
	[tilespmem:$0x8600] =	vst v63  }
0x1f7: {  	s0 =	sadd.s32 $0xF4280, s2;
	s5 =	sadd.s32 $0x4D00, s23  }
0x1f8: {  	[tilespmem:s1], [sflag:$0x2] =	stream.linear.gather [hbm4b:s0+s3], $0x10, $0x38;
	[tilespmem:$0x8600] =	vst v63  }
0x1f9: {  	s7 =	sadd.s32 $0x4D80, s23;
	s1 =	sadd.s32 $0x10, s0  }
0x1fa: {  	[tilespmem:s6], [sflag:$0x2] =	stream.linear.gather [hbm4b:s1+s3], $0x10, $0x38;
	[tilespmem:$0x8600] =	vst v63  }
0x1fb: {  	s1 =	sadd.s32 $0x20, s0;
	s6 =	sadd.s32 $0x4E00, s23  }
0x1fc: {  	[tilespmem:s5], [sflag:$0x2] =	stream.linear.gather [hbm4b:s1+s3], $0x10, $0x38;
	[tilespmem:$0x8600] =	vst v63  }
0x1fd: {  	s1 =	sadd.s32 $0x30, s0;
	s5 =	sadd.s32 $0x4E80, s23  }
0x1fe: {  	[tilespmem:s7], [sflag:$0x2] =	stream.linear.gather [hbm4b:s1+s3], $0x10, $0x38;
	[tilespmem:$0x8600] =	vst v63  }
0x1ff: {  	s1 =	sadd.s32 $0x40, s0;
	s7 =	sadd.s32 $0x4F00, s23  }
0x200: {  	[tilespmem:s6], [sflag:$0x2] =	stream.linear.gather [hbm4b:s1+s3], $0x10, $0x38;
	[tilespmem:$0x8600] =	vst v63  }
0x201: {  	s1 =	sadd.s32 $0x50, s0;
	s6 =	sadd.s32 $0x4F80, s23  }
0x202: {  	[tilespmem:s5], [sflag:$0x2] =	stream.linear.gather [hbm4b:s1+s3], $0x10, $0x38;
	[tilespmem:$0x8600] =	vst v63  }
0x203: {  	s1 =	sadd.s32 $0x60, s0;
	s5 =	sadd.s32 $0x5400, s23  }
0x204: {  	[tilespmem:s7], [sflag:$0x2] =	stream.linear.gather [hbm4b:s1+s3], $0x10, $0x38;
	[tilespmem:$0x8600] =	vst v63  }
0x205: {  	s0 =	sadd.s32 $0x70, s0;
	s1 =	sadd.s32 $0x5480, s23  }
0x206: {  	[tilespmem:s6], [sflag:$0x2] =	stream.linear.gather [hbm4b:s0+s3], $0x10, $0x38;
	[tilespmem:$0x8600] =	vst v63  }
0x207: {  	s0 =	sadd.s32 $0x1E8500, s2;
	s6 =	sadd.s32 $0x5500, s23  }
0x208: {  	[tilespmem:s5], [sflag:$0x2] =	stream.linear.gather [hbm4b:s0+s3], $0x10, $0x38;
	[tilespmem:$0x8600] =	vst v63  }
0x209: {  	s7 =	sadd.s32 $0x5580, s23;
	s5 =	sadd.s32 $0x10, s0  }
0x20a: {  	[tilespmem:s1], [sflag:$0x2] =	stream.linear.gather [hbm4b:s5+s3], $0x10, $0x38;
	[tilespmem:$0x8600] =	vst v63  }
0x20b: {  	s1 =	sadd.s32 $0x20, s0;
	s5 =	sadd.s32 $0x5600, s23  }
0x20c: {  	[tilespmem:s6], [sflag:$0x2] =	stream.linear.gather [hbm4b:s1+s3], $0x10, $0x38;
	[tilespmem:$0x8600] =	vst v63  }
0x20d: {  	s1 =	sadd.s32 $0x30, s0;
	s6 =	sadd.s32 $0x5680, s23  }
0x20e: {  	[tilespmem:s7], [sflag:$0x2] =	stream.linear.gather [hbm4b:s1+s3], $0x10, $0x38;
	[tilespmem:$0x8600] =	vst v63  }
0x20f: {  	s25 =	sadd.s32 $0x10, s25;
	s1 =	sadd.s32 $0x40, s0;
	s7 =	sadd.s32 $0x5700, s23  }
0x210: {  	[tilespmem:s5], [sflag:$0x2] =	stream.linear.gather [hbm4b:s1+s3], $0x10, $0x38;
	[tilespmem:$0x8600] =	vst v63  }
0x211: {  	s24 =	sadd.s32 $0x80, s24;
	s1 =	sadd.s32 $0x50, s0;
	s5 =	sadd.s32 $0x5780, s23  }
0x212: {  	[tilespmem:s6], [sflag:$0x2] =	stream.linear.gather [hbm4b:s1+s3], $0x10, $0x38;
	[tilespmem:$0x8600] =	vst v63  }
0x213: {  	s9 =	sadd.s32 $0x5C00, s23;
	s8 =	sadd.s32 $0x5C80, s23;
	s1 =	sadd.s32 $0x60, s0  }
0x214: {  	[tilespmem:s7], [sflag:$0x2] =	stream.linear.gather [hbm4b:s1+s3], $0x10, $0x38;
	[tilespmem:$0x8600] =	vst v63  }
.Ltmp1:
0x215: {  	s29 =	sadd.s32 $0x6D80, s23;
	s0 =	sadd.s32 $0x70, s0;
	(pc) =	sbr.rel @p0 .LBB2_5-.Ltmp1, $4  }
0x216: {  	[tilespmem:s5], [sflag:$0x2] =	stream.linear.gather [hbm4b:s0+s3], $0x10, $0x38;
	[tilespmem:$0x8600] =	vst v63  }
0x217: {  	s26 =	sadd.s32 $0x7580, s23;
	s6 =	sadd.s32 $0x2DC780, s2;
	s5 =	sadd.s32 $0x5D00, s23  }
0x218: {  	[tilespmem:s9], [sflag:$0x2] =	stream.linear.gather [hbm4b:s6+s3], $0x10, $0x38;
	[tilespmem:$0x8600] =	vst v63  }
0x219: {  	s2 =	smov.u32 s4;
	s10 =	sadd.s32 $0x10, s6;
	s7 =	sadd.s32 $0x5D80, s23  }
0x21a: {  	[tilespmem:s8], [sflag:$0x2] =	stream.linear.gather [hbm4b:s10+s3], $0x10, $0x38;
	[tilespmem:$0x8600] =	vst v63  }
0x21b: {  	s0 =	sadd.s32 $0x20, s6  }
0x21c: {  	[tilespmem:s5], [sflag:$0x2] =	stream.linear.gather [hbm4b:s0+s3], $0x10, $0x38;
	[tilespmem:$0x8600] =	vst v63  }
0x21d: {  	s8 =	sadd.s32 $0x30, s6  }
0x21e: {  	[tilespmem:s7], [sflag:$0x2] =	stream.linear.gather [hbm4b:s8+s3], $0x10, $0x38;
	[tilespmem:$0x8600] =	vst v63  }
0x21f: {  	s9 =	sadd.s32 $0x5E00, s23;
	s1 =	sadd.s32 $0x40, s6  }
0x220: {  	[tilespmem:s9], [sflag:$0x2] =	stream.linear.gather [hbm4b:s1+s3], $0x10, $0x38;
	[tilespmem:$0x8600] =	vst v63  }
0x221: {  	s10 =	sadd.s32 $0x5E80, s23;
	s11 =	sadd.s32 $0x50, s6  }
0x222: {  	[tilespmem:s10], [sflag:$0x2] =	stream.linear.gather [hbm4b:s11+s3], $0x10, $0x38;
	[tilespmem:$0x8600] =	vst v63  }
0x223: {  	s14 =	sadd.s32 $0x5F00, s23;
	s17 =	sadd.s32 $0x60, s6  }
0x224: {  	[tilespmem:s14], [sflag:$0x2] =	stream.linear.gather [hbm4b:s17+s3], $0x10, $0x38;
	[tilespmem:$0x8600] =	vst v63  }
0x225: {  	s18 =	sshrl.u32 s28, $0x3;
	s21 =	sadd.s32 $0x70, s6;
	s2 =	sadd.s32 $0x5F80, s23  }
0x226: {  	[tilespmem:s2], [sflag:$0x2] =	stream.linear.gather [hbm4b:s21+s3], $0x10, $0x38;
	[tilespmem:$0x8600] =	vst v63  }
0x227: {  	s22 =	sadd.s32 $0x6400, s23;
	s2 =	sadd.s32 s20, s18  }
0x228: {  	[tilespmem:s22], [sflag:$0x2] =	stream.linear.gather [hbm4b:s2+s3], $0x10, $0x38;
	[tilespmem:$0x8600] =	vst v63  }
0x229: {  	s25 =	sadd.s32 $0x6480, s23;
	s24 =	sadd.s32 $0x10, s2  }
0x22a: {  	[tilespmem:s25], [sflag:$0x2] =	stream.linear.gather [hbm4b:s24+s3], $0x10, $0x38;
	[tilespmem:$0x8600] =	vst v63  }
0x22b: {  	s30 =	sadd.s32 $0x6500, s23;
	s28 =	sadd.s32 $0x20, s2  }
0x22c: {  	[tilespmem:s30], [sflag:$0x2] =	stream.linear.gather [hbm4b:s28+s3], $0x10, $0x38;
	[tilespmem:$0x8600] =	vst v63  }
0x22d: {  	s5 =	sadd.s32 $0x6580, s23;
	s4 =	sadd.s32 $0x30, s2  }
0x22e: {  	[tilespmem:s5], [sflag:$0x2] =	stream.linear.gather [hbm4b:s4+s3], $0x10, $0x38;
	[tilespmem:$0x8600] =	vst v63  }
0x22f: {  	s7 =	sadd.s32 $0x6600, s23;
	s6 =	sadd.s32 $0x40, s2  }
0x230: {  	[tilespmem:s7], [sflag:$0x2] =	stream.linear.gather [hbm4b:s6+s3], $0x10, $0x38;
	[tilespmem:$0x8600] =	vst v63  }
0x231: {  	s9 =	sadd.s32 $0x6680, s23;
	s8 =	sadd.s32 $0x50, s2  }
0x232: {  	[tilespmem:s9], [sflag:$0x2] =	stream.linear.gather [hbm4b:s8+s3], $0x10, $0x38;
	[tilespmem:$0x8600] =	vst v63  }
0x233: {  	s11 =	sadd.s32 $0x6700, s23;
	s10 =	sadd.s32 $0x60, s2  }
0x234: {  	[tilespmem:s11], [sflag:$0x2] =	stream.linear.gather [hbm4b:s10+s3], $0x10, $0x38;
	[tilespmem:$0x8600] =	vst v63  }
0x235: {  	s17 =	sadd.s32 $0x6780, s23;
	s14 =	sadd.s32 $0x70, s2  }
0x236: {  	[tilespmem:s17], [sflag:$0x2] =	stream.linear.gather [hbm4b:s14+s3], $0x10, $0x38;
	[tilespmem:$0x8600] =	vst v63  }
0x237: {  	s21 =	sadd.s32 $0x6C00, s23;
	s18 =	sadd.s32 $0xF4280, s2  }
0x238: {  	[tilespmem:s21], [sflag:$0x2] =	stream.linear.gather [hbm4b:s18+s3], $0x10, $0x38;
	[tilespmem:$0x8600] =	vst v63  }
0x239: {  	s22 =	sadd.s32 $0x6C80, s23;
	s4 =	sadd.s32 $0x10, s18  }
0x23a: {  	[tilespmem:s22], [sflag:$0x2] =	stream.linear.gather [hbm4b:s4+s3], $0x10, $0x38;
	[tilespmem:$0x8600] =	vst v63  }
0x23b: {  	s24 =	sadd.s32 $0x6D00, s23;
	s25 =	sadd.s32 $0x20, s18  }
0x23c: {  	[tilespmem:s24], [sflag:$0x2] =	stream.linear.gather [hbm4b:s25+s3], $0x10, $0x38;
	[tilespmem:$0x8600] =	vst v63  }
0x23d: {  	s28 =	sadd.s32 $0x30, s18  }
0x23e: {  	[tilespmem:s29], [sflag:$0x2] =	stream.linear.gather [hbm4b:s28+s3], $0x10, $0x38;
	[tilespmem:$0x8600] =	vst v63  }
0x23f: {  	s30 =	sadd.s32 $0x40, s18;
	s29 =	sadd.s32 $0x6E00, s23  }
0x240: {  	[tilespmem:s29], [sflag:$0x2] =	stream.linear.gather [hbm4b:s30+s3], $0x10, $0x38;
	[tilespmem:$0x8600] =	vst v63  }
0x241: {  	s5 =	sadd.s32 $0x50, s18;
	s6 =	sadd.s32 $0x6E80, s23  }
0x242: {  	[tilespmem:s6], [sflag:$0x2] =	stream.linear.gather [hbm4b:s5+s3], $0x10, $0x38;
	[tilespmem:$0x8600] =	vst v63  }
0x243: {  	s7 =	sadd.s32 $0x60, s18;
	s8 =	sadd.s32 $0x6F00, s23  }
0x244: {  	[tilespmem:s8], [sflag:$0x2] =	stream.linear.gather [hbm4b:s7+s3], $0x10, $0x38;
	[tilespmem:$0x8600] =	vst v63  }
0x245: {  	s0 =	sadd.s32 $0x70, s18;
	s9 =	sadd.s32 $0x6F80, s23  }
0x246: {  	[tilespmem:s9], [sflag:$0x2] =	stream.linear.gather [hbm4b:s0+s3], $0x10, $0x38;
	[tilespmem:$0x8600] =	vst v63  }
0x247: {  	s10 =	sadd.s32 $0x7400, s23;
	s11 =	sadd.s32 $0x1E8500, s2  }
0x248: {  	[tilespmem:s10], [sflag:$0x2] =	stream.linear.gather [hbm4b:s11+s3], $0x10, $0x38;
	[tilespmem:$0x8600] =	vst v63  }
0x249: {  	s14 =	sadd.s32 $0x10, s11;
	s17 =	sadd.s32 $0x7480, s23  }
0x24a: {  	[tilespmem:s17], [sflag:$0x2] =	stream.linear.gather [hbm4b:s14+s3], $0x10, $0x38;
	[tilespmem:$0x8600] =	vst v63  }
0x24b: {  	s18 =	sadd.s32 $0x7500, s23;
	s21 =	sadd.s32 $0x20, s11  }
0x24c: {  	[tilespmem:s18], [sflag:$0x2] =	stream.linear.gather [hbm4b:s21+s3], $0x10, $0x38;
	[tilespmem:$0x8600] =	vst v63  }
0x24d: {  	s22 =	sadd.s32 $0x30, s11  }
0x24e: {  	[tilespmem:s26], [sflag:$0x2] =	stream.linear.gather [hbm4b:s22+s3], $0x10, $0x38;
	[tilespmem:$0x8600] =	vst v63  }
0x24f: {  	s24 =	sadd.s32 $0x40, s11;
	s25 =	sadd.s32 $0x7600, s23  }
0x250: {  	[tilespmem:s25], [sflag:$0x2] =	stream.linear.gather [hbm4b:s24+s3], $0x10, $0x38;
	[tilespmem:$0x8600] =	vst v63  }
0x251: {  	s28 =	sadd.s32 $0x7680, s23;
	s26 =	sadd.s32 $0x50, s11  }
0x252: {  	[tilespmem:s28], [sflag:$0x2] =	stream.linear.gather [hbm4b:s26+s3], $0x10, $0x38;
	[tilespmem:$0x8600] =	vst v63  }
0x253: {  	s29 =	sadd.s32 $0x60, s11;
	s30 =	sadd.s32 $0x7700, s23  }
0x254: {  	[tilespmem:s30], [sflag:$0x2] =	stream.linear.gather [hbm4b:s29+s3], $0x10, $0x38;
	[tilespmem:$0x8600] =	vst v63  }
0x255: {  	s4 =	sadd.s32 $0x70, s11;
	s5 =	sadd.s32 $0x7780, s23  }
0x256: {  	[tilespmem:s5], [sflag:$0x2] =	stream.linear.gather [hbm4b:s4+s3], $0x10, $0x38;
	[tilespmem:$0x8600] =	vst v63  }
0x257: {  	s6 =	sadd.s32 $0x2DC780, s2;
	s7 =	sadd.s32 $0x7C00, s23  }
0x258: {  	[tilespmem:s7], [sflag:$0x2] =	stream.linear.gather [hbm4b:s6+s3], $0x10, $0x38;
	[tilespmem:$0x8600] =	vst v63  }
0x259: {  	s8 =	sadd.s32 $0x10, s6;
	s9 =	sadd.s32 $0x7C80, s23  }
0x25a: {  	[tilespmem:s9], [sflag:$0x2] =	stream.linear.gather [hbm4b:s8+s3], $0x10, $0x38;
	[tilespmem:$0x8600] =	vst v63  }
0x25b: {  	s10 =	sadd.s32 $0x20, s6;
	s11 =	sadd.s32 $0x7D00, s23  }
0x25c: {  	[tilespmem:s11], [sflag:$0x2] =	stream.linear.gather [hbm4b:s10+s3], $0x10, $0x38;
	[tilespmem:$0x8600] =	vst v63  }
0x25d: {  	s14 =	sadd.s32 $0x30, s6;
	s17 =	sadd.s32 $0x7D80, s23  }
0x25e: {  	[tilespmem:s17], [sflag:$0x2] =	stream.linear.gather [hbm4b:s14+s3], $0x10, $0x38;
	[tilespmem:$0x8600] =	vst v63  }
0x25f: {  	s18 =	sadd.s32 $0x40, s6;
	s21 =	sadd.s32 $0x7E00, s23  }
0x260: {  	[tilespmem:s21], [sflag:$0x2] =	stream.linear.gather [hbm4b:s18+s3], $0x10, $0x38;
	[tilespmem:$0x8600] =	vst v63  }
0x261: {  	s22 =	sadd.s32 $0x50, s6;
	s24 =	sadd.s32 $0x7E80, s23  }
0x262: {  	[tilespmem:s24], [sflag:$0x2] =	stream.linear.gather [hbm4b:s22+s3], $0x10, $0x38;
	[tilespmem:$0x8600] =	vst v63  }
0x263: {  	s25 =	sadd.s32 $0x60, s6;
	s26 =	sadd.s32 $0x7F00, s23  }
0x264: {  	[tilespmem:s26], [sflag:$0x2] =	stream.linear.gather [hbm4b:s25+s3], $0x10, $0x38;
	[tilespmem:$0x8600] =	vst v63  }
0x265: {  	s0 =	sadd.s32 $0x70, s6;
	s28 =	sadd.s32 $0x7F80, s23;
	s29 =	simm.s32 $0x1  }
0x266: {  	[tilespmem:s28], [sflag:$0x2] =	stream.linear.gather [hbm4b:s0+s3], $0x10, $0x38;
	[tilespmem:$0x8600] =	vst v63  }
0x267: {  	_ =	swait.ge [sflag:s29], $0x4000  }
0x268: {  	[sflag:s29] =	ssyncset.done $0x0  }
0x269: {  	s5 =	rddreg [dreg:$0xe];
	[sflag:s29] =	ssyncadd.s32 $0xFFFFC000  }
0x26a: {  	v8 =	vld [tilespmem:s5+$0x0]  }
0x26b: {  	v9 =	vld [tilespmem:s5+$0x200];
	_ =	sdelay $0x3  }
0x26c: {  	v8 =	vand.u32 $0xF, v8  }
0x26d: {  	s30 =	simm.s32 $0x0;
	v25 =	vand.u32 $0xF, v9;
	v22 =	vor.u32 v0, v8  }
0x26e: {  	v23 =	vor.u32 v0, v25;
	v10 =	vor.u32 s30, v22  }
0x26f: {  	v20 =	vor.u32 v1, v8;
	v11 =	vor.u32 s30, v23  }
0x270: {  	v21 =	vor.u32 v1, v25;
	v12 =	vor.u32 s30, v20  }
0x271: {  	v19 =	vor.u32 v2, v8;
	v15 =	vor.u32 s30, v21  }
0x272: {  	v17 =	vor.u32 v2, v25;
	v16 =	vor.u32 s30, v19  }
0x273: {  	v9 =	vor.u32 v3, v8;
	v18 =	vor.u32 s30, v17;
	v26 =	vld.idx.msk [tilespmem:v10+s12+$0x0], $0xffff  }
0x274: {  	v13 =	vor.u32 v3, v25;
	v24 =	vor.u32 s30, v9;
	v27 =	vld.idx.msk [tilespmem:v11+s13+$0x0], $0xffff  }
0x275: {  	v10 =	vor.u32 v4, v8;
	v28 =	vld.idx.msk [tilespmem:v12+s12+$0x0], $0xffff;
	v12 =	vor.u32 s30, v13  }
0x276: {  	v14 =	vor.u32 v4, v25;
	v29 =	vld.idx.msk [tilespmem:v15+s13+$0x0], $0xffff;
	v30 =	vor.u32 s30, v10  }
0x277: {  	v31 =	vor.u32 s30, v14;
	v11 =	vor.u32 v5, v8;
	v36 =	vld.idx.msk [tilespmem:v16+s12+$0x0], $0xffff  }
0x278: {  	v32 =	vimm.f32 $0.0e+00;
	v15 =	vor.u32 v5, v25;
	v37 =	vld.idx.msk [tilespmem:v18+s13+$0x0], $0xffff;
	v35 =	vor.u32 s30, v11  }
0x279: {  	v24 =	vld.idx.msk [tilespmem:v24+s12+$0x0], $0xffff;
	v18 =	vor.u32 v6, v8;
	v38 =	vor.u32 s30, v15;
	v26 =	vmul.f32 v27, v26  }
0x27a: {  	v16 =	vor.u32 v6, v25;
	v33 =	vor.u32 s30, v18;
	v27 =	vld.idx.msk [tilespmem:v12+s13+$0x0], $0xffff;
	v12 =	vor.u32 v7, v8  }
0x27b: {  	v8 =	vor.u32 v7, v25;
	v25 =	vld.idx.msk [tilespmem:v30+s12+$0x0], $0xffff;
	v30 =	vadd.f32 v26, v32;
	v32 =	vor.u32 s30, v16  }
0x27c: {  	v39 =	vmul.f32 v29, v28;
	v28 =	vld.idx.msk [tilespmem:v31+s13+$0x0], $0xffff;
	v34 =	vor.u32 s30, v12  }
0x27d: {  	s2 =	simm.s32 $0x800;
	v29 =	vor.u32 s30, v8;
	v26 =	vld.idx.msk [tilespmem:v35+s12+$0x0], $0xffff  }
0x27e: {  	s4 =	simm.s32 $0x2;
	v31 =	vor.u32 s2, v22;
	v36 =	vmul.f32 v37, v36;
	v35 =	vadd.f32 v39, v30;
	v30 =	vld.idx.msk [tilespmem:v38+s13+$0x0], $0xffff  }
.LBB2_7:
0x27f: {  	p0 =	sne.s32 s4, $0x3;
	v37 =	vor.u32 s2, v23;
	v33 =	vld.idx.msk [tilespmem:v33+s12+$0x0], $0xffff  }
0x280: {  	v38 =	vor.u32 s2, v20;
	v24 =	vmul.f32 v27, v24;
	v35 =	vadd.f32 v36, v35;
	v27 =	vld.idx.msk [tilespmem:v32+s13+$0x0], $0xffff  }
0x281: {  	v32 =	vor.u32 s2, v21;
	v34 =	vld.idx.msk [tilespmem:v34+s12+$0x0], $0xffff  }
0x282: {  	v36 =	vor.u32 s2, v19;
	v25 =	vmul.f32 v28, v25;
	v24 =	vadd.f32 v24, v35;
	v28 =	vld.idx.msk [tilespmem:v29+s13+$0x0], $0xffff  }
0x283: {  	v29 =	vld.idx.msk [tilespmem:v31+s12+$0x0], $0xffff;
	v31 =	vor.u32 s2, v17  }
0x284: {  	v35 =	vld.idx.msk [tilespmem:v37+s13+$0x0], $0xffff;
	v37 =	vor.u32 s2, v9;
	v24 =	vadd.f32 v25, v24;
	v25 =	vmul.f32 v30, v26  }
0x285: {  	v30 =	vor.u32 s2, v13;
	v26 =	vld.idx.msk [tilespmem:v38+s12+$0x0], $0xffff  }
0x286: {  	v38 =	vld.idx.msk [tilespmem:v32+s13+$0x0], $0xffff;
	v32 =	vor.u32 s2, v10;
	v24 =	vadd.f32 v25, v24;
	v25 =	vmul.f32 v27, v33  }
0x287: {  	v39 =	vor.u32 s2, v14;
	v36 =	vld.idx.msk [tilespmem:v36+s12+$0x0], $0xffff  }
0x288: {  	v28 =	vmul.f32 v28, v34;
	v40 =	vld.idx.msk [tilespmem:v31+s13+$0x0], $0xffff;
	v31 =	vor.u32 s2, v11;
	v25 =	vadd.f32 v25, v24  }
0x289: {  	v24 =	vld.idx.msk [tilespmem:v37+s12+$0x0], $0xffff;
	v37 =	vor.u32 s2, v15  }
.Ltmp2:
0x28a: {  	v33 =	vor.u32 s2, v18;
	v29 =	vmul.f32 v35, v29;
	v27 =	vld.idx.msk [tilespmem:v30+s13+$0x0], $0xffff;
	v28 =	vadd.f32 v28, v25;
	(pc) =	sbr.rel @p0 .LBB2_7-.Ltmp2, $4  }
0x28b: {  	v25 =	vld.idx.msk [tilespmem:v32+s12+$0x0], $0xffff;
	v32 =	vor.u32 s2, v16  }
0x28c: {  	v34 =	vor.u32 s2, v12;
	v35 =	vmul.f32 v38, v26;
	v30 =	vadd.f32 v29, v28;
	v28 =	vld.idx.msk [tilespmem:v39+s13+$0x0], $0xffff  }
0x28d: {  	v29 =	vor.u32 s2, v8;
	s2 =	sshll.u32 s4, $0xB;
	v26 =	vld.idx.msk [tilespmem:v31+s12+$0x0], $0xffff  }
0x28e: {  	s4 =	sadd.s32 $0x1, s4;
	v31 =	vor.u32 s2, v22;
	v36 =	vmul.f32 v40, v36;
	v35 =	vadd.f32 v35, v30;
	v30 =	vld.idx.msk [tilespmem:v37+s13+$0x0], $0xffff  }
0x28f: {  	_ =	sdelay $0x3  }
0x290: {  	v22 =	vor.u32 s2, v23;
	v53 =	vld.idx.msk [tilespmem:v33+s12+$0x0], $0xffff;
	v24 =	vmul.f32 v27, v24;
	v54 =	vadd.f32 v36, v35  }
0x291: {  	v20 =	vor.u32 s2, v20;
	v55 =	vld.idx.msk [tilespmem:v32+s13+$0x0], $0xffff  }
0x292: {  	v21 =	vor.u32 s2, v21;
	v56 =	vld.idx.msk [tilespmem:v34+s12+$0x0], $0xffff;
	v25 =	vmul.f32 v28, v25;
	v24 =	vadd.f32 v24, v54  }
0x293: {  	v19 =	vor.u32 s2, v19;
	v57 =	vld.idx.msk [tilespmem:v29+s13+$0x0], $0xffff  }
0x294: {  	v58 =	vld.idx.msk [tilespmem:v31+s12+$0x0], $0xffff;
	v17 =	vor.u32 s2, v17;
	v59 =	vmul.f32 v30, v26;
	v24 =	vadd.f32 v25, v24  }
0x295: {  	v9 =	vor.u32 s2, v9;
	v22 =	vld.idx.msk [tilespmem:v22+s13+$0x0], $0xffff  }
0x296: {  	v13 =	vor.u32 s2, v13;
	v20 =	vld.idx.msk [tilespmem:v20+s12+$0x0], $0xffff;
	v23 =	vmul.f32 v55, v53;
	v24 =	vadd.f32 v59, v24  }
0x297: {  	v10 =	vor.u32 s2, v10;
	v21 =	vld.idx.msk [tilespmem:v21+s13+$0x0], $0xffff  }
0x298: {  	v14 =	vor.u32 s2, v14;
	v19 =	vld.idx.msk [tilespmem:v19+s12+$0x0], $0xffff;
	v60 =	vmul.f32 v57, v56;
	v23 =	vadd.f32 v23, v24  }
0x299: {  	v11 =	vor.u32 s2, v11;
	v17 =	vld.idx.msk [tilespmem:v17+s13+$0x0], $0xffff  }
0x29a: {  	v15 =	vor.u32 s2, v15;
	v9 =	vld.idx.msk [tilespmem:v9+s12+$0x0], $0xffff;
	v22 =	vmul.f32 v22, v58;
	v23 =	vadd.f32 v60, v23  }
0x29b: {  	v18 =	vor.u32 s2, v18;
	v13 =	vld.idx.msk [tilespmem:v13+s13+$0x0], $0xffff  }
0x29c: {  	v16 =	vor.u32 s2, v16;
	v10 =	vld.idx.msk [tilespmem:v10+s12+$0x0], $0xffff;
	v20 =	vmul.f32 v21, v20;
	v22 =	vadd.f32 v22, v23  }
0x29d: {  	v12 =	vor.u32 s2, v12;
	v14 =	vld.idx.msk [tilespmem:v14+s13+$0x0], $0xffff  }
0x29e: {  	v8 =	vor.u32 s2, v8;
	v11 =	vld.idx.msk [tilespmem:v11+s12+$0x0], $0xffff;
	v17 =	vmul.f32 v17, v19;
	v20 =	vadd.f32 v20, v22  }
0x29f: {  	v15 =	vld.idx.msk [tilespmem:v15+s13+$0x0], $0xffff  }
0x2a0: {  	v18 =	vld.idx.msk [tilespmem:v18+s12+$0x0], $0xffff;
	v9 =	vmul.f32 v13, v9;
	v17 =	vadd.f32 v17, v20  }
0x2a1: {  	v61 =	vld.idx.msk [tilespmem:v16+s13+$0x0], $0xffff  }
0x2a2: {  	v12 =	vld.idx.msk [tilespmem:v12+s12+$0x0], $0xffff;
	v10 =	vmul.f32 v14, v10;
	v9 =	vadd.f32 v9, v17  }
0x2a3: {  	v8 =	vld.idx.msk [tilespmem:v8+s13+$0x0], $0xffff  }
0x2a4: {  	v62 =	vmul.f32 v15, v11;
	v9 =	vadd.f32 v10, v9;
	_ =	sdelay $0x1  }
0x2a5: {  	s1 =	rddreg [dreg:$0xc];
	v63 =	vmul.f32 v61, v18;
	v9 =	vadd.f32 v62, v9  }
0x2a6: {  	p0 =	seq.s32 s1, $0xF  }
.Ltmp3:
0x2a7: {  	v8 =	vmul.f32 v8, v12;
	v9 =	vadd.f32 v63, v9;
	(pc) =	sbr.rel @p0 .LBB2_12-.Ltmp3, $3  }
0x2a8: {  	_ = 	snop  }
0x2a9: {  	v8 =	vadd.f32 v8, v9;
	_ =	sdelay $0x1  }
0x2aa: {  	[tilespmem:s5+$0x8400] =	vst v8  }
0x2ab: {  	v8 =	vld [tilespmem:s5+$0x220]  }
0x2ac: {  	v9 =	vld [tilespmem:s5+$0x20];
	_ =	sdelay $0x1  }
0x2ad: {  	s0 =	simm.s32 $0x0  }
0x2ae: {  	v10 =	vmov s0  }
0x2af: {  	v11 =	vperm.xlane v8, v10  }
0x2b0: {  	v10 =	vperm.xlane v9, v10  }
0x2b1: {  	(v2sf) =	vpush v11, $0x0  }
0x2b2: {  	(v2sf) =	vpush v10, $0x0;
	_ =	sdelay $0xd  }
0x2b3: {  	s1 =	spop (v2sf)  }
0x2b4: {  	s2 =	spop (v2sf)  }
0x2b5: {  	s4 =	sand.u32 $0xF, s2  }
0x2b6: {  	s26 =	sshra.s32 s2, $0x1F;
	p0 =	slt.s32 s2, $0x1;
	p1 =	sne.s32 s4, $0x0  }
0x2b7: {  	s29 =	sshrl.u32 s26, $0x1C;
	p0 =	por !p0, !p1  }
0x2b8: {  	s4 =	simm.s32 $0x1;
	s2 =	sadd.s32 s29, s2;
	p0 =	por !p0, !p0  }
0x2b9: {  	s2 =	sshra.s32 s2, $0x4;
	s4 =	simm.s32 @!p0 $0x0  }
0x2ba: {  	s2 =	ssub.s32 s2, s4  }
0x2bb: {  	s30 =	sand.u32 $0x70, s0;
	s4 =	sshll.u32 s2, $0x7;
	s2 =	sshll.u32 s2, $0x4  }
0x2bc: {  	s0 =	sand.u32 $0x400, s0;
	s4 =	sand.u32 $0xFFFFFC00, s4;
	s2 =	sand.u32 $0x70, s2  }
0x2bd: {  	s22 =	sor.u32 s30, s0;
	s2 =	sor.u32 s2, s4  }
0x2be: {  	s0 =	sadd.s32 $0x400, s22;
	s2 =	sshrl.u32 s2, $0x3  }
0x2bf: {  	s6 =	sadd.s32 $0x480, s22;
	s7 =	sadd.s32 $0x500, s22;
	s4 =	sadd.s32 s31, s2  }
0x2c0: {  	[tilespmem:s0], [sflag:$0x1] =	stream.linear.gather [hbm4b:s4+s3], $0x10, $0x38;
	[tilespmem:$0x8600] =	vst v63  }
0x2c1: {  	s9 =	sadd.s32 $0x580, s22;
	s11 =	sadd.s32 $0x600, s22;
	s5 =	sadd.s32 $0x10, s4  }
0x2c2: {  	[tilespmem:s6], [sflag:$0x1] =	stream.linear.gather [hbm4b:s5+s3], $0x10, $0x38;
	[tilespmem:$0x8600] =	vst v63  }
0x2c3: {  	s18 =	sadd.s32 $0x680, s22;
	s24 =	sadd.s32 $0x700, s22;
	s8 =	sadd.s32 $0x20, s4  }
0x2c4: {  	[tilespmem:s7], [sflag:$0x1] =	stream.linear.gather [hbm4b:s8+s3], $0x10, $0x38;
	[tilespmem:$0x8600] =	vst v63  }
0x2c5: {  	s25 =	sadd.s32 $0x780, s22;
	s28 =	sadd.s32 $0x2D80, s22;
	s10 =	sadd.s32 $0x30, s4  }
0x2c6: {  	[tilespmem:s9], [sflag:$0x1] =	stream.linear.gather [hbm4b:s10+s3], $0x10, $0x38;
	[tilespmem:$0x8600] =	vst v63  }
0x2c7: {  	s17 =	sshra.s32 s1, $0x1F;
	s23 =	sand.u32 $0xF, s1;
	s14 =	sadd.s32 $0x40, s4  }
0x2c8: {  	[tilespmem:s11], [sflag:$0x1] =	stream.linear.gather [hbm4b:s14+s3], $0x10, $0x38;
	[tilespmem:$0x8600] =	vst v63  }
0x2c9: {  	p5 =	slt.s32 s1, $0x1;
	p6 =	sne.s32 s23, $0x0;
	s21 =	sadd.s32 $0x50, s4  }
0x2ca: {  	[tilespmem:s18], [sflag:$0x1] =	stream.linear.gather [hbm4b:s21+s3], $0x10, $0x38;
	[tilespmem:$0x8600] =	vst v63  }
0x2cb: {  	s29 =	sadd.s32 $0xC00, s22;
	p0 =	por !p5, !p6;
	s6 =	sadd.s32 $0x60, s4  }
0x2cc: {  	[tilespmem:s24], [sflag:$0x1] =	stream.linear.gather [hbm4b:s6+s3], $0x10, $0x38;
	[tilespmem:$0x8600] =	vst v63  }
0x2cd: {  	p0 =	por !p0, !p0;
	s2 =	simm.s32 $0x1;
	s26 =	sadd.s32 $0x70, s4  }
0x2ce: {  	[tilespmem:s25], [sflag:$0x1] =	stream.linear.gather [hbm4b:s26+s3], $0x10, $0x38;
	[tilespmem:$0x8600] =	vst v63  }
0x2cf: {  	s30 =	sadd.s32 $0xF4280, s4;
	s0 =	sshrl.u32 s17, $0x1C;
	s17 =	sadd.s32 $0xE00, s22  }
0x2d0: {  	[tilespmem:s29], [sflag:$0x1] =	stream.linear.gather [hbm4b:s30+s3], $0x10, $0x38;
	[tilespmem:$0x8600] =	vst v63  }
0x2d1: {  	s0 =	sadd.s32 s0, s1;
	s7 =	sadd.s32 $0xC80, s22;
	s8 =	sadd.s32 $0x10, s30  }
0x2d2: {  	[tilespmem:s7], [sflag:$0x1] =	stream.linear.gather [hbm4b:s8+s3], $0x10, $0x38;
	[tilespmem:$0x8600] =	vst v63  }
0x2d3: {  	s23 =	sadd.s32 $0x50, s30;
	s9 =	sadd.s32 $0xD00, s22;
	s10 =	sadd.s32 $0x20, s30  }
0x2d4: {  	[tilespmem:s9], [sflag:$0x1] =	stream.linear.gather [hbm4b:s10+s3], $0x10, $0x38;
	[tilespmem:$0x8600] =	vst v63  }
0x2d5: {  	s1 =	simm.s32 $0x1;
	s11 =	sadd.s32 $0xD80, s22;
	s14 =	sadd.s32 $0x30, s30  }
0x2d6: {  	[tilespmem:s11], [sflag:$0x1] =	stream.linear.gather [hbm4b:s14+s3], $0x10, $0x38;
	[tilespmem:$0x8600] =	vst v63  }
0x2d7: {  	s0 =	sshra.s32 s0, $0x4;
	s1 =	simm.s32 @!p0 $0x0;
	s18 =	sadd.s32 $0x40, s30  }
0x2d8: {  	[tilespmem:s17], [sflag:$0x1] =	stream.linear.gather [hbm4b:s18+s3], $0x10, $0x38;
	[tilespmem:$0x8600] =	vst v63  }
0x2d9: {  	s5 =	sadd.s32 $0x70, s30;
	s0 =	ssub.s32 s0, s1;
	s21 =	sadd.s32 $0xE80, s22  }
0x2da: {  	[tilespmem:s21], [sflag:$0x1] =	stream.linear.gather [hbm4b:s23+s3], $0x10, $0x38;
	[tilespmem:$0x8600] =	vst v63  }
0x2db: {  	s24 =	sadd.s32 $0xF00, s22;
	s6 =	sadd.s32 $0x2DC780, s4;
	s25 =	sadd.s32 $0x60, s30  }
0x2dc: {  	[tilespmem:s24], [sflag:$0x1] =	stream.linear.gather [hbm4b:s25+s3], $0x10, $0x38;
	[tilespmem:$0x8600] =	vst v63  }
0x2dd: {  	s26 =	sadd.s32 $0xF80, s22;
	s29 =	sadd.s32 $0x1400, s22;
	s30 =	sshll.u32 s0, $0x7  }
0x2de: {  	[tilespmem:s26], [sflag:$0x1] =	stream.linear.gather [hbm4b:s5+s3], $0x10, $0x38;
	[tilespmem:$0x8600] =	vst v63  }
0x2df: {  	s0 =	sshll.u32 s0, $0x4;
	s1 =	sand.u32 $0xFFFFFC00, s30;
	s5 =	sadd.s32 $0x1E8500, s4  }
0x2e0: {  	[tilespmem:s29], [sflag:$0x1] =	stream.linear.gather [hbm4b:s5+s3], $0x10, $0x38;
	[tilespmem:$0x8600] =	vst v63  }
0x2e1: {  	s0 =	sand.u32 $0x70, s0;
	s7 =	sadd.s32 $0x1480, s22;
	s8 =	sadd.s32 $0x10, s5  }
0x2e2: {  	[tilespmem:s7], [sflag:$0x1] =	stream.linear.gather [hbm4b:s8+s3], $0x10, $0x38;
	[tilespmem:$0x8600] =	vst v63  }
0x2e3: {  	s30 =	sadd.s32 $0x1C00, s22;
	s9 =	sadd.s32 $0x1500, s22;
	s10 =	sadd.s32 $0x20, s5  }
0x2e4: {  	[tilespmem:s9], [sflag:$0x1] =	stream.linear.gather [hbm4b:s10+s3], $0x10, $0x38;
	[tilespmem:$0x8600] =	vst v63  }
0x2e5: {  	s11 =	sadd.s32 $0x1580, s22;
	s17 =	sadd.s32 $0x1600, s22;
	s14 =	sadd.s32 $0x30, s5  }
0x2e6: {  	[tilespmem:s11], [sflag:$0x1] =	stream.linear.gather [hbm4b:s14+s3], $0x10, $0x38;
	[tilespmem:$0x8600] =	vst v63  }
0x2e7: {  	s21 =	sadd.s32 $0x1680, s22;
	s24 =	sadd.s32 $0x1700, s22;
	s18 =	sadd.s32 $0x40, s5  }
0x2e8: {  	[tilespmem:s17], [sflag:$0x1] =	stream.linear.gather [hbm4b:s18+s3], $0x10, $0x38;
	[tilespmem:$0x8600] =	vst v63  }
0x2e9: {  	s26 =	sor.u32 s0, s1;
	s23 =	sadd.s32 $0x50, s5;
	s25 =	sadd.s32 $0x60, s5  }
0x2ea: {  	[tilespmem:s21], [sflag:$0x1] =	stream.linear.gather [hbm4b:s23+s3], $0x10, $0x38;
	[tilespmem:$0x8600] =	vst v63  }
0x2eb: {  	s29 =	sadd.s32 $0x1780, s22;
	s5 =	sadd.s32 $0x70, s5;
	s8 =	sadd.s32 $0x1C80, s22  }
0x2ec: {  	[tilespmem:s24], [sflag:$0x1] =	stream.linear.gather [hbm4b:s25+s3], $0x10, $0x38;
	[tilespmem:$0x8600] =	vst v63  }
0x2ed: {  	s7 =	sadd.s32 $0x1D80, s22;
	s10 =	sadd.s32 $0x10, s6;
	s23 =	simm.s32 $0x80  }
0x2ee: {  	[tilespmem:s29], [sflag:$0x1] =	stream.linear.gather [hbm4b:s5+s3], $0x10, $0x38;
	[tilespmem:$0x8600] =	vst v63  }
0x2ef: {  	s24 =	simm.s32 $0x10;
	s25 =	sadd.s32 $0x3580, s22;
	s5 =	sadd.s32 $0x1D00, s22  }
0x2f0: {  	[tilespmem:s30], [sflag:$0x1] =	stream.linear.gather [hbm4b:s6+s3], $0x10, $0x38;
	[tilespmem:$0x8600] =	vst v63  }
.LBB2_10:
0x2f1: {  	[tilespmem:s8], [sflag:$0x1] =	stream.linear.gather [hbm4b:s10+s3], $0x10, $0x38;
	[tilespmem:$0x8600] =	vst v63  }
0x2f2: {  	v10 =	vmov s2;
	s0 =	smov.u32 s2  }
0x2f3: {  	s1 =	sadd.s32 $0x1E00, s22;
	s4 =	sadd.s32 $0x3500, s22;
	v11 =	vperm.xlane v9, v10;
	v10 =	vperm.xlane v8, v10;
	s0 =	sadd.s32 $0x20, s6  }
0x2f4: {  	[tilespmem:s5], [sflag:$0x1] =	stream.linear.gather [hbm4b:s0+s3], $0x10, $0x38;
	[tilespmem:$0x8600] =	vst v63  }
0x2f5: {  	s8 =	sadd.s32 $0x1E80, s22;
	s9 =	sshrl.u32 s26, $0x3;
	s0 =	sadd.s32 $0x30, s6  }
0x2f6: {  	(v2sf) =	vpush v10, $0x0;
	[tilespmem:s7], [sflag:$0x1] =	stream.linear.gather [hbm4b:s0+s3], $0x10, $0x38;
	[tilespmem:$0x8600] =	vst v63  }
0x2f7: {  	s5 =	sadd.s32 $0x2C80, s22;
	s0 =	sadd.s32 $0x40, s6;
	s7 =	sadd.s32 $0x1F00, s22  }
0x2f8: {  	[tilespmem:s1], [sflag:$0x1] =	stream.linear.gather [hbm4b:s0+s3], $0x10, $0x38;
	[tilespmem:$0x8600] =	vst v63  }
0x2f9: {  	s11 =	sadd.s32 $0x1F80, s22;
	s0 =	sadd.s32 $0x50, s6;
	s1 =	sadd.s32 $0x70, s6  }
0x2fa: {  	[tilespmem:s8], [sflag:$0x1] =	stream.linear.gather [hbm4b:s0+s3], $0x10, $0x38;
	[tilespmem:$0x8600] =	vst v63  }
0x2fb: {  	s10 =	sadd.s32 s20, s9;
	s0 =	sadd.s32 $0x60, s6;
	s8 =	sadd.s32 $0x2400, s22  }
0x2fc: {  	(v2sf) =	vpush v11, $0x0;
	[tilespmem:s7], [sflag:$0x1] =	stream.linear.gather [hbm4b:s0+s3], $0x10, $0x38;
	[tilespmem:$0x8600] =	vst v63  }
0x2fd: {  	s9 =	sadd.s32 $0x60, s10;
	s0 =	sadd.s32 $0x10, s10;
	s7 =	sadd.s32 $0x2480, s22  }
0x2fe: {  	[tilespmem:s11], [sflag:$0x1] =	stream.linear.gather [hbm4b:s1+s3], $0x10, $0x38;
	[tilespmem:$0x8600] =	vst v63  }
0x2ff: {  	s6 =	sadd.s32 $0x2D00, s22;
	s1 =	sadd.s32 $0x20, s10;
	s11 =	sadd.s32 $0x2500, s22  }
0x300: {  	[tilespmem:s8], [sflag:$0x1] =	stream.linear.gather [hbm4b:s10+s3], $0x10, $0x38;
	[tilespmem:$0x8600] =	vst v63  }
0x301: {  	s14 =	sadd.s32 $0x2580, s22;
	s17 =	sadd.s32 $0x70, s10;
	s8 =	sadd.s32 $0x30, s10  }
0x302: {  	[tilespmem:s7], [sflag:$0x1] =	stream.linear.gather [hbm4b:s0+s3], $0x10, $0x38;
	[tilespmem:$0x8600] =	vst v63  }
0x303: {  	s26 =	sadd.s32 $0x3400, s22;
	s0 =	sadd.s32 $0x40, s10;
	s7 =	sadd.s32 $0x2600, s22  }
0x304: {  	[tilespmem:s11], [sflag:$0x1] =	stream.linear.gather [hbm4b:s1+s3], $0x10, $0x38;
	[tilespmem:$0x8600] =	vst v63  }
0x305: {  	s18 =	sadd.s32 $0x2680, s22;
	s11 =	sadd.s32 $0x50, s10;
	s1 =	spop (v2sf)  }
0x306: {  	[tilespmem:s14], [sflag:$0x1] =	stream.linear.gather [hbm4b:s8+s3], $0x10, $0x38;
	[tilespmem:$0x8600] =	vst v63  }
0x307: {  	s21 =	sadd.s32 $0x2700, s22;
	s8 =	sshra.s32 s1, $0x1F;
	s14 =	sand.u32 $0xF, s1  }
0x308: {  	[tilespmem:s7], [sflag:$0x1] =	stream.linear.gather [hbm4b:s0+s3], $0x10, $0x38;
	[tilespmem:$0x8600] =	vst v63  }
0x309: {  	p0 =	slt.s32 s1, $0x1;
	s0 =	sadd.s32 $0x2780, s22;
	s7 =	sadd.s32 $0x2E00, s22  }
0x30a: {  	[tilespmem:s18], [sflag:$0x1] =	stream.linear.gather [hbm4b:s11+s3], $0x10, $0x38;
	[tilespmem:$0x8600] =	vst v63  }
0x30b: {  	s29 =	sadd.s32 $0x2C00, s22;
	s18 =	sadd.s32 $0xF4280, s10;
	s11 =	spop (v2sf)  }
0x30c: {  	[tilespmem:s21], [sflag:$0x1] =	stream.linear.gather [hbm4b:s9+s3], $0x10, $0x38;
	[tilespmem:$0x8600] =	vst v63  }
0x30d: {  	s30 =	sadd.s32 $0x10, s18;
	s9 =	sshra.s32 s11, $0x1F;
	s21 =	sand.u32 $0xF, s11  }
0x30e: {  	[tilespmem:s0], [sflag:$0x1] =	stream.linear.gather [hbm4b:s17+s3], $0x10, $0x38;
	[tilespmem:$0x8600] =	vst v63  }
0x30f: {  	p1 =	slt.s32 s11, $0x1;
	p2 =	sne.s32 s21, $0x0;
	s0 =	sshrl.u32 s9, $0x1C  }
0x310: {  	[tilespmem:s29], [sflag:$0x1] =	stream.linear.gather [hbm4b:s18+s3], $0x10, $0x38;
	[tilespmem:$0x8600] =	vst v63  }
0x311: {  	p1 =	por !p1, !p2;
	s9 =	sadd.s32 $0x20, s18;
	s0 =	sadd.s32 s0, s11  }
0x312: {  	p2 =	sne.s32 s14, $0x0;
	p1 =	por !p1, !p1;
	s0 =	sshra.s32 s0, $0x4  }
0x313: {  	[tilespmem:s5], [sflag:$0x1] =	stream.linear.gather [hbm4b:s30+s3], $0x10, $0x38;
	[tilespmem:$0x8600] =	vst v63  }
0x314: {  	s5 =	simm.s32 $0x1  }
0x315: {  	s8 =	sshrl.u32 s8, $0x1C;
	p0 =	por !p0, !p2;
	s5 =	simm.s32 @!p1 $0x0  }
0x316: {  	[tilespmem:s6], [sflag:$0x1] =	stream.linear.gather [hbm4b:s9+s3], $0x10, $0x38;
	[tilespmem:$0x8600] =	vst v63  }
0x317: {  	s1 =	sadd.s32 s8, s1;
	p0 =	por !p0, !p0;
	s0 =	ssub.s32 s0, s5  }
0x318: {  	s8 =	sadd.s32 $0x40, s18;
	s6 =	sadd.s32 $0x30, s18;
	s5 =	sshll.u32 s0, $0x7  }
0x319: {  	[tilespmem:s28], [sflag:$0x1] =	stream.linear.gather [hbm4b:s6+s3], $0x10, $0x38;
	[tilespmem:$0x8600] =	vst v63  }
0x31a: {  	s9 =	sadd.s32 $0x2E80, s22;
	s0 =	sshll.u32 s0, $0x4;
	s6 =	sadd.s32 $0x50, s18  }
0x31b: {  	[tilespmem:s7], [sflag:$0x1] =	stream.linear.gather [hbm4b:s8+s3], $0x10, $0x38;
	[tilespmem:$0x8600] =	vst v63  }
0x31c: {  	s5 =	sand.u32 $0xFFFFFC00, s5;
	s0 =	sand.u32 $0x70, s0;
	s7 =	sadd.s32 $0x60, s18  }
0x31d: {  	[tilespmem:s9], [sflag:$0x1] =	stream.linear.gather [hbm4b:s6+s3], $0x10, $0x38;
	[tilespmem:$0x8600] =	vst v63  }
0x31e: {  	s0 =	sor.u32 s0, s5;
	s5 =	sadd.s32 $0x2F00, s22;
	s6 =	sadd.s32 $0x70, s18  }
0x31f: {  	[tilespmem:s5], [sflag:$0x1] =	stream.linear.gather [hbm4b:s7+s3], $0x10, $0x38;
	[tilespmem:$0x8600] =	vst v63  }
0x320: {  	s17 =	sshrl.u32 s0, $0x3;
	s0 =	sadd.s32 $0x2F80, s22;
	s5 =	sadd.s32 $0x1E8500, s10  }
0x321: {  	[tilespmem:s0], [sflag:$0x1] =	stream.linear.gather [hbm4b:s6+s3], $0x10, $0x38;
	[tilespmem:$0x8600] =	vst v63  }
0x322: {  	s0 =	sshra.s32 s1, $0x4;
	s1 =	simm.s32 $0x1  }
0x323: {  	s6 =	sadd.s32 $0x10, s5;
	s1 =	simm.s32 @!p0 $0x0  }
0x324: {  	[tilespmem:s26], [sflag:$0x1] =	stream.linear.gather [hbm4b:s5+s3], $0x10, $0x38;
	[tilespmem:$0x8600] =	vst v63  }
0x325: {  	s7 =	sadd.s32 $0x20, s5;
	s0 =	ssub.s32 s0, s1;
	s1 =	sadd.s32 $0x3480, s22  }
0x326: {  	[tilespmem:s1], [sflag:$0x1] =	stream.linear.gather [hbm4b:s6+s3], $0x10, $0x38;
	[tilespmem:$0x8600] =	vst v63  }
0x327: {  	s1 =	sshll.u32 s0, $0x7;
	s0 =	sshll.u32 s0, $0x4;
	s6 =	sadd.s32 $0x30, s5  }
0x328: {  	[tilespmem:s4], [sflag:$0x1] =	stream.linear.gather [hbm4b:s7+s3], $0x10, $0x38;
	[tilespmem:$0x8600] =	vst v63  }
0x329: {  	s1 =	sand.u32 $0xFFFFFC00, s1;
	s0 =	sand.u32 $0x70, s0;
	s4 =	sadd.s32 $0x40, s5  }
0x32a: {  	[tilespmem:s25], [sflag:$0x1] =	stream.linear.gather [hbm4b:s6+s3], $0x10, $0x38;
	[tilespmem:$0x8600] =	vst v63  }
0x32b: {  	s26 =	sor.u32 s0, s1;
	s0 =	sadd.s32 $0x3600, s22;
	s1 =	sadd.s32 $0x50, s5  }
0x32c: {  	[tilespmem:s0], [sflag:$0x1] =	stream.linear.gather [hbm4b:s4+s3], $0x10, $0x38;
	[tilespmem:$0x8600] =	vst v63  }
0x32d: {  	s6 =	sadd.s32 $0x60, s5;
	s4 =	sadd.s32 $0x1, s2;
	s0 =	sadd.s32 $0x3680, s22  }
0x32e: {  	[tilespmem:s0], [sflag:$0x1] =	stream.linear.gather [hbm4b:s1+s3], $0x10, $0x38;
	[tilespmem:$0x8600] =	vst v63  }
0x32f: {  	p0 =	sne.s32 s2, $0xF;
	s0 =	sadd.s32 $0x3700, s22;
	s1 =	sadd.s32 $0x70, s5  }
0x330: {  	[tilespmem:s0], [sflag:$0x1] =	stream.linear.gather [hbm4b:s6+s3], $0x10, $0x38;
	[tilespmem:$0x8600] =	vst v63  }
0x331: {  	s2 =	sadd.s32 $0x2DC780, s10;
	s0 =	sadd.s32 $0x3780, s22  }
0x332: {  	[tilespmem:s0], [sflag:$0x1] =	stream.linear.gather [hbm4b:s1+s3], $0x10, $0x38;
	[tilespmem:$0x8600] =	vst v63  }
0x333: {  	s0 =	sadd.s32 $0x3C00, s22;
	s1 =	sadd.s32 $0x10, s2  }
0x334: {  	[tilespmem:s0], [sflag:$0x1] =	stream.linear.gather [hbm4b:s2+s3], $0x10, $0x38;
	[tilespmem:$0x8600] =	vst v63  }
0x335: {  	s5 =	sadd.s32 $0x20, s2;
	s0 =	sadd.s32 $0x3C80, s22  }
0x336: {  	[tilespmem:s0], [sflag:$0x1] =	stream.linear.gather [hbm4b:s1+s3], $0x10, $0x38;
	[tilespmem:$0x8600] =	vst v63  }
0x337: {  	s0 =	sadd.s32 $0x3D00, s22;
	s1 =	sadd.s32 $0x30, s2  }
0x338: {  	[tilespmem:s0], [sflag:$0x1] =	stream.linear.gather [hbm4b:s5+s3], $0x10, $0x38;
	[tilespmem:$0x8600] =	vst v63  }
0x339: {  	s0 =	sadd.s32 $0x3D80, s22;
	s5 =	sadd.s32 $0x40, s2  }
0x33a: {  	[tilespmem:s0], [sflag:$0x1] =	stream.linear.gather [hbm4b:s1+s3], $0x10, $0x38;
	[tilespmem:$0x8600] =	vst v63  }
0x33b: {  	s0 =	sadd.s32 $0x3E00, s22;
	s1 =	sadd.s32 $0x50, s2  }
0x33c: {  	[tilespmem:s0], [sflag:$0x1] =	stream.linear.gather [hbm4b:s5+s3], $0x10, $0x38;
	[tilespmem:$0x8600] =	vst v63  }
0x33d: {  	s6 =	sadd.s32 $0x60, s2;
	s0 =	sand.u32 $0x70, s24;
	s5 =	sadd.s32 $0x3E80, s22  }
0x33e: {  	[tilespmem:s5], [sflag:$0x1] =	stream.linear.gather [hbm4b:s1+s3], $0x10, $0x38;
	[tilespmem:$0x8600] =	vst v63  }
0x33f: {  	s2 =	sadd.s32 $0x70, s2;
	s1 =	sand.u32 $0x400, s23;
	s5 =	sadd.s32 $0x3F00, s22  }
0x340: {  	[tilespmem:s5], [sflag:$0x1] =	stream.linear.gather [hbm4b:s6+s3], $0x10, $0x38;
	[tilespmem:$0x8600] =	vst v63  }
0x341: {  	s5 =	sadd.s32 $0x3F80, s22;
	s22 =	sor.u32 s0, s1  }
0x342: {  	[tilespmem:s5], [sflag:$0x1] =	stream.linear.gather [hbm4b:s2+s3], $0x10, $0x38;
	[tilespmem:$0x8600] =	vst v63  }
0x343: {  	s0 =	sadd.s32 $0x400, s22;
	s1 =	sadd.s32 $0x500, s22;
	s2 =	sadd.s32 s31, s17  }
0x344: {  	[tilespmem:s0], [sflag:$0x1] =	stream.linear.gather [hbm4b:s2+s3], $0x10, $0x38;
	[tilespmem:$0x8600] =	vst v63  }
0x345: {  	s6 =	sadd.s32 $0x580, s22;
	s5 =	sadd.s32 $0x480, s22;
	s0 =	sadd.s32 $0x10, s2  }
0x346: {  	[tilespmem:s5], [sflag:$0x1] =	stream.linear.gather [hbm4b:s0+s3], $0x10, $0x38;
	[tilespmem:$0x8600] =	vst v63  }
0x347: {  	s0 =	sadd.s32 $0x20, s2;
	s5 =	sadd.s32 $0x600, s22  }
0x348: {  	[tilespmem:s1], [sflag:$0x1] =	stream.linear.gather [hbm4b:s0+s3], $0x10, $0x38;
	[tilespmem:$0x8600] =	vst v63  }
0x349: {  	s0 =	sadd.s32 $0x30, s2;
	s1 =	sadd.s32 $0x680, s22  }
0x34a: {  	[tilespmem:s6], [sflag:$0x1] =	stream.linear.gather [hbm4b:s0+s3], $0x10, $0x38;
	[tilespmem:$0x8600] =	vst v63  }
0x34b: {  	s0 =	sadd.s32 $0x40, s2;
	s6 =	sadd.s32 $0x700, s22  }
0x34c: {  	[tilespmem:s5], [sflag:$0x1] =	stream.linear.gather [hbm4b:s0+s3], $0x10, $0x38;
	[tilespmem:$0x8600] =	vst v63  }
0x34d: {  	s0 =	sadd.s32 $0x50, s2;
	s5 =	sadd.s32 $0x780, s22  }
0x34e: {  	[tilespmem:s1], [sflag:$0x1] =	stream.linear.gather [hbm4b:s0+s3], $0x10, $0x38;
	[tilespmem:$0x8600] =	vst v63  }
0x34f: {  	s0 =	sadd.s32 $0x60, s2;
	s1 =	sadd.s32 $0xC00, s22  }
0x350: {  	[tilespmem:s6], [sflag:$0x1] =	stream.linear.gather [hbm4b:s0+s3], $0x10, $0x38;
	[tilespmem:$0x8600] =	vst v63  }
0x351: {  	s0 =	sadd.s32 $0x70, s2;
	s6 =	sadd.s32 $0xC80, s22  }
0x352: {  	[tilespmem:s5], [sflag:$0x1] =	stream.linear.gather [hbm4b:s0+s3], $0x10, $0x38;
	[tilespmem:$0x8600] =	vst v63  }
0x353: {  	s0 =	sadd.s32 $0xF4280, s2;
	s5 =	sadd.s32 $0xD00, s22  }
0x354: {  	[tilespmem:s1], [sflag:$0x1] =	stream.linear.gather [hbm4b:s0+s3], $0x10, $0x38;
	[tilespmem:$0x8600] =	vst v63  }
0x355: {  	s7 =	sadd.s32 $0xD80, s22;
	s1 =	sadd.s32 $0x10, s0  }
0x356: {  	[tilespmem:s6], [sflag:$0x1] =	stream.linear.gather [hbm4b:s1+s3], $0x10, $0x38;
	[tilespmem:$0x8600] =	vst v63  }
0x357: {  	s1 =	sadd.s32 $0x20, s0;
	s6 =	sadd.s32 $0xE00, s22  }
0x358: {  	[tilespmem:s5], [sflag:$0x1] =	stream.linear.gather [hbm4b:s1+s3], $0x10, $0x38;
	[tilespmem:$0x8600] =	vst v63  }
0x359: {  	s1 =	sadd.s32 $0x30, s0;
	s5 =	sadd.s32 $0xE80, s22  }
0x35a: {  	[tilespmem:s7], [sflag:$0x1] =	stream.linear.gather [hbm4b:s1+s3], $0x10, $0x38;
	[tilespmem:$0x8600] =	vst v63  }
0x35b: {  	s1 =	sadd.s32 $0x40, s0;
	s7 =	sadd.s32 $0xF00, s22  }
0x35c: {  	[tilespmem:s6], [sflag:$0x1] =	stream.linear.gather [hbm4b:s1+s3], $0x10, $0x38;
	[tilespmem:$0x8600] =	vst v63  }
0x35d: {  	s1 =	sadd.s32 $0x50, s0;
	s6 =	sadd.s32 $0xF80, s22  }
0x35e: {  	[tilespmem:s5], [sflag:$0x1] =	stream.linear.gather [hbm4b:s1+s3], $0x10, $0x38;
	[tilespmem:$0x8600] =	vst v63  }
0x35f: {  	s1 =	sadd.s32 $0x60, s0;
	s5 =	sadd.s32 $0x1400, s22  }
0x360: {  	[tilespmem:s7], [sflag:$0x1] =	stream.linear.gather [hbm4b:s1+s3], $0x10, $0x38;
	[tilespmem:$0x8600] =	vst v63  }
0x361: {  	s0 =	sadd.s32 $0x70, s0;
	s1 =	sadd.s32 $0x1480, s22  }
0x362: {  	[tilespmem:s6], [sflag:$0x1] =	stream.linear.gather [hbm4b:s0+s3], $0x10, $0x38;
	[tilespmem:$0x8600] =	vst v63  }
0x363: {  	s0 =	sadd.s32 $0x1E8500, s2;
	s6 =	sadd.s32 $0x1500, s22  }
0x364: {  	[tilespmem:s5], [sflag:$0x1] =	stream.linear.gather [hbm4b:s0+s3], $0x10, $0x38;
	[tilespmem:$0x8600] =	vst v63  }
0x365: {  	s7 =	sadd.s32 $0x1580, s22;
	s5 =	sadd.s32 $0x10, s0  }
0x366: {  	[tilespmem:s1], [sflag:$0x1] =	stream.linear.gather [hbm4b:s5+s3], $0x10, $0x38;
	[tilespmem:$0x8600] =	vst v63  }
0x367: {  	s1 =	sadd.s32 $0x20, s0;
	s5 =	sadd.s32 $0x1600, s22  }
0x368: {  	[tilespmem:s6], [sflag:$0x1] =	stream.linear.gather [hbm4b:s1+s3], $0x10, $0x38;
	[tilespmem:$0x8600] =	vst v63  }
0x369: {  	s1 =	sadd.s32 $0x30, s0;
	s6 =	sadd.s32 $0x1680, s22  }
0x36a: {  	[tilespmem:s7], [sflag:$0x1] =	stream.linear.gather [hbm4b:s1+s3], $0x10, $0x38;
	[tilespmem:$0x8600] =	vst v63  }
0x36b: {  	s24 =	sadd.s32 $0x10, s24;
	s1 =	sadd.s32 $0x40, s0;
	s7 =	sadd.s32 $0x1700, s22  }
0x36c: {  	[tilespmem:s5], [sflag:$0x1] =	stream.linear.gather [hbm4b:s1+s3], $0x10, $0x38;
	[tilespmem:$0x8600] =	vst v63  }
0x36d: {  	s23 =	sadd.s32 $0x80, s23;
	s1 =	sadd.s32 $0x50, s0;
	s5 =	sadd.s32 $0x1780, s22  }
0x36e: {  	[tilespmem:s6], [sflag:$0x1] =	stream.linear.gather [hbm4b:s1+s3], $0x10, $0x38;
	[tilespmem:$0x8600] =	vst v63  }
0x36f: {  	s9 =	sadd.s32 $0x1C00, s22;
	s8 =	sadd.s32 $0x1C80, s22;
	s1 =	sadd.s32 $0x60, s0  }
0x370: {  	[tilespmem:s7], [sflag:$0x1] =	stream.linear.gather [hbm4b:s1+s3], $0x10, $0x38;
	[tilespmem:$0x8600] =	vst v63  }
.Ltmp4:
0x371: {  	s28 =	sadd.s32 $0x2D80, s22;
	s0 =	sadd.s32 $0x70, s0;
	(pc) =	sbr.rel @p0 .LBB2_10-.Ltmp4, $4  }
0x372: {  	[tilespmem:s5], [sflag:$0x1] =	stream.linear.gather [hbm4b:s0+s3], $0x10, $0x38;
	[tilespmem:$0x8600] =	vst v63  }
0x373: {  	s25 =	sadd.s32 $0x3580, s22;
	s6 =	sadd.s32 $0x2DC780, s2;
	s5 =	sadd.s32 $0x1D00, s22  }
0x374: {  	[tilespmem:s9], [sflag:$0x1] =	stream.linear.gather [hbm4b:s6+s3], $0x10, $0x38;
	[tilespmem:$0x8600] =	vst v63  }
0x375: {  	s2 =	smov.u32 s4;
	s10 =	sadd.s32 $0x10, s6;
	s7 =	sadd.s32 $0x1D80, s22  }
0x376: {  	[tilespmem:s8], [sflag:$0x1] =	stream.linear.gather [hbm4b:s10+s3], $0x10, $0x38;
	[tilespmem:$0x8600] =	vst v63  }
0x377: {  	s0 =	sadd.s32 $0x20, s6  }
0x378: {  	[tilespmem:s5], [sflag:$0x1] =	stream.linear.gather [hbm4b:s0+s3], $0x10, $0x38;
	[tilespmem:$0x8600] =	vst v63  }
0x379: {  	s10 =	sadd.s32 $0x30, s6  }
0x37a: {  	[tilespmem:s7], [sflag:$0x1] =	stream.linear.gather [hbm4b:s10+s3], $0x10, $0x38;
	[tilespmem:$0x8600] =	vst v63  }
0x37b: {  	s11 =	sadd.s32 $0x1E00, s22;
	s1 =	sadd.s32 $0x40, s6  }
0x37c: {  	[tilespmem:s11], [sflag:$0x1] =	stream.linear.gather [hbm4b:s1+s3], $0x10, $0x38;
	[tilespmem:$0x8600] =	vst v63  }
0x37d: {  	s14 =	sadd.s32 $0x1E80, s22;
	s17 =	sadd.s32 $0x50, s6  }
0x37e: {  	[tilespmem:s14], [sflag:$0x1] =	stream.linear.gather [hbm4b:s17+s3], $0x10, $0x38;
	[tilespmem:$0x8600] =	vst v63  }
0x37f: {  	s18 =	sadd.s32 $0x1F00, s22;
	s21 =	sadd.s32 $0x60, s6  }
0x380: {  	[tilespmem:s18], [sflag:$0x1] =	stream.linear.gather [hbm4b:s21+s3], $0x10, $0x38;
	[tilespmem:$0x8600] =	vst v63  }
0x381: {  	s23 =	sshrl.u32 s26, $0x3;
	s24 =	sadd.s32 $0x70, s6;
	s2 =	sadd.s32 $0x1F80, s22  }
0x382: {  	[tilespmem:s2], [sflag:$0x1] =	stream.linear.gather [hbm4b:s24+s3], $0x10, $0x38;
	[tilespmem:$0x8600] =	vst v63  }
0x383: {  	s26 =	sadd.s32 $0x2400, s22;
	s2 =	sadd.s32 s20, s23  }
0x384: {  	[tilespmem:s26], [sflag:$0x1] =	stream.linear.gather [hbm4b:s2+s3], $0x10, $0x38;
	[tilespmem:$0x8600] =	vst v63  }
0x385: {  	s30 =	sadd.s32 $0x2480, s22;
	s29 =	sadd.s32 $0x10, s2  }
0x386: {  	[tilespmem:s30], [sflag:$0x1] =	stream.linear.gather [hbm4b:s29+s3], $0x10, $0x38;
	[tilespmem:$0x8600] =	vst v63  }
0x387: {  	s4 =	sadd.s32 $0x2500, s22;
	s1 =	sadd.s32 $0x20, s2  }
0x388: {  	[tilespmem:s4], [sflag:$0x1] =	stream.linear.gather [hbm4b:s1+s3], $0x10, $0x38;
	[tilespmem:$0x8600] =	vst v63  }
0x389: {  	s6 =	sadd.s32 $0x2580, s22;
	s5 =	sadd.s32 $0x30, s2  }
0x38a: {  	[tilespmem:s6], [sflag:$0x1] =	stream.linear.gather [hbm4b:s5+s3], $0x10, $0x38;
	[tilespmem:$0x8600] =	vst v63  }
0x38b: {  	s8 =	sadd.s32 $0x2600, s22;
	s7 =	sadd.s32 $0x40, s2  }
0x38c: {  	[tilespmem:s8], [sflag:$0x1] =	stream.linear.gather [hbm4b:s7+s3], $0x10, $0x38;
	[tilespmem:$0x8600] =	vst v63  }
0x38d: {  	s10 =	sadd.s32 $0x2680, s22;
	s9 =	sadd.s32 $0x50, s2  }
0x38e: {  	[tilespmem:s10], [sflag:$0x1] =	stream.linear.gather [hbm4b:s9+s3], $0x10, $0x38;
	[tilespmem:$0x8600] =	vst v63  }
0x38f: {  	s14 =	sadd.s32 $0x2700, s22;
	s11 =	sadd.s32 $0x60, s2  }
0x390: {  	[tilespmem:s14], [sflag:$0x1] =	stream.linear.gather [hbm4b:s11+s3], $0x10, $0x38;
	[tilespmem:$0x8600] =	vst v63  }
0x391: {  	s18 =	sadd.s32 $0x2780, s22;
	s17 =	sadd.s32 $0x70, s2  }
0x392: {  	[tilespmem:s18], [sflag:$0x1] =	stream.linear.gather [hbm4b:s17+s3], $0x10, $0x38;
	[tilespmem:$0x8600] =	vst v63  }
0x393: {  	s23 =	sadd.s32 $0x2C00, s22;
	s21 =	sadd.s32 $0xF4280, s2  }
0x394: {  	[tilespmem:s23], [sflag:$0x1] =	stream.linear.gather [hbm4b:s21+s3], $0x10, $0x38;
	[tilespmem:$0x8600] =	vst v63  }
0x395: {  	s24 =	sadd.s32 $0x2C80, s22;
	s4 =	sadd.s32 $0x10, s21  }
0x396: {  	[tilespmem:s24], [sflag:$0x1] =	stream.linear.gather [hbm4b:s4+s3], $0x10, $0x38;
	[tilespmem:$0x8600] =	vst v63  }
0x397: {  	s26 =	sadd.s32 $0x2D00, s22;
	s29 =	sadd.s32 $0x20, s21  }
0x398: {  	[tilespmem:s26], [sflag:$0x1] =	stream.linear.gather [hbm4b:s29+s3], $0x10, $0x38;
	[tilespmem:$0x8600] =	vst v63  }
0x399: {  	s30 =	sadd.s32 $0x30, s21  }
0x39a: {  	[tilespmem:s28], [sflag:$0x1] =	stream.linear.gather [hbm4b:s30+s3], $0x10, $0x38;
	[tilespmem:$0x8600] =	vst v63  }
0x39b: {  	s5 =	sadd.s32 $0x40, s21;
	s4 =	sadd.s32 $0x2E00, s22  }
0x39c: {  	[tilespmem:s4], [sflag:$0x1] =	stream.linear.gather [hbm4b:s5+s3], $0x10, $0x38;
	[tilespmem:$0x8600] =	vst v63  }
0x39d: {  	s6 =	sadd.s32 $0x50, s21;
	s7 =	sadd.s32 $0x2E80, s22  }
0x39e: {  	[tilespmem:s7], [sflag:$0x1] =	stream.linear.gather [hbm4b:s6+s3], $0x10, $0x38;
	[tilespmem:$0x8600] =	vst v63  }
0x39f: {  	s8 =	sadd.s32 $0x60, s21;
	s9 =	sadd.s32 $0x2F00, s22  }
0x3a0: {  	[tilespmem:s9], [sflag:$0x1] =	stream.linear.gather [hbm4b:s8+s3], $0x10, $0x38;
	[tilespmem:$0x8600] =	vst v63  }
0x3a1: {  	s0 =	sadd.s32 $0x70, s21;
	s10 =	sadd.s32 $0x2F80, s22  }
0x3a2: {  	[tilespmem:s10], [sflag:$0x1] =	stream.linear.gather [hbm4b:s0+s3], $0x10, $0x38;
	[tilespmem:$0x8600] =	vst v63  }
0x3a3: {  	s11 =	sadd.s32 $0x3400, s22;
	s14 =	sadd.s32 $0x1E8500, s2  }
0x3a4: {  	[tilespmem:s11], [sflag:$0x1] =	stream.linear.gather [hbm4b:s14+s3], $0x10, $0x38;
	[tilespmem:$0x8600] =	vst v63  }
0x3a5: {  	s17 =	sadd.s32 $0x10, s14;
	s18 =	sadd.s32 $0x3480, s22  }
0x3a6: {  	[tilespmem:s18], [sflag:$0x1] =	stream.linear.gather [hbm4b:s17+s3], $0x10, $0x38;
	[tilespmem:$0x8600] =	vst v63  }
0x3a7: {  	s21 =	sadd.s32 $0x3500, s22;
	s23 =	sadd.s32 $0x20, s14  }
0x3a8: {  	[tilespmem:s21], [sflag:$0x1] =	stream.linear.gather [hbm4b:s23+s3], $0x10, $0x38;
	[tilespmem:$0x8600] =	vst v63  }
0x3a9: {  	s24 =	sadd.s32 $0x30, s14  }
0x3aa: {  	[tilespmem:s25], [sflag:$0x1] =	stream.linear.gather [hbm4b:s24+s3], $0x10, $0x38;
	[tilespmem:$0x8600] =	vst v63  }
0x3ab: {  	s26 =	sadd.s32 $0x40, s14;
	s28 =	sadd.s32 $0x3600, s22  }
0x3ac: {  	[tilespmem:s28], [sflag:$0x1] =	stream.linear.gather [hbm4b:s26+s3], $0x10, $0x38;
	[tilespmem:$0x8600] =	vst v63  }
0x3ad: {  	s29 =	sadd.s32 $0x50, s14;
	s30 =	sadd.s32 $0x3680, s22  }
0x3ae: {  	[tilespmem:s30], [sflag:$0x1] =	stream.linear.gather [hbm4b:s29+s3], $0x10, $0x38;
	[tilespmem:$0x8600] =	vst v63  }
0x3af: {  	s4 =	sadd.s32 $0x60, s14;
	s5 =	sadd.s32 $0x3700, s22  }
0x3b0: {  	[tilespmem:s5], [sflag:$0x1] =	stream.linear.gather [hbm4b:s4+s3], $0x10, $0x38;
	[tilespmem:$0x8600] =	vst v63  }
0x3b1: {  	s6 =	sadd.s32 $0x70, s14;
	s7 =	sadd.s32 $0x3780, s22  }
0x3b2: {  	[tilespmem:s7], [sflag:$0x1] =	stream.linear.gather [hbm4b:s6+s3], $0x10, $0x38;
	[tilespmem:$0x8600] =	vst v63  }
0x3b3: {  	s8 =	sadd.s32 $0x2DC780, s2;
	s9 =	sadd.s32 $0x3C00, s22  }
0x3b4: {  	[tilespmem:s9], [sflag:$0x1] =	stream.linear.gather [hbm4b:s8+s3], $0x10, $0x38;
	[tilespmem:$0x8600] =	vst v63  }
0x3b5: {  	s10 =	sadd.s32 $0x10, s8;
	s11 =	sadd.s32 $0x3C80, s22  }
0x3b6: {  	[tilespmem:s11], [sflag:$0x1] =	stream.linear.gather [hbm4b:s10+s3], $0x10, $0x38;
	[tilespmem:$0x8600] =	vst v63  }
0x3b7: {  	s14 =	sadd.s32 $0x20, s8;
	s17 =	sadd.s32 $0x3D00, s22  }
0x3b8: {  	[tilespmem:s17], [sflag:$0x1] =	stream.linear.gather [hbm4b:s14+s3], $0x10, $0x38;
	[tilespmem:$0x8600] =	vst v63  }
0x3b9: {  	s18 =	sadd.s32 $0x30, s8;
	s21 =	sadd.s32 $0x3D80, s22  }
0x3ba: {  	[tilespmem:s21], [sflag:$0x1] =	stream.linear.gather [hbm4b:s18+s3], $0x10, $0x38;
	[tilespmem:$0x8600] =	vst v63  }
0x3bb: {  	s23 =	sadd.s32 $0x40, s8;
	s24 =	sadd.s32 $0x3E00, s22  }
0x3bc: {  	[tilespmem:s24], [sflag:$0x1] =	stream.linear.gather [hbm4b:s23+s3], $0x10, $0x38;
	[tilespmem:$0x8600] =	vst v63  }
0x3bd: {  	s25 =	sadd.s32 $0x50, s8;
	s26 =	sadd.s32 $0x3E80, s22  }
0x3be: {  	[tilespmem:s26], [sflag:$0x1] =	stream.linear.gather [hbm4b:s25+s3], $0x10, $0x38;
	[tilespmem:$0x8600] =	vst v63  }
0x3bf: {  	s28 =	sadd.s32 $0x60, s8;
	s29 =	sadd.s32 $0x3F00, s22  }
0x3c0: {  	[tilespmem:s29], [sflag:$0x1] =	stream.linear.gather [hbm4b:s28+s3], $0x10, $0x38;
	[tilespmem:$0x8600] =	vst v63  }
0x3c1: {  	s1 =	rddreg [dreg:$0xc];
	s0 =	sadd.s32 $0x70, s8;
	s30 =	sadd.s32 $0x3F80, s22  }
0x3c2: {  	[tilespmem:s30], [sflag:$0x1] =	stream.linear.gather [hbm4b:s0+s3], $0x10, $0x38;
	[tilespmem:$0x8600] =	vst v63  }
.LBB2_12:
0x3c3: {  	s0 =	simm.s32 $0x2  }
0x3c4: {  	_ =	swait.ge [sflag:s0], $0x4000  }
0x3c5: {  	[sflag:s0] =	ssyncset.done $0x0  }
0x3c6: {  	s5 =	rddreg [dreg:$0xd];
	[sflag:s0] =	ssyncadd.s32 $0xFFFFC000  }
0x3c7: {  	v8 =	vld [tilespmem:s5+$0x0]  }
0x3c8: {  	v9 =	vld [tilespmem:s5+$0x200];
	_ =	sdelay $0x3  }
0x3c9: {  	v8 =	vand.u32 $0xF, v8  }
0x3ca: {  	s30 =	simm.s32 $0x0;
	v25 =	vand.u32 $0xF, v9;
	v22 =	vor.u32 v0, v8  }
0x3cb: {  	v23 =	vor.u32 v0, v25;
	v10 =	vor.u32 s30, v22  }
0x3cc: {  	v20 =	vor.u32 v1, v8;
	v11 =	vor.u32 s30, v23  }
0x3cd: {  	v21 =	vor.u32 v1, v25;
	v12 =	vor.u32 s30, v20  }
0x3ce: {  	v19 =	vor.u32 v2, v8;
	v15 =	vor.u32 s30, v21  }
0x3cf: {  	v17 =	vor.u32 v2, v25;
	v16 =	vor.u32 s30, v19  }
0x3d0: {  	v9 =	vor.u32 v3, v8;
	v18 =	vor.u32 s30, v17;
	v26 =	vld.idx.msk [tilespmem:v10+s15+$0x0], $0xffff  }
0x3d1: {  	v13 =	vor.u32 v3, v25;
	v24 =	vor.u32 s30, v9;
	v27 =	vld.idx.msk [tilespmem:v11+s16+$0x0], $0xffff  }
0x3d2: {  	v10 =	vor.u32 v4, v8;
	v28 =	vld.idx.msk [tilespmem:v12+s15+$0x0], $0xffff;
	v12 =	vor.u32 s30, v13  }
0x3d3: {  	v14 =	vor.u32 v4, v25;
	v29 =	vld.idx.msk [tilespmem:v15+s16+$0x0], $0xffff;
	v30 =	vor.u32 s30, v10  }
0x3d4: {  	v31 =	vor.u32 s30, v14;
	v11 =	vor.u32 v5, v8;
	v36 =	vld.idx.msk [tilespmem:v16+s15+$0x0], $0xffff  }
0x3d5: {  	v32 =	vimm.f32 $0.0e+00;
	v15 =	vor.u32 v5, v25;
	v37 =	vld.idx.msk [tilespmem:v18+s16+$0x0], $0xffff;
	v35 =	vor.u32 s30, v11  }
0x3d6: {  	v24 =	vld.idx.msk [tilespmem:v24+s15+$0x0], $0xffff;
	v18 =	vor.u32 v6, v8;
	v38 =	vor.u32 s30, v15;
	v26 =	vmul.f32 v27, v26  }
0x3d7: {  	v16 =	vor.u32 v6, v25;
	v33 =	vor.u32 s30, v18;
	v27 =	vld.idx.msk [tilespmem:v12+s16+$0x0], $0xffff;
	v12 =	vor.u32 v7, v8  }
0x3d8: {  	v8 =	vor.u32 v7, v25;
	v25 =	vld.idx.msk [tilespmem:v30+s15+$0x0], $0xffff;
	v30 =	vadd.f32 v26, v32;
	v32 =	vor.u32 s30, v16  }
0x3d9: {  	v39 =	vmul.f32 v29, v28;
	v28 =	vld.idx.msk [tilespmem:v31+s16+$0x0], $0xffff;
	v34 =	vor.u32 s30, v12  }
0x3da: {  	s2 =	simm.s32 $0x800;
	v29 =	vor.u32 s30, v8;
	v26 =	vld.idx.msk [tilespmem:v35+s15+$0x0], $0xffff  }
0x3db: {  	s4 =	simm.s32 $0x2;
	v31 =	vor.u32 s2, v22;
	v36 =	vmul.f32 v37, v36;
	v35 =	vadd.f32 v39, v30;
	v30 =	vld.idx.msk [tilespmem:v38+s16+$0x0], $0xffff  }
.LBB2_13:
0x3dc: {  	p0 =	sne.s32 s4, $0x3;
	v37 =	vor.u32 s2, v23;
	v33 =	vld.idx.msk [tilespmem:v33+s15+$0x0], $0xffff  }
0x3dd: {  	v38 =	vor.u32 s2, v20;
	v24 =	vmul.f32 v27, v24;
	v35 =	vadd.f32 v36, v35;
	v27 =	vld.idx.msk [tilespmem:v32+s16+$0x0], $0xffff  }
0x3de: {  	v32 =	vor.u32 s2, v21;
	v34 =	vld.idx.msk [tilespmem:v34+s15+$0x0], $0xffff  }
0x3df: {  	v36 =	vor.u32 s2, v19;
	v25 =	vmul.f32 v28, v25;
	v24 =	vadd.f32 v24, v35;
	v28 =	vld.idx.msk [tilespmem:v29+s16+$0x0], $0xffff  }
0x3e0: {  	v29 =	vld.idx.msk [tilespmem:v31+s15+$0x0], $0xffff;
	v31 =	vor.u32 s2, v17  }
0x3e1: {  	v35 =	vld.idx.msk [tilespmem:v37+s16+$0x0], $0xffff;
	v37 =	vor.u32 s2, v9;
	v24 =	vadd.f32 v25, v24;
	v25 =	vmul.f32 v30, v26  }
0x3e2: {  	v30 =	vor.u32 s2, v13;
	v26 =	vld.idx.msk [tilespmem:v38+s15+$0x0], $0xffff  }
0x3e3: {  	v38 =	vld.idx.msk [tilespmem:v32+s16+$0x0], $0xffff;
	v32 =	vor.u32 s2, v10;
	v24 =	vadd.f32 v25, v24;
	v25 =	vmul.f32 v27, v33  }
0x3e4: {  	v39 =	vor.u32 s2, v14;
	v36 =	vld.idx.msk [tilespmem:v36+s15+$0x0], $0xffff  }
0x3e5: {  	v28 =	vmul.f32 v28, v34;
	v40 =	vld.idx.msk [tilespmem:v31+s16+$0x0], $0xffff;
	v31 =	vor.u32 s2, v11;
	v25 =	vadd.f32 v25, v24  }
0x3e6: {  	v24 =	vld.idx.msk [tilespmem:v37+s15+$0x0], $0xffff;
	v37 =	vor.u32 s2, v15  }
.Ltmp5:
0x3e7: {  	v33 =	vor.u32 s2, v18;
	v29 =	vmul.f32 v35, v29;
	v27 =	vld.idx.msk [tilespmem:v30+s16+$0x0], $0xffff;
	v28 =	vadd.f32 v28, v25;
	(pc) =	sbr.rel @p0 .LBB2_13-.Ltmp5, $4  }
0x3e8: {  	v25 =	vld.idx.msk [tilespmem:v32+s15+$0x0], $0xffff;
	v32 =	vor.u32 s2, v16  }
0x3e9: {  	v34 =	vor.u32 s2, v12;
	v35 =	vmul.f32 v38, v26;
	v30 =	vadd.f32 v29, v28;
	v28 =	vld.idx.msk [tilespmem:v39+s16+$0x0], $0xffff  }
0x3ea: {  	v29 =	vor.u32 s2, v8;
	s2 =	sshll.u32 s4, $0xB;
	v26 =	vld.idx.msk [tilespmem:v31+s15+$0x0], $0xffff  }
0x3eb: {  	s4 =	sadd.s32 $0x1, s4;
	v31 =	vor.u32 s2, v22;
	v36 =	vmul.f32 v40, v36;
	v35 =	vadd.f32 v35, v30;
	v30 =	vld.idx.msk [tilespmem:v37+s16+$0x0], $0xffff  }
0x3ec: {  	_ =	sdelay $0x3  }
0x3ed: {  	v22 =	vor.u32 s2, v23;
	v53 =	vld.idx.msk [tilespmem:v33+s15+$0x0], $0xffff;
	v24 =	vmul.f32 v27, v24;
	v54 =	vadd.f32 v36, v35  }
0x3ee: {  	v20 =	vor.u32 s2, v20;
	v55 =	vld.idx.msk [tilespmem:v32+s16+$0x0], $0xffff  }
0x3ef: {  	v21 =	vor.u32 s2, v21;
	v56 =	vld.idx.msk [tilespmem:v34+s15+$0x0], $0xffff;
	v25 =	vmul.f32 v28, v25;
	v24 =	vadd.f32 v24, v54  }
0x3f0: {  	v19 =	vor.u32 s2, v19;
	v57 =	vld.idx.msk [tilespmem:v29+s16+$0x0], $0xffff  }
0x3f1: {  	v58 =	vld.idx.msk [tilespmem:v31+s15+$0x0], $0xffff;
	v17 =	vor.u32 s2, v17;
	v59 =	vmul.f32 v30, v26;
	v24 =	vadd.f32 v25, v24  }
0x3f2: {  	v9 =	vor.u32 s2, v9;
	v22 =	vld.idx.msk [tilespmem:v22+s16+$0x0], $0xffff  }
0x3f3: {  	v13 =	vor.u32 s2, v13;
	v20 =	vld.idx.msk [tilespmem:v20+s15+$0x0], $0xffff;
	v23 =	vmul.f32 v55, v53;
	v24 =	vadd.f32 v59, v24  }
0x3f4: {  	v10 =	vor.u32 s2, v10;
	v21 =	vld.idx.msk [tilespmem:v21+s16+$0x0], $0xffff  }
0x3f5: {  	v14 =	vor.u32 s2, v14;
	v19 =	vld.idx.msk [tilespmem:v19+s15+$0x0], $0xffff;
	v60 =	vmul.f32 v57, v56;
	v23 =	vadd.f32 v23, v24  }
0x3f6: {  	v11 =	vor.u32 s2, v11;
	v17 =	vld.idx.msk [tilespmem:v17+s16+$0x0], $0xffff  }
0x3f7: {  	v15 =	vor.u32 s2, v15;
	v9 =	vld.idx.msk [tilespmem:v9+s15+$0x0], $0xffff;
	v22 =	vmul.f32 v22, v58;
	v23 =	vadd.f32 v60, v23  }
0x3f8: {  	v18 =	vor.u32 s2, v18;
	v13 =	vld.idx.msk [tilespmem:v13+s16+$0x0], $0xffff  }
0x3f9: {  	v16 =	vor.u32 s2, v16;
	v10 =	vld.idx.msk [tilespmem:v10+s15+$0x0], $0xffff;
	v20 =	vmul.f32 v21, v20;
	v22 =	vadd.f32 v22, v23  }
0x3fa: {  	v12 =	vor.u32 s2, v12;
	v14 =	vld.idx.msk [tilespmem:v14+s16+$0x0], $0xffff  }
0x3fb: {  	v8 =	vor.u32 s2, v8;
	v11 =	vld.idx.msk [tilespmem:v11+s15+$0x0], $0xffff;
	v17 =	vmul.f32 v17, v19;
	v20 =	vadd.f32 v20, v22  }
0x3fc: {  	v15 =	vld.idx.msk [tilespmem:v15+s16+$0x0], $0xffff  }
0x3fd: {  	v18 =	vld.idx.msk [tilespmem:v18+s15+$0x0], $0xffff;
	v9 =	vmul.f32 v13, v9;
	v17 =	vadd.f32 v17, v20  }
0x3fe: {  	v61 =	vld.idx.msk [tilespmem:v16+s16+$0x0], $0xffff  }
0x3ff: {  	v12 =	vld.idx.msk [tilespmem:v12+s15+$0x0], $0xffff;
	v10 =	vmul.f32 v14, v10;
	v9 =	vadd.f32 v9, v17  }
0x400: {  	v8 =	vld.idx.msk [tilespmem:v8+s16+$0x0], $0xffff  }
0x401: {  	v62 =	vmul.f32 v15, v11;
	v9 =	vadd.f32 v10, v9;
	_ =	sdelay $0x1  }
0x402: {  	s1 =	sadd.s32 $0x1, s1;
	v63 =	vmul.f32 v61, v18;
	v9 =	vadd.f32 v62, v9  }
0x403: {  	p0 =	sne.s32 s1, $0x10  }
.Ltmp6:
0x404: {  	v8 =	vmul.f32 v8, v12;
	v9 =	vadd.f32 v63, v9;
	(pc) =	sbr.rel @p0 .LBB2_4-.Ltmp6, $3  }
0x405: {  	_ = 	snop  }
0x406: {  	v8 =	vadd.f32 v8, v9;
	_ =	sdelay $0x1  }
0x407: {  	[tilespmem:s5+$0x8400] =	vst v8  }
0x408: {  	s0 =	rddreg [dreg:$0x9];
	s1 =	simm.s32 $0x8400  }
0x409: {  	[hbm4b:s0+s3] =	stream.linear.scatter [tilespmem:s1], [sflag:$0x3], $0x200, $0x38;
	[tilespmem:$0x8600] =	vst v63  }
0x40a: {  	s1 =	simm.s32 $0x3  }
0x40b: {  	_ =	swait.ge [sflag:s1], $0x200  }
0x40c: {  	s2 =	rddreg [dreg:$0xb]  }
0x40d: {  	s30 =	rddreg [dreg:$0xa];
	s2 =	sadd.s32 $0x1, s2  }
0x40e: {  	p0 =	sne.s32 s2, s30  }
.Ltmp7:
0x40f: {  	_ = 	snop;
	(pc) =	sbr.rel @p0 .LBB2_1-.Ltmp7, $3  }
0x410: {  	_ =	sdelay $0x1  }
0x411: {  	[sflag:s1] =	ssyncset.done $0x0  }
0x412: {  	[sflag:s1] =	ssyncadd.s32 $0xFFFFFE00  }
0x413: {  	_ =	sfence.sel $0x180000  }
0x414: {  	[bflag:$0x0] =	sbarrier.arrive $0xFFFF  }
0x415: {  	_ =	strace $0x90000047  }
0x416: {  	s0 =	stileid.u32;
	[bflag:$0x2] =	sbarrier.arrive $0xFFFF  }
0x417: {  	p0 =	sne.s32 s0, $0x0;
	s0 =	rddreg [dreg:$0x5]  }
0x418: {  	s0 =	sadd.s32 @!p0 $0x100000, s0  }
0x419: {  	[sflag:s0] =	ssyncadd.tile.s32 @!p0 $0x1;
	_ =	shalt  }
.Lfunc_end2:
_tile_overlayer_lowered:
.L_overlay_start_2:
0x41a: {  	(tag) =	ssettag $0x2  }
0x41b: {  	s0 =	rddreg [dreg:$0x0];
	s2 =	stileid.u32  }
0x41c: {  	s1 =	rddreg [dreg:$0x1];
	p0 =	sne.s32 s2, $0x0  }
0x41d: {  	s3 =	rddreg [dreg:$0x2];
	[bflag:$0x3] =	sbarrier.arrive $0xFFFF;
	s2 =	simm.s32 @!p0 $0x1C03  }
0x41e: {  	[timem:s3], [sflag:s2] =	dma.local @!p0 [hbm:s0], s1  }
0x41f: {  	s0 =	simm.s32 @!p0 $0x3  }
0x420: {  	_ =	swait.ge @!p0 [sflag:s0], s1  }
0x421: {  	s1 =	ssub.s32 @!p0 $0x0, s1;
	[sflag:s0] =	ssyncset.done @!p0 $0x0  }
0x422: {  	[sflag:s0] =	ssyncadd.s32 @!p0 s1  }
0x423: {  	[bflag:$0x3] =	sbarrier.arrive $0xFFFF  }
0x424: {  	_ =	shalt  }

</sc_bundles>
